<compile_context>
chip_gen: v7x
topology: tpu7x:2x2x1
jax: 0.10.2.dev20260603
libtpu: 0.0.44.dev20260713+nightly
codegen_flags: <defaults>
</compile_context>

<pallas_src>
import jax
import jax.numpy as jnp
from jax import lax
from jax.experimental import pallas as pl
from jax.experimental.pallas import tpu as pltpu
from jax.experimental.pallas import tpu_sc as plsc


def _sc_build_mt(idx_hbm, w_hbm, mt_hbm, idx_v, w_v, mt_v):
    cid = lax.axis_index("c")
    sid = lax.axis_index("s")

    @pl.when(jnp.logical_and(cid == 0, sid == 0))
    def _():
        pltpu.sync_copy(idx_hbm, idx_v)
        pltpu.sync_copy(w_hbm, w_v)
        zeros = jnp.zeros((16,), jnp.float32)
        for r in range(32):
            for c16 in range(2):
                mt_v[r, pl.ds(c16 * 16, 16)] = zeros
        wvec = w_v[...]
        wks = [wvec[k] for k in range(4)]
        for hc in range(2):
            idx_vecs = [idx_v[pl.ds(k * 32 + hc * 16, 16)] for k in range(4)]
            for r in range(32):
                acc = zeros
                for k in range(4):
                    acc = acc + jnp.where(idx_vecs[k] == r, wks[k], 0.0)
                mt_v[r, pl.ds(hc * 16, 16)] = acc
        pltpu.sync_copy(mt_v, mt_hbm)


def _build_mt_sc(idx_flat, w_pad):
    mesh = plsc.VectorSubcoreMesh(core_axis_name="c", subcore_axis_name="s")
    f = pl.kernel(
        _sc_build_mt,
        out_type=jax.ShapeDtypeStruct((32, 128), jnp.float32),
        mesh=mesh,
        scratch_types=[
            pltpu.VMEM((128,), jnp.int32),
            pltpu.VMEM((16,), jnp.float32),
            pltpu.VMEM((32, 128), jnp.float32),
        ],
    )
    return f(idx_flat, w_pad)


def _fused_kernel(mtw_ref, lam_ref, x_ref, o_ref, at_ref):
    i = pl.program_id(0)
    j = pl.program_id(1)

    @pl.when(jnp.logical_and(i == 0, j == 0))
    def _power():
        h = at_ref.shape[0]
        mt = mtw_ref[:, 0:h]
        mt5 = mt
        for _ in range(4):
            mt5 = jnp.dot(mt, mt5, preferred_element_type=jnp.float32)
        lam = lam_ref[0, 0]
        at_ref[...] = (lam * lam * lam * lam * lam) * mt5

    h, wblk, c = x_ref.shape
    x2 = x_ref[...].reshape(h, wblk * c)
    ob = jax.lax.dot_general(
        at_ref[...], x2, (((0,), (0,)), ((), ())),
        preferred_element_type=jnp.float32)
    o_ref[...] = ob.reshape(h, wblk, c)


def kernel(inputs, ind1, w1, lambda1):
    b, h, w, c = inputs.shape
    k_fan = ind1.shape[0]

    idx_flat = ind1[..., 0].astype(jnp.int32).reshape(k_fan * h)
    w_pad = jnp.pad(w1.reshape(k_fan).astype(jnp.float32), (0, 16 - k_fan))
    lam = lambda1.reshape(1, 1).astype(jnp.float32)

    mtw = _build_mt_sc(idx_flat, w_pad)

    wblk = 256
    x3 = inputs.reshape(b * h, w, c)
    out3 = pl.pallas_call(
        _fused_kernel,
        grid=(b, w // wblk),
        in_specs=[
            pl.BlockSpec(memory_space=pltpu.VMEM),
            pl.BlockSpec(memory_space=pltpu.SMEM),
            pl.BlockSpec((h, wblk, c), lambda i, j: (i, j, 0)),
        ],
        out_specs=pl.BlockSpec((h, wblk, c), lambda i, j: (i, j, 0)),
        out_shape=jax.ShapeDtypeStruct((b * h, w, c), jnp.float32),
        scratch_shapes=[pltpu.VMEM((h, h), jnp.float32)],
    )(mtw, lam, x3)

    return out3.reshape(b, h, w, c)

# --- scband reference (transcript-rebuilt; emitter-appended) ---
"""Pipeline reference for scband-gather-model-11879879543385 (READ-ONLY COPY).

The authoritative reference and input builder live on the scoring server;
editing this copy changes nothing except your own understanding.
"""

import jax, jax.numpy as jnp
import numpy as np

K, H, W, C, B = 4, 32, 256, 128, 4


def setup_inputs(seed: int = 0) -> dict:
    key = jax.random.key(seed)
    k1, = jax.random.split(key, 1)
    inputs = jax.random.normal(k1, (B, H, W, C), dtype=jnp.float32)
    # ind1: [K, H, 1] gather indices, row k is a cyclic shift of arange(H) by 8*k
    ind1 = jnp.array([[(h + 8 * k) % H for h in range(H)] for k in range(K)], dtype=jnp.int32)[..., None]
    # w1: [K, 1, 1, 1, 1] per-fan-in weights (cast to float32 like the TF module)
    w1 = jnp.array([0.25, 0.5, -0.25, 0.5], dtype=jnp.float32).reshape(K, 1, 1, 1, 1)
    # lambda1: trainable scalar initialized to 0.1
    lambda1 = jnp.array(0.1, dtype=jnp.float32)
    return {"inputs": inputs, "ind1": ind1, "w1": w1, "lambda1": lambda1}


def reference(inputs, ind1, w1, lambda1):
    # Faithful translation of GatherModel.__call__
    idx = ind1[..., 0]  # [K, H]; gather_nd with trailing index depth 1 == take along axis 0
    y = inputs
    for _ in range(5):
        y = jnp.transpose(y, (1, 2, 3, 0))      # [H, W, C, B]
        y = jnp.take(y * 1.0, idx, axis=0)      # [K, H, W, C, B]  (tf.gather_nd)
        y = y * w1                              # broadcast weights over fan-in
        y = jnp.sum(y, axis=0)                  # [H, W, C, B]     (tf.reduce_sum axis 0)
        y = jnp.transpose(y, (3, 0, 1, 2))      # [B, H, W, C]
        y = lambda1 * y
    return y

if __name__ == "__main__":
    import jax
    _d = setup_inputs()
    print(jax.jit(kernel)(*tuple(_d.values())))

</pallas_src>

<mosaic_0001>
#map = affine_map<(d0, d1) -> (0)>
#map1 = affine_map<(d0, d1) -> (0, 0)>
module attributes {stable_mosaic.version = 14 : i64} {
  func.func @_sc_build_mt(%arg0: i32, %arg1: i32, %arg2: memref<128xi32, #tpu.memory_space<hbm>>, %arg3: memref<16xf32, #tpu.memory_space<hbm>>, %arg4: memref<32x128xf32, #tpu.memory_space<hbm>>, %arg5: memref<128xi32, #tpu.memory_space<vmem>>, %arg6: memref<16xf32, #tpu.memory_space<vmem>>, %arg7: memref<32x128xf32, #tpu.memory_space<vmem>>) attributes {dimension_semantics = [#tpu.dimension_semantics<core_parallel>, #tpu.dimension_semantics<subcore_parallel>], iteration_bounds = array<i64: 2, 16>, scalar_prefetch = 0 : i64, scratch_operands = 3 : i64, tpu.core_type = #tpu.core_type<sc_vector_subcore>, window_params = [{transform_indices = #map}, {transform_indices = #map}, {transform_indices = #map1}]} {
    %eq3A = arith.constant 0 : i32
    %eq3A_0 = arith.cmpi eq, %arg0, %eq3A : i32
    %eq3A_1 = arith.constant 0 : i32
    %eq3A_2 = arith.cmpi eq, %arg1, %eq3A_1 : i32
    %and3A = arith.andi %eq3A_0, %eq3A_2 : i1
    %convert_element_type3A = arith.extui %and3A : i1 to i32
    %cond3A = arith.constant 0 : i32
    %cond3A_3 = arith.cmpi ne, %convert_element_type3A, %cond3A : i32
    scf.if %cond3A_3 {
      "tpu.region"() ({
        %run_scoped3A = tpu.sem_alloc : memref<!tpu.dma_semaphore, #tpu.memory_space<semaphore_mem>>
        tpu.enqueue_dma source(%arg2 : memref<128xi32, #tpu.memory_space<hbm>>) target(%arg5 : memref<128xi32, #tpu.memory_space<vmem>>) target_semaphore(%run_scoped3A : memref<!tpu.dma_semaphore, #tpu.memory_space<semaphore_mem>>)
        tpu.wait_dma2 semaphore(%run_scoped3A : memref<!tpu.dma_semaphore, #tpu.memory_space<semaphore_mem>>) src(%arg2 : memref<128xi32, #tpu.memory_space<hbm>>) dst(%arg5 : memref<128xi32, #tpu.memory_space<vmem>>)
        tpu.yield
      }) : () -> ()
      "tpu.region"() ({
        %run_scoped3A = tpu.sem_alloc : memref<!tpu.dma_semaphore, #tpu.memory_space<semaphore_mem>>
        tpu.enqueue_dma source(%arg3 : memref<16xf32, #tpu.memory_space<hbm>>) target(%arg6 : memref<16xf32, #tpu.memory_space<vmem>>) target_semaphore(%run_scoped3A : memref<!tpu.dma_semaphore, #tpu.memory_space<semaphore_mem>>)
        tpu.wait_dma2 semaphore(%run_scoped3A : memref<!tpu.dma_semaphore, #tpu.memory_space<semaphore_mem>>) src(%arg3 : memref<16xf32, #tpu.memory_space<hbm>>) dst(%arg6 : memref<16xf32, #tpu.memory_space<vmem>>)
        tpu.yield
      }) : () -> ()
      %broadcast_in_dim3A = arith.constant 0.000000e+00 : f32
      %broadcast_in_dim3A_4 = vector.broadcast %broadcast_in_dim3A : f32 to vector<16xf32>
      %swap3A = arith.constant 0 : i32
      %swap3A_5 = arith.index_cast %swap3A : i32 to index
      %swap3A_6 = arith.constant 0 : index
      %swap3A_7 = tpu.vector_load %arg7[%swap3A_5, %swap3A_6] {strides = array<i32>} : memref<32x128xf32, #tpu.memory_space<vmem>>, vector<1x16xf32>,
      %swap3A_8 = vector.shape_cast %swap3A_7 : vector<1x16xf32> to vector<16xf32>
      %swap3A_9 = vector.shape_cast %broadcast_in_dim3A_4 : vector<16xf32> to vector<1x16xf32>
      tpu.vector_store %arg7[%swap3A_5, %swap3A_6], %swap3A_9 {strides = array<i32>} : memref<32x128xf32, #tpu.memory_space<vmem>>, vector<1x16xf32>,
      %swap3A_10 = arith.constant 0 : i32
      %swap3A_11 = arith.index_cast %swap3A_10 : i32 to index
      %swap3A_12 = arith.constant 16 : index
      %swap3A_13 = tpu.vector_load %arg7[%swap3A_11, %swap3A_12] {strides = array<i32>} : memref<32x128xf32, #tpu.memory_space<vmem>>, vector<1x16xf32>,
      %swap3A_14 = vector.shape_cast %swap3A_13 : vector<1x16xf32> to vector<16xf32>
      %swap3A_15 = vector.shape_cast %broadcast_in_dim3A_4 : vector<16xf32> to vector<1x16xf32>
      tpu.vector_store %arg7[%swap3A_11, %swap3A_12], %swap3A_15 {strides = array<i32>} : memref<32x128xf32, #tpu.memory_space<vmem>>, vector<1x16xf32>,
      %swap3A_16 = arith.constant 1 : i32
      %swap3A_17 = arith.index_cast %swap3A_16 : i32 to index
      %swap3A_18 = arith.constant 0 : index
      %swap3A_19 = tpu.vector_load %arg7[%swap3A_17, %swap3A_18] {strides = array<i32>} : memref<32x128xf32, #tpu.memory_space<vmem>>, vector<1x16xf32>,
      %swap3A_20 = vector.shape_cast %swap3A_19 : vector<1x16xf32> to vector<16xf32>
      %swap3A_21 = vector.shape_cast %broadcast_in_dim3A_4 : vector<16xf32> to vector<1x16xf32>
      tpu.vector_store %arg7[%swap3A_17, %swap3A_18], %swap3A_21 {strides = array<i32>} : memref<32x128xf32, #tpu.memory_space<vmem>>, vector<1x16xf32>,
      %swap3A_22 = arith.constant 1 : i32
      %swap3A_23 = arith.index_cast %swap3A_22 : i32 to index
      %swap3A_24 = arith.constant 16 : index
      %swap3A_25 = tpu.vector_load %arg7[%swap3A_23, %swap3A_24] {strides = array<i32>} : memref<32x128xf32, #tpu.memory_space<vmem>>, vector<1x16xf32>,
      %swap3A_26 = vector.shape_cast %swap3A_25 : vector<1x16xf32> to vector<16xf32>
      %swap3A_27 = vector.shape_cast %broadcast_in_dim3A_4 : vector<16xf32> to vector<1x16xf32>
      tpu.vector_store %arg7[%swap3A_23, %swap3A_24], %swap3A_27 {strides = array<i32>} : memref<32x128xf32, #tpu.memory_space<vmem>>, vector<1x16xf32>,
      %swap3A_28 = arith.constant 2 : i32
      %swap3A_29 = arith.index_cast %swap3A_28 : i32 to index
      %swap3A_30 = arith.constant 0 : index
      %swap3A_31 = tpu.vector_load %arg7[%swap3A_29, %swap3A_30] {strides = array<i32>} : memref<32x128xf32, #tpu.memory_space<vmem>>, vector<1x16xf32>,
      %swap3A_32 = vector.shape_cast %swap3A_31 : vector<1x16xf32> to vector<16xf32>
      %swap3A_33 = vector.shape_cast %broadcast_in_dim3A_4 : vector<16xf32> to vector<1x16xf32>
      tpu.vector_store %arg7[%swap3A_29, %swap3A_30], %swap3A_33 {strides = array<i32>} : memref<32x128xf32, #tpu.memory_space<vmem>>, vector<1x16xf32>,
      %swap3A_34 = arith.constant 2 : i32
      %swap3A_35 = arith.index_cast %swap3A_34 : i32 to index
      %swap3A_36 = arith.constant 16 : index
      %swap3A_37 = tpu.vector_load %arg7[%swap3A_35, %swap3A_36] {strides = array<i32>} : memref<32x128xf32, #tpu.memory_space<vmem>>, vector<1x16xf32>,
      %swap3A_38 = vector.shape_cast %swap3A_37 : vector<1x16xf32> to vector<16xf32>
      %swap3A_39 = vector.shape_cast %broadcast_in_dim3A_4 : vector<16xf32> to vector<1x16xf32>
      tpu.vector_store %arg7[%swap3A_35, %swap3A_36], %swap3A_39 {strides = array<i32>} : memref<32x128xf32, #tpu.memory_space<vmem>>, vector<1x16xf32>,
      %swap3A_40 = arith.constant 3 : i32
      %swap3A_41 = arith.index_cast %swap3A_40 : i32 to index
      %swap3A_42 = arith.constant 0 : index
      %swap3A_43 = tpu.vector_load %arg7[%swap3A_41, %swap3A_42] {strides = array<i32>} : memref<32x128xf32, #tpu.memory_space<vmem>>, vector<1x16xf32>,
      %swap3A_44 = vector.shape_cast %swap3A_43 : vector<1x16xf32> to vector<16xf32>
      %swap3A_45 = vector.shape_cast %broadcast_in_dim3A_4 : vector<16xf32> to vector<1x16xf32>
      tpu.vector_store %arg7[%swap3A_41, %swap3A_42], %swap3A_45 {strides = array<i32>} : memref<32x128xf32, #tpu.memory_space<vmem>>, vector<1x16xf32>,
      %swap3A_46 = arith.constant 3 : i32
      %swap3A_47 = arith.index_cast %swap3A_46 : i32 to index
      %swap3A_48 = arith.constant 16 : index
      %swap3A_49 = tpu.vector_load %arg7[%swap3A_47, %swap3A_48] {strides = array<i32>} : memref<32x128xf32, #tpu.memory_space<vmem>>, vector<1x16xf32>,
      %swap3A_50 = vector.shape_cast %swap3A_49 : vector<1x16xf32> to vector<16xf32>
      %swap3A_51 = vector.shape_cast %broadcast_in_dim3A_4 : vector<16xf32> to vector<1x16xf32>
      tpu.vector_store %arg7[%swap3A_47, %swap3A_48], %swap3A_51 {strides = array<i32>} : memref<32x128xf32, #tpu.memory_space<vmem>>, vector<1x16xf32>,
      %swap3A_52 = arith.constant 4 : i32
      %swap3A_53 = arith.index_cast %swap3A_52 : i32 to index
      %swap3A_54 = arith.constant 0 : index
      %swap3A_55 = tpu.vector_load %arg7[%swap3A_53, %swap3A_54] {strides = array<i32>} : memref<32x128xf32, #tpu.memory_space<vmem>>, vector<1x16xf32>,
      %swap3A_56 = vector.shape_cast %swap3A_55 : vector<1x16xf32> to vector<16xf32>
      %swap3A_57 = vector.shape_cast %broadcast_in_dim3A_4 : vector<16xf32> to vector<1x16xf32>
      tpu.vector_store %arg7[%swap3A_53, %swap3A_54], %swap3A_57 {strides = array<i32>} : memref<32x128xf32, #tpu.memory_space<vmem>>, vector<1x16xf32>,
      %swap3A_58 = arith.constant 4 : i32
      %swap3A_59 = arith.index_cast %swap3A_58 : i32 to index
      %swap3A_60 = arith.constant 16 : index
      %swap3A_61 = tpu.vector_load %arg7[%swap3A_59, %swap3A_60] {strides = array<i32>} : memref<32x128xf32, #tpu.memory_space<vmem>>, vector<1x16xf32>,
      %swap3A_62 = vector.shape_cast %swap3A_61 : vector<1x16xf32> to vector<16xf32>
      %swap3A_63 = vector.shape_cast %broadcast_in_dim3A_4 : vector<16xf32> to vector<1x16xf32>
      tpu.vector_store %arg7[%swap3A_59, %swap3A_60], %swap3A_63 {strides = array<i32>} : memref<32x128xf32, #tpu.memory_space<vmem>>, vector<1x16xf32>,
      %swap3A_64 = arith.constant 5 : i32
      %swap3A_65 = arith.index_cast %swap3A_64 : i32 to index
      %swap3A_66 = arith.constant 0 : index
      %swap3A_67 = tpu.vector_load %arg7[%swap3A_65, %swap3A_66] {strides = array<i32>} : memref<32x128xf32, #tpu.memory_space<vmem>>, vector<1x16xf32>,
      %swap3A_68 = vector.shape_cast %swap3A_67 : vector<1x16xf32> to vector<16xf32>
      %swap3A_69 = vector.shape_cast %broadcast_in_dim3A_4 : vector<16xf32> to vector<1x16xf32>
      tpu.vector_store %arg7[%swap3A_65, %swap3A_66], %swap3A_69 {strides = array<i32>} : memref<32x128xf32, #tpu.memory_space<vmem>>, vector<1x16xf32>,
      %swap3A_70 = arith.constant 5 : i32
      %swap3A_71 = arith.index_cast %swap3A_70 : i32 to index
      %swap3A_72 = arith.constant 16 : index
      %swap3A_73 = tpu.vector_load %arg7[%swap3A_71, %swap3A_72] {strides = array<i32>} : memref<32x128xf32, #tpu.memory_space<vmem>>, vector<1x16xf32>,
      %swap3A_74 = vector.shape_cast %swap3A_73 : vector<1x16xf32> to vector<16xf32>
      %swap3A_75 = vector.shape_cast %broadcast_in_dim3A_4 : vector<16xf32> to vector<1x16xf32>
      tpu.vector_store %arg7[%swap3A_71, %swap3A_72], %swap3A_75 {strides = array<i32>} : memref<32x128xf32, #tpu.memory_space<vmem>>, vector<1x16xf32>,
      %swap3A_76 = arith.constant 6 : i32
      %swap3A_77 = arith.index_cast %swap3A_76 : i32 to index
      %swap3A_78 = arith.constant 0 : index
      %swap3A_79 = tpu.vector_load %arg7[%swap3A_77, %swap3A_78] {strides = array<i32>} : memref<32x128xf32, #tpu.memory_space<vmem>>, vector<1x16xf32>,
      %swap3A_80 = vector.shape_cast %swap3A_79 : vector<1x16xf32> to vector<16xf32>
      %swap3A_81 = vector.shape_cast %broadcast_in_dim3A_4 : vector<16xf32> to vector<1x16xf32>
      tpu.vector_store %arg7[%swap3A_77, %swap3A_78], %swap3A_81 {strides = array<i32>} : memref<32x128xf32, #tpu.memory_space<vmem>>, vector<1x16xf32>,
      %swap3A_82 = arith.constant 6 : i32
      %swap3A_83 = arith.index_cast %swap3A_82 : i32 to index
      %swap3A_84 = arith.constant 16 : index
      %swap3A_85 = tpu.vector_load %arg7[%swap3A_83, %swap3A_84] {strides = array<i32>} : memref<32x128xf32, #tpu.memory_space<vmem>>, vector<1x16xf32>,
      %swap3A_86 = vector.shape_cast %swap3A_85 : vector<1x16xf32> to vector<16xf32>
      %swap3A_87 = vector.shape_cast %broadcast_in_dim3A_4 : vector<16xf32> to vector<1x16xf32>
      tpu.vector_store %arg7[%swap3A_83, %swap3A_84], %swap3A_87 {strides = array<i32>} : memref<32x128xf32, #tpu.memory_space<vmem>>, vector<1x16xf32>,
      %swap3A_88 = arith.constant 7 : i32
      %swap3A_89 = arith.index_cast %swap3A_88 : i32 to index
      %swap3A_90 = arith.constant 0 : index
      %swap3A_91 = tpu.vector_load %arg7[%swap3A_89, %swap3A_90] {strides = array<i32>} : memref<32x128xf32, #tpu.memory_space<vmem>>, vector<1x16xf32>,
      %swap3A_92 = vector.shape_cast %swap3A_91 : vector<1x16xf32> to vector<16xf32>
      %swap3A_93 = vector.shape_cast %broadcast_in_dim3A_4 : vector<16xf32> to vector<1x16xf32>
      tpu.vector_store %arg7[%swap3A_89, %swap3A_90], %swap3A_93 {strides = array<i32>} : memref<32x128xf32, #tpu.memory_space<vmem>>, vector<1x16xf32>,
      %swap3A_94 = arith.constant 7 : i32
      %swap3A_95 = arith.index_cast %swap3A_94 : i32 to index
      %swap3A_96 = arith.constant 16 : index
      %swap3A_97 = tpu.vector_load %arg7[%swap3A_95, %swap3A_96] {strides = array<i32>} : memref<32x128xf32, #tpu.memory_space<vmem>>, vector<1x16xf32>,
      %swap3A_98 = vector.shape_cast %swap3A_97 : vector<1x16xf32> to vector<16xf32>
      %swap3A_99 = vector.shape_cast %broadcast_in_dim3A_4 : vector<16xf32> to vector<1x16xf32>
      tpu.vector_store %arg7[%swap3A_95, %swap3A_96], %swap3A_99 {strides = array<i32>} : memref<32x128xf32, #tpu.memory_space<vmem>>, vector<1x16xf32>,
      %swap3A_100 = arith.constant 8 : i32
      %swap3A_101 = arith.index_cast %swap3A_100 : i32 to index
      %swap3A_102 = arith.constant 0 : index
      %swap3A_103 = tpu.vector_load %arg7[%swap3A_101, %swap3A_102] {strides = array<i32>} : memref<32x128xf32, #tpu.memory_space<vmem>>, vector<1x16xf32>,
      %swap3A_104 = vector.shape_cast %swap3A_103 : vector<1x16xf32> to vector<16xf32>
      %swap3A_105 = vector.shape_cast %broadcast_in_dim3A_4 : vector<16xf32> to vector<1x16xf32>
      tpu.vector_store %arg7[%swap3A_101, %swap3A_102], %swap3A_105 {strides = array<i32>} : memref<32x128xf32, #tpu.memory_space<vmem>>, vector<1x16xf32>,
      %swap3A_106 = arith.constant 8 : i32
      %swap3A_107 = arith.index_cast %swap3A_106 : i32 to index
      %swap3A_108 = arith.constant 16 : index
      %swap3A_109 = tpu.vector_load %arg7[%swap3A_107, %swap3A_108] {strides = array<i32>} : memref<32x128xf32, #tpu.memory_space<vmem>>, vector<1x16xf32>,
      %swap3A_110 = vector.shape_cast %swap3A_109 : vector<1x16xf32> to vector<16xf32>
      %swap3A_111 = vector.shape_cast %broadcast_in_dim3A_4 : vector<16xf32> to vector<1x16xf32>
      tpu.vector_store %arg7[%swap3A_107, %swap3A_108], %swap3A_111 {strides = array<i32>} : memref<32x128xf32, #tpu.memory_space<vmem>>, vector<1x16xf32>,
      %swap3A_112 = arith.constant 9 : i32
      %swap3A_113 = arith.index_cast %swap3A_112 : i32 to index
      %swap3A_114 = arith.constant 0 : index
      %swap3A_115 = tpu.vector_load %arg7[%swap3A_113, %swap3A_114] {strides = array<i32>} : memref<32x128xf32, #tpu.memory_space<vmem>>, vector<1x16xf32>,
      %swap3A_116 = vector.shape_cast %swap3A_115 : vector<1x16xf32> to vector<16xf32>
      %swap3A_117 = vector.shape_cast %broadcast_in_dim3A_4 : vector<16xf32> to vector<1x16xf32>
      tpu.vector_store %arg7[%swap3A_113, %swap3A_114], %swap3A_117 {strides = array<i32>} : memref<32x128xf32, #tpu.memory_space<vmem>>, vector<1x16xf32>,
      %swap3A_118 = arith.constant 9 : i32
      %swap3A_119 = arith.index_cast %swap3A_118 : i32 to index
      %swap3A_120 = arith.constant 16 : index
      %swap3A_121 = tpu.vector_load %arg7[%swap3A_119, %swap3A_120] {strides = array<i32>} : memref<32x128xf32, #tpu.memory_space<vmem>>, vector<1x16xf32>,
      %swap3A_122 = vector.shape_cast %swap3A_121 : vector<1x16xf32> to vector<16xf32>
      %swap3A_123 = vector.shape_cast %broadcast_in_dim3A_4 : vector<16xf32> to vector<1x16xf32>
      tpu.vector_store %arg7[%swap3A_119, %swap3A_120], %swap3A_123 {strides = array<i32>} : memref<32x128xf32, #tpu.memory_space<vmem>>, vector<1x16xf32>,
      %swap3A_124 = arith.constant 10 : i32
      %swap3A_125 = arith.index_cast %swap3A_124 : i32 to index
      %swap3A_126 = arith.constant 0 : index
      %swap3A_127 = tpu.vector_load %arg7[%swap3A_125, %swap3A_126] {strides = array<i32>} : memref<32x128xf32, #tpu.memory_space<vmem>>, vector<1x16xf32>,
      %swap3A_128 = vector.shape_cast %swap3A_127 : vector<1x16xf32> to vector<16xf32>
      %swap3A_129 = vector.shape_cast %broadcast_in_dim3A_4 : vector<16xf32> to vector<1x16xf32>
      tpu.vector_store %arg7[%swap3A_125, %swap3A_126], %swap3A_129 {strides = array<i32>} : memref<32x128xf32, #tpu.memory_space<vmem>>, vector<1x16xf32>,
      %swap3A_130 = arith.constant 10 : i32
      %swap3A_131 = arith.index_cast %swap3A_130 : i32 to index
      %swap3A_132 = arith.constant 16 : index
      %swap3A_133 = tpu.vector_load %arg7[%swap3A_131, %swap3A_132] {strides = array<i32>} : memref<32x128xf32, #tpu.memory_space<vmem>>, vector<1x16xf32>,
      %swap3A_134 = vector.shape_cast %swap3A_133 : vector<1x16xf32> to vector<16xf32>
      %swap3A_135 = vector.shape_cast %broadcast_in_dim3A_4 : vector<16xf32> to vector<1x16xf32>
      tpu.vector_store %arg7[%swap3A_131, %swap3A_132], %swap3A_135 {strides = array<i32>} : memref<32x128xf32, #tpu.memory_space<vmem>>, vector<1x16xf32>,
      %swap3A_136 = arith.constant 11 : i32
      %swap3A_137 = arith.index_cast %swap3A_136 : i32 to index
      %swap3A_138 = arith.constant 0 : index
      %swap3A_139 = tpu.vector_load %arg7[%swap3A_137, %swap3A_138] {strides = array<i32>} : memref<32x128xf32, #tpu.memory_space<vmem>>, vector<1x16xf32>,
      %swap3A_140 = vector.shape_cast %swap3A_139 : vector<1x16xf32> to vector<16xf32>
      %swap3A_141 = vector.shape_cast %broadcast_in_dim3A_4 : vector<16xf32> to vector<1x16xf32>
      tpu.vector_store %arg7[%swap3A_137, %swap3A_138], %swap3A_141 {strides = array<i32>} : memref<32x128xf32, #tpu.memory_space<vmem>>, vector<1x16xf32>,
      %swap3A_142 = arith.constant 11 : i32
      %swap3A_143 = arith.index_cast %swap3A_142 : i32 to index
      %swap3A_144 = arith.constant 16 : index
      %swap3A_145 = tpu.vector_load %arg7[%swap3A_143, %swap3A_144] {strides = array<i32>} : memref<32x128xf32, #tpu.memory_space<vmem>>, vector<1x16xf32>,
      %swap3A_146 = vector.shape_cast %swap3A_145 : vector<1x16xf32> to vector<16xf32>
      %swap3A_147 = vector.shape_cast %broadcast_in_dim3A_4 : vector<16xf32> to vector<1x16xf32>
      tpu.vector_store %arg7[%swap3A_143, %swap3A_144], %swap3A_147 {strides = array<i32>} : memref<32x128xf32, #tpu.memory_space<vmem>>, vector<1x16xf32>,
      %swap3A_148 = arith.constant 12 : i32
      %swap3A_149 = arith.index_cast %swap3A_148 : i32 to index
      %swap3A_150 = arith.constant 0 : index
      %swap3A_151 = tpu.vector_load %arg7[%swap3A_149, %swap3A_150] {strides = array<i32>} : memref<32x128xf32, #tpu.memory_space<vmem>>, vector<1x16xf32>,
      %swap3A_152 = vector.shape_cast %swap3A_151 : vector<1x16xf32> to vector<16xf32>
      %swap3A_153 = vector.shape_cast %broadcast_in_dim3A_4 : vector<16xf32> to vector<1x16xf32>
      tpu.vector_store %arg7[%swap3A_149, %swap3A_150], %swap3A_153 {strides = array<i32>} : memref<32x128xf32, #tpu.memory_space<vmem>>, vector<1x16xf32>,
      %swap3A_154 = arith.constant 12 : i32
      %swap3A_155 = arith.index_cast %swap3A_154 : i32 to index
      %swap3A_156 = arith.constant 16 : index
      %swap3A_157 = tpu.vector_load %arg7[%swap3A_155, %swap3A_156] {strides = array<i32>} : memref<32x128xf32, #tpu.memory_space<vmem>>, vector<1x16xf32>,
      %swap3A_158 = vector.shape_cast %swap3A_157 : vector<1x16xf32> to vector<16xf32>
      %swap3A_159 = vector.shape_cast %broadcast_in_dim3A_4 : vector<16xf32> to vector<1x16xf32>
      tpu.vector_store %arg7[%swap3A_155, %swap3A_156], %swap3A_159 {strides = array<i32>} : memref<32x128xf32, #tpu.memory_space<vmem>>, vector<1x16xf32>,
      %swap3A_160 = arith.constant 13 : i32
      %swap3A_161 = arith.index_cast %swap3A_160 : i32 to index
      %swap3A_162 = arith.constant 0 : index
      %swap3A_163 = tpu.vector_load %arg7[%swap3A_161, %swap3A_162] {strides = array<i32>} : memref<32x128xf32, #tpu.memory_space<vmem>>, vector<1x16xf32>,
      %swap3A_164 = vector.shape_cast %swap3A_163 : vector<1x16xf32> to vector<16xf32>
      %swap3A_165 = vector.shape_cast %broadcast_in_dim3A_4 : vector<16xf32> to vector<1x16xf32>
      tpu.vector_store %arg7[%swap3A_161, %swap3A_162], %swap3A_165 {strides = array<i32>} : memref<32x128xf32, #tpu.memory_space<vmem>>, vector<1x16xf32>,
      %swap3A_166 = arith.constant 13 : i32
      %swap3A_167 = arith.index_cast %swap3A_166 : i32 to index
      %swap3A_168 = arith.constant 16 : index
      %swap3A_169 = tpu.vector_load %arg7[%swap3A_167, %swap3A_168] {strides = array<i32>} : memref<32x128xf32, #tpu.memory_space<vmem>>, vector<1x16xf32>,
      %swap3A_170 = vector.shape_cast %swap3A_169 : vector<1x16xf32> to vector<16xf32>
      %swap3A_171 = vector.shape_cast %broadcast_in_dim3A_4 : vector<16xf32> to vector<1x16xf32>
      tpu.vector_store %arg7[%swap3A_167, %swap3A_168], %swap3A_171 {strides = array<i32>} : memref<32x128xf32, #tpu.memory_space<vmem>>, vector<1x16xf32>,
      %swap3A_172 = arith.constant 14 : i32
      %swap3A_173 = arith.index_cast %swap3A_172 : i32 to index
      %swap3A_174 = arith.constant 0 : index
      %swap3A_175 = tpu.vector_load %arg7[%swap3A_173, %swap3A_174] {strides = array<i32>} : memref<32x128xf32, #tpu.memory_space<vmem>>, vector<1x16xf32>,
      %swap3A_176 = vector.shape_cast %swap3A_175 : vector<1x16xf32> to vector<16xf32>
      %swap3A_177 = vector.shape_cast %broadcast_in_dim3A_4 : vector<16xf32> to vector<1x16xf32>
      tpu.vector_store %arg7[%swap3A_173, %swap3A_174], %swap3A_177 {strides = array<i32>} : memref<32x128xf32, #tpu.memory_space<vmem>>, vector<1x16xf32>,
      %swap3A_178 = arith.constant 14 : i32
      %swap3A_179 = arith.index_cast %swap3A_178 : i32 to index
      %swap3A_180 = arith.constant 16 : index
      %swap3A_181 = tpu.vector_load %arg7[%swap3A_179, %swap3A_180] {strides = array<i32>} : memref<32x128xf32, #tpu.memory_space<vmem>>, vector<1x16xf32>,
      %swap3A_182 = vector.shape_cast %swap3A_181 : vector<1x16xf32> to vector<16xf32>
      %swap3A_183 = vector.shape_cast %broadcast_in_dim3A_4 : vector<16xf32> to vector<1x16xf32>
      tpu.vector_store %arg7[%swap3A_179, %swap3A_180], %swap3A_183 {strides = array<i32>} : memref<32x128xf32, #tpu.memory_space<vmem>>, vector<1x16xf32>,
      %swap3A_184 = arith.constant 15 : i32
      %swap3A_185 = arith.index_cast %swap3A_184 : i32 to index
      %swap3A_186 = arith.constant 0 : index
      %swap3A_187 = tpu.vector_load %arg7[%swap3A_185, %swap3A_186] {strides = array<i32>} : memref<32x128xf32, #tpu.memory_space<vmem>>, vector<1x16xf32>,
      %swap3A_188 = vector.shape_cast %swap3A_187 : vector<1x16xf32> to vector<16xf32>
      %swap3A_189 = vector.shape_cast %broadcast_in_dim3A_4 : vector<16xf32> to vector<1x16xf32>
      tpu.vector_store %arg7[%swap3A_185, %swap3A_186], %swap3A_189 {strides = array<i32>} : memref<32x128xf32, #tpu.memory_space<vmem>>, vector<1x16xf32>,
      %swap3A_190 = arith.constant 15 : i32
      %swap3A_191 = arith.index_cast %swap3A_190 : i32 to index
      %swap3A_192 = arith.constant 16 : index
      %swap3A_193 = tpu.vector_load %arg7[%swap3A_191, %swap3A_192] {strides = array<i32>} : memref<32x128xf32, #tpu.memory_space<vmem>>, vector<1x16xf32>,
      %swap3A_194 = vector.shape_cast %swap3A_193 : vector<1x16xf32> to vector<16xf32>
      %swap3A_195 = vector.shape_cast %broadcast_in_dim3A_4 : vector<16xf32> to vector<1x16xf32>
      tpu.vector_store %arg7[%swap3A_191, %swap3A_192], %swap3A_195 {strides = array<i32>} : memref<32x128xf32, #tpu.memory_space<vmem>>, vector<1x16xf32>,
      %swap3A_196 = arith.constant 16 : i32
      %swap3A_197 = arith.index_cast %swap3A_196 : i32 to index
      %swap3A_198 = arith.constant 0 : index
      %swap3A_199 = tpu.vector_load %arg7[%swap3A_197, %swap3A_198] {strides = array<i32>} : memref<32x128xf32, #tpu.memory_space<vmem>>, vector<1x16xf32>,
      %swap3A_200 = vector.shape_cast %swap3A_199 : vector<1x16xf32> to vector<16xf32>
      %swap3A_201 = vector.shape_cast %broadcast_in_dim3A_4 : vector<16xf32> to vector<1x16xf32>
      tpu.vector_store %arg7[%swap3A_197, %swap3A_198], %swap3A_201 {strides = array<i32>} : memref<32x128xf32, #tpu.memory_space<vmem>>, vector<1x16xf32>,
      %swap3A_202 = arith.constant 16 : i32
      %swap3A_203 = arith.index_cast %swap3A_202 : i32 to index
      %swap3A_204 = arith.constant 16 : index
      %swap3A_205 = tpu.vector_load %arg7[%swap3A_203, %swap3A_204] {strides = array<i32>} : memref<32x128xf32, #tpu.memory_space<vmem>>, vector<1x16xf32>,
      %swap3A_206 = vector.shape_cast %swap3A_205 : vector<1x16xf32> to vector<16xf32>
      %swap3A_207 = vector.shape_cast %broadcast_in_dim3A_4 : vector<16xf32> to vector<1x16xf32>
      tpu.vector_store %arg7[%swap3A_203, %swap3A_204], %swap3A_207 {strides = array<i32>} : memref<32x128xf32, #tpu.memory_space<vmem>>, vector<1x16xf32>,
      %swap3A_208 = arith.constant 17 : i32
      %swap3A_209 = arith.index_cast %swap3A_208 : i32 to index
      %swap3A_210 = arith.constant 0 : index
      %swap3A_211 = tpu.vector_load %arg7[%swap3A_209, %swap3A_210] {strides = array<i32>} : memref<32x128xf32, #tpu.memory_space<vmem>>, vector<1x16xf32>,
      %swap3A_212 = vector.shape_cast %swap3A_211 : vector<1x16xf32> to vector<16xf32>
      %swap3A_213 = vector.shape_cast %broadcast_in_dim3A_4 : vector<16xf32> to vector<1x16xf32>
      tpu.vector_store %arg7[%swap3A_209, %swap3A_210], %swap3A_213 {strides = array<i32>} : memref<32x128xf32, #tpu.memory_space<vmem>>, vector<1x16xf32>,
      %swap3A_214 = arith.constant 17 : i32
      %swap3A_215 = arith.index_cast %swap3A_214 : i32 to index
      %swap3A_216 = arith.constant 16 : index
      %swap3A_217 = tpu.vector_load %arg7[%swap3A_215, %swap3A_216] {strides = array<i32>} : memref<32x128xf32, #tpu.memory_space<vmem>>, vector<1x16xf32>,
      %swap3A_218 = vector.shape_cast %swap3A_217 : vector<1x16xf32> to vector<16xf32>
      %swap3A_219 = vector.shape_cast %broadcast_in_dim3A_4 : vector<16xf32> to vector<1x16xf32>
      tpu.vector_store %arg7[%swap3A_215, %swap3A_216], %swap3A_219 {strides = array<i32>} : memref<32x128xf32, #tpu.memory_space<vmem>>, vector<1x16xf32>,
      %swap3A_220 = arith.constant 18 : i32
      %swap3A_221 = arith.index_cast %swap3A_220 : i32 to index
      %swap3A_222 = arith.constant 0 : index
      %swap3A_223 = tpu.vector_load %arg7[%swap3A_221, %swap3A_222] {strides = array<i32>} : memref<32x128xf32, #tpu.memory_space<vmem>>, vector<1x16xf32>,
      %swap3A_224 = vector.shape_cast %swap3A_223 : vector<1x16xf32> to vector<16xf32>
      %swap3A_225 = vector.shape_cast %broadcast_in_dim3A_4 : vector<16xf32> to vector<1x16xf32>
      tpu.vector_store %arg7[%swap3A_221, %swap3A_222], %swap3A_225 {strides = array<i32>} : memref<32x128xf32, #tpu.memory_space<vmem>>, vector<1x16xf32>,
      %swap3A_226 = arith.constant 18 : i32
      %swap3A_227 = arith.index_cast %swap3A_226 : i32 to index
      %swap3A_228 = arith.constant 16 : index
      %swap3A_229 = tpu.vector_load %arg7[%swap3A_227, %swap3A_228] {strides = array<i32>} : memref<32x128xf32, #tpu.memory_space<vmem>>, vector<1x16xf32>,
      %swap3A_230 = vector.shape_cast %swap3A_229 : vector<1x16xf32> to vector<16xf32>
      %swap3A_231 = vector.shape_cast %broadcast_in_dim3A_4 : vector<16xf32> to vector<1x16xf32>
      tpu.vector_store %arg7[%swap3A_227, %swap3A_228], %swap3A_231 {strides = array<i32>} : memref<32x128xf32, #tpu.memory_space<vmem>>, vector<1x16xf32>,
      %swap3A_232 = arith.constant 19 : i32
      %swap3A_233 = arith.index_cast %swap3A_232 : i32 to index
      %swap3A_234 = arith.constant 0 : index
      %swap3A_235 = tpu.vector_load %arg7[%swap3A_233, %swap3A_234] {strides = array<i32>} : memref<32x128xf32, #tpu.memory_space<vmem>>, vector<1x16xf32>,
      %swap3A_236 = vector.shape_cast %swap3A_235 : vector<1x16xf32> to vector<16xf32>
      %swap3A_237 = vector.shape_cast %broadcast_in_dim3A_4 : vector<16xf32> to vector<1x16xf32>
      tpu.vector_store %arg7[%swap3A_233, %swap3A_234], %swap3A_237 {strides = array<i32>} : memref<32x128xf32, #tpu.memory_space<vmem>>, vector<1x16xf32>,
      %swap3A_238 = arith.constant 19 : i32
      %swap3A_239 = arith.index_cast %swap3A_238 : i32 to index
      %swap3A_240 = arith.constant 16 : index
      %swap3A_241 = tpu.vector_load %arg7[%swap3A_239, %swap3A_240] {strides = array<i32>} : memref<32x128xf32, #tpu.memory_space<vmem>>, vector<1x16xf32>,
      %swap3A_242 = vector.shape_cast %swap3A_241 : vector<1x16xf32> to vector<16xf32>
      %swap3A_243 = vector.shape_cast %broadcast_in_dim3A_4 : vector<16xf32> to vector<1x16xf32>
      tpu.vector_store %arg7[%swap3A_239, %swap3A_240], %swap3A_243 {strides = array<i32>} : memref<32x128xf32, #tpu.memory_space<vmem>>, vector<1x16xf32>,
      %swap3A_244 = arith.constant 20 : i32
      %swap3A_245 = arith.index_cast %swap3A_244 : i32 to index
      %swap3A_246 = arith.constant 0 : index
      %swap3A_247 = tpu.vector_load %arg7[%swap3A_245, %swap3A_246] {strides = array<i32>} : memref<32x128xf32, #tpu.memory_space<vmem>>, vector<1x16xf32>,
      %swap3A_248 = vector.shape_cast %swap3A_247 : vector<1x16xf32> to vector<16xf32>
      %swap3A_249 = vector.shape_cast %broadcast_in_dim3A_4 : vector<16xf32> to vector<1x16xf32>
      tpu.vector_store %arg7[%swap3A_245, %swap3A_246], %swap3A_249 {strides = array<i32>} : memref<32x128xf32, #tpu.memory_space<vmem>>, vector<1x16xf32>,
      %swap3A_250 = arith.constant 20 : i32
      %swap3A_251 = arith.index_cast %swap3A_250 : i32 to index
      %swap3A_252 = arith.constant 16 : index
      %swap3A_253 = tpu.vector_load %arg7[%swap3A_251, %swap3A_252] {strides = array<i32>} : memref<32x128xf32, #tpu.memory_space<vmem>>, vector<1x16xf32>,
      %swap3A_254 = vector.shape_cast %swap3A_253 : vector<1x16xf32> to vector<16xf32>
      %swap3A_255 = vector.shape_cast %broadcast_in_dim3A_4 : vector<16xf32> to vector<1x16xf32>
      tpu.vector_store %arg7[%swap3A_251, %swap3A_252], %swap3A_255 {strides = array<i32>} : memref<32x128xf32, #tpu.memory_space<vmem>>, vector<1x16xf32>,
      %swap3A_256 = arith.constant 21 : i32
      %swap3A_257 = arith.index_cast %swap3A_256 : i32 to index
      %swap3A_258 = arith.constant 0 : index
      %swap3A_259 = tpu.vector_load %arg7[%swap3A_257, %swap3A_258] {strides = array<i32>} : memref<32x128xf32, #tpu.memory_space<vmem>>, vector<1x16xf32>,
      %swap3A_260 = vector.shape_cast %swap3A_259 : vector<1x16xf32> to vector<16xf32>
      %swap3A_261 = vector.shape_cast %broadcast_in_dim3A_4 : vector<16xf32> to vector<1x16xf32>
      tpu.vector_store %arg7[%swap3A_257, %swap3A_258], %swap3A_261 {strides = array<i32>} : memref<32x128xf32, #tpu.memory_space<vmem>>, vector<1x16xf32>,
      %swap3A_262 = arith.constant 21 : i32
      %swap3A_263 = arith.index_cast %swap3A_262 : i32 to index
      %swap3A_264 = arith.constant 16 : index
      %swap3A_265 = tpu.vector_load %arg7[%swap3A_263, %swap3A_264] {strides = array<i32>} : memref<32x128xf32, #tpu.memory_space<vmem>>, vector<1x16xf32>,
      %swap3A_266 = vector.shape_cast %swap3A_265 : vector<1x16xf32> to vector<16xf32>
      %swap3A_267 = vector.shape_cast %broadcast_in_dim3A_4 : vector<16xf32> to vector<1x16xf32>
      tpu.vector_store %arg7[%swap3A_263, %swap3A_264], %swap3A_267 {strides = array<i32>} : memref<32x128xf32, #tpu.memory_space<vmem>>, vector<1x16xf32>,
      %swap3A_268 = arith.constant 22 : i32
      %swap3A_269 = arith.index_cast %swap3A_268 : i32 to index
      %swap3A_270 = arith.constant 0 : index
      %swap3A_271 = tpu.vector_load %arg7[%swap3A_269, %swap3A_270] {strides = array<i32>} : memref<32x128xf32, #tpu.memory_space<vmem>>, vector<1x16xf32>,
      %swap3A_272 = vector.shape_cast %swap3A_271 : vector<1x16xf32> to vector<16xf32>
      %swap3A_273 = vector.shape_cast %broadcast_in_dim3A_4 : vector<16xf32> to vector<1x16xf32>
      tpu.vector_store %arg7[%swap3A_269, %swap3A_270], %swap3A_273 {strides = array<i32>} : memref<32x128xf32, #tpu.memory_space<vmem>>, vector<1x16xf32>,
      %swap3A_274 = arith.constant 22 : i32
      %swap3A_275 = arith.index_cast %swap3A_274 : i32 to index
      %swap3A_276 = arith.constant 16 : index
      %swap3A_277 = tpu.vector_load %arg7[%swap3A_275, %swap3A_276] {strides = array<i32>} : memref<32x128xf32, #tpu.memory_space<vmem>>, vector<1x16xf32>,
      %swap3A_278 = vector.shape_cast %swap3A_277 : vector<1x16xf32> to vector<16xf32>
      %swap3A_279 = vector.shape_cast %broadcast_in_dim3A_4 : vector<16xf32> to vector<1x16xf32>
      tpu.vector_store %arg7[%swap3A_275, %swap3A_276], %swap3A_279 {strides = array<i32>} : memref<32x128xf32, #tpu.memory_space<vmem>>, vector<1x16xf32>,
      %swap3A_280 = arith.constant 23 : i32
      %swap3A_281 = arith.index_cast %swap3A_280 : i32 to index
      %swap3A_282 = arith.constant 0 : index
      %swap3A_283 = tpu.vector_load %arg7[%swap3A_281, %swap3A_282] {strides = array<i32>} : memref<32x128xf32, #tpu.memory_space<vmem>>, vector<1x16xf32>,
      %swap3A_284 = vector.shape_cast %swap3A_283 : vector<1x16xf32> to vector<16xf32>
      %swap3A_285 = vector.shape_cast %broadcast_in_dim3A_4 : vector<16xf32> to vector<1x16xf32>
      tpu.vector_store %arg7[%swap3A_281, %swap3A_282], %swap3A_285 {strides = array<i32>} : memref<32x128xf32, #tpu.memory_space<vmem>>, vector<1x16xf32>,
      %swap3A_286 = arith.constant 23 : i32
      %swap3A_287 = arith.index_cast %swap3A_286 : i32 to index
      %swap3A_288 = arith.constant 16 : index
      %swap3A_289 = tpu.vector_load %arg7[%swap3A_287, %swap3A_288] {strides = array<i32>} : memref<32x128xf32, #tpu.memory_space<vmem>>, vector<1x16xf32>,
      %swap3A_290 = vector.shape_cast %swap3A_289 : vector<1x16xf32> to vector<16xf32>
      %swap3A_291 = vector.shape_cast %broadcast_in_dim3A_4 : vector<16xf32> to vector<1x16xf32>
      tpu.vector_store %arg7[%swap3A_287, %swap3A_288], %swap3A_291 {strides = array<i32>} : memref<32x128xf32, #tpu.memory_space<vmem>>, vector<1x16xf32>,
      %swap3A_292 = arith.constant 24 : i32
      %swap3A_293 = arith.index_cast %swap3A_292 : i32 to index
      %swap3A_294 = arith.constant 0 : index
      %swap3A_295 = tpu.vector_load %arg7[%swap3A_293, %swap3A_294] {strides = array<i32>} : memref<32x128xf32, #tpu.memory_space<vmem>>, vector<1x16xf32>,
      %swap3A_296 = vector.shape_cast %swap3A_295 : vector<1x16xf32> to vector<16xf32>
      %swap3A_297 = vector.shape_cast %broadcast_in_dim3A_4 : vector<16xf32> to vector<1x16xf32>
      tpu.vector_store %arg7[%swap3A_293, %swap3A_294], %swap3A_297 {strides = array<i32>} : memref<32x128xf32, #tpu.memory_space<vmem>>, vector<1x16xf32>,
      %swap3A_298 = arith.constant 24 : i32
      %swap3A_299 = arith.index_cast %swap3A_298 : i32 to index
      %swap3A_300 = arith.constant 16 : index
      %swap3A_301 = tpu.vector_load %arg7[%swap3A_299, %swap3A_300] {strides = array<i32>} : memref<32x128xf32, #tpu.memory_space<vmem>>, vector<1x16xf32>,
      %swap3A_302 = vector.shape_cast %swap3A_301 : vector<1x16xf32> to vector<16xf32>
      %swap3A_303 = vector.shape_cast %broadcast_in_dim3A_4 : vector<16xf32> to vector<1x16xf32>
      tpu.vector_store %arg7[%swap3A_299, %swap3A_300], %swap3A_303 {strides = array<i32>} : memref<32x128xf32, #tpu.memory_space<vmem>>, vector<1x16xf32>,
      %swap3A_304 = arith.constant 25 : i32
      %swap3A_305 = arith.index_cast %swap3A_304 : i32 to index
      %swap3A_306 = arith.constant 0 : index
      %swap3A_307 = tpu.vector_load %arg7[%swap3A_305, %swap3A_306] {strides = array<i32>} : memref<32x128xf32, #tpu.memory_space<vmem>>, vector<1x16xf32>,
      %swap3A_308 = vector.shape_cast %swap3A_307 : vector<1x16xf32> to vector<16xf32>
      %swap3A_309 = vector.shape_cast %broadcast_in_dim3A_4 : vector<16xf32> to vector<1x16xf32>
      tpu.vector_store %arg7[%swap3A_305, %swap3A_306], %swap3A_309 {strides = array<i32>} : memref<32x128xf32, #tpu.memory_space<vmem>>, vector<1x16xf32>,
      %swap3A_310 = arith.constant 25 : i32
      %swap3A_311 = arith.index_cast %swap3A_310 : i32 to index
      %swap3A_312 = arith.constant 16 : index
      %swap3A_313 = tpu.vector_load %arg7[%swap3A_311, %swap3A_312] {strides = array<i32>} : memref<32x128xf32, #tpu.memory_space<vmem>>, vector<1x16xf32>,
      %swap3A_314 = vector.shape_cast %swap3A_313 : vector<1x16xf32> to vector<16xf32>
      %swap3A_315 = vector.shape_cast %broadcast_in_dim3A_4 : vector<16xf32> to vector<1x16xf32>
      tpu.vector_store %arg7[%swap3A_311, %swap3A_312], %swap3A_315 {strides = array<i32>} : memref<32x128xf32, #tpu.memory_space<vmem>>, vector<1x16xf32>,
      %swap3A_316 = arith.constant 26 : i32
      %swap3A_317 = arith.index_cast %swap3A_316 : i32 to index
      %swap3A_318 = arith.constant 0 : index
      %swap3A_319 = tpu.vector_load %arg7[%swap3A_317, %swap3A_318] {strides = array<i32>} : memref<32x128xf32, #tpu.memory_space<vmem>>, vector<1x16xf32>,
      %swap3A_320 = vector.shape_cast %swap3A_319 : vector<1x16xf32> to vector<16xf32>
      %swap3A_321 = vector.shape_cast %broadcast_in_dim3A_4 : vector<16xf32> to vector<1x16xf32>
      tpu.vector_store %arg7[%swap3A_317, %swap3A_318], %swap3A_321 {strides = array<i32>} : memref<32x128xf32, #tpu.memory_space<vmem>>, vector<1x16xf32>,
      %swap3A_322 = arith.constant 26 : i32
      %swap3A_323 = arith.index_cast %swap3A_322 : i32 to index
      %swap3A_324 = arith.constant 16 : index
      %swap3A_325 = tpu.vector_load %arg7[%swap3A_323, %swap3A_324] {strides = array<i32>} : memref<32x128xf32, #tpu.memory_space<vmem>>, vector<1x16xf32>,
      %swap3A_326 = vector.shape_cast %swap3A_325 : vector<1x16xf32> to vector<16xf32>
      %swap3A_327 = vector.shape_cast %broadcast_in_dim3A_4 : vector<16xf32> to vector<1x16xf32>
      tpu.vector_store %arg7[%swap3A_323, %swap3A_324], %swap3A_327 {strides = array<i32>} : memref<32x128xf32, #tpu.memory_space<vmem>>, vector<1x16xf32>,
      %swap3A_328 = arith.constant 27 : i32
      %swap3A_329 = arith.index_cast %swap3A_328 : i32 to index
      %swap3A_330 = arith.constant 0 : index
      %swap3A_331 = tpu.vector_load %arg7[%swap3A_329, %swap3A_330] {strides = array<i32>} : memref<32x128xf32, #tpu.memory_space<vmem>>, vector<1x16xf32>,
      %swap3A_332 = vector.shape_cast %swap3A_331 : vector<1x16xf32> to vector<16xf32>
      %swap3A_333 = vector.shape_cast %broadcast_in_dim3A_4 : vector<16xf32> to vector<1x16xf32>
      tpu.vector_store %arg7[%swap3A_329, %swap3A_330], %swap3A_333 {strides = array<i32>} : memref<32x128xf32, #tpu.memory_space<vmem>>, vector<1x16xf32>,
      %swap3A_334 = arith.constant 27 : i32
      %swap3A_335 = arith.index_cast %swap3A_334 : i32 to index
      %swap3A_336 = arith.constant 16 : index
      %swap3A_337 = tpu.vector_load %arg7[%swap3A_335, %swap3A_336] {strides = array<i32>} : memref<32x128xf32, #tpu.memory_space<vmem>>, vector<1x16xf32>,
      %swap3A_338 = vector.shape_cast %swap3A_337 : vector<1x16xf32> to vector<16xf32>
      %swap3A_339 = vector.shape_cast %broadcast_in_dim3A_4 : vector<16xf32> to vector<1x16xf32>
      tpu.vector_store %arg7[%swap3A_335, %swap3A_336], %swap3A_339 {strides = array<i32>} : memref<32x128xf32, #tpu.memory_space<vmem>>, vector<1x16xf32>,
      %swap3A_340 = arith.constant 28 : i32
      %swap3A_341 = arith.index_cast %swap3A_340 : i32 to index
      %swap3A_342 = arith.constant 0 : index
      %swap3A_343 = tpu.vector_load %arg7[%swap3A_341, %swap3A_342] {strides = array<i32>} : memref<32x128xf32, #tpu.memory_space<vmem>>, vector<1x16xf32>,
      %swap3A_344 = vector.shape_cast %swap3A_343 : vector<1x16xf32> to vector<16xf32>
      %swap3A_345 = vector.shape_cast %broadcast_in_dim3A_4 : vector<16xf32> to vector<1x16xf32>
      tpu.vector_store %arg7[%swap3A_341, %swap3A_342], %swap3A_345 {strides = array<i32>} : memref<32x128xf32, #tpu.memory_space<vmem>>, vector<1x16xf32>,
      %swap3A_346 = arith.constant 28 : i32
      %swap3A_347 = arith.index_cast %swap3A_346 : i32 to index
      %swap3A_348 = arith.constant 16 : index
      %swap3A_349 = tpu.vector_load %arg7[%swap3A_347, %swap3A_348] {strides = array<i32>} : memref<32x128xf32, #tpu.memory_space<vmem>>, vector<1x16xf32>,
      %swap3A_350 = vector.shape_cast %swap3A_349 : vector<1x16xf32> to vector<16xf32>
      %swap3A_351 = vector.shape_cast %broadcast_in_dim3A_4 : vector<16xf32> to vector<1x16xf32>
      tpu.vector_store %arg7[%swap3A_347, %swap3A_348], %swap3A_351 {strides = array<i32>} : memref<32x128xf32, #tpu.memory_space<vmem>>, vector<1x16xf32>,
      %swap3A_352 = arith.constant 29 : i32
      %swap3A_353 = arith.index_cast %swap3A_352 : i32 to index
      %swap3A_354 = arith.constant 0 : index
      %swap3A_355 = tpu.vector_load %arg7[%swap3A_353, %swap3A_354] {strides = array<i32>} : memref<32x128xf32, #tpu.memory_space<vmem>>, vector<1x16xf32>,
      %swap3A_356 = vector.shape_cast %swap3A_355 : vector<1x16xf32> to vector<16xf32>
      %swap3A_357 = vector.shape_cast %broadcast_in_dim3A_4 : vector<16xf32> to vector<1x16xf32>
      tpu.vector_store %arg7[%swap3A_353, %swap3A_354], %swap3A_357 {strides = array<i32>} : memref<32x128xf32, #tpu.memory_space<vmem>>, vector<1x16xf32>,
      %swap3A_358 = arith.constant 29 : i32
      %swap3A_359 = arith.index_cast %swap3A_358 : i32 to index
      %swap3A_360 = arith.constant 16 : index
      %swap3A_361 = tpu.vector_load %arg7[%swap3A_359, %swap3A_360] {strides = array<i32>} : memref<32x128xf32, #tpu.memory_space<vmem>>, vector<1x16xf32>,
      %swap3A_362 = vector.shape_cast %swap3A_361 : vector<1x16xf32> to vector<16xf32>
      %swap3A_363 = vector.shape_cast %broadcast_in_dim3A_4 : vector<16xf32> to vector<1x16xf32>
      tpu.vector_store %arg7[%swap3A_359, %swap3A_360], %swap3A_363 {strides = array<i32>} : memref<32x128xf32, #tpu.memory_space<vmem>>, vector<1x16xf32>,
      %swap3A_364 = arith.constant 30 : i32
      %swap3A_365 = arith.index_cast %swap3A_364 : i32 to index
      %swap3A_366 = arith.constant 0 : index
      %swap3A_367 = tpu.vector_load %arg7[%swap3A_365, %swap3A_366] {strides = array<i32>} : memref<32x128xf32, #tpu.memory_space<vmem>>, vector<1x16xf32>,
      %swap3A_368 = vector.shape_cast %swap3A_367 : vector<1x16xf32> to vector<16xf32>
      %swap3A_369 = vector.shape_cast %broadcast_in_dim3A_4 : vector<16xf32> to vector<1x16xf32>
      tpu.vector_store %arg7[%swap3A_365, %swap3A_366], %swap3A_369 {strides = array<i32>} : memref<32x128xf32, #tpu.memory_space<vmem>>, vector<1x16xf32>,
      %swap3A_370 = arith.constant 30 : i32
      %swap3A_371 = arith.index_cast %swap3A_370 : i32 to index
      %swap3A_372 = arith.constant 16 : index
      %swap3A_373 = tpu.vector_load %arg7[%swap3A_371, %swap3A_372] {strides = array<i32>} : memref<32x128xf32, #tpu.memory_space<vmem>>, vector<1x16xf32>,
      %swap3A_374 = vector.shape_cast %swap3A_373 : vector<1x16xf32> to vector<16xf32>
      %swap3A_375 = vector.shape_cast %broadcast_in_dim3A_4 : vector<16xf32> to vector<1x16xf32>
      tpu.vector_store %arg7[%swap3A_371, %swap3A_372], %swap3A_375 {strides = array<i32>} : memref<32x128xf32, #tpu.memory_space<vmem>>, vector<1x16xf32>,
      %swap3A_376 = arith.constant 31 : i32
      %swap3A_377 = arith.index_cast %swap3A_376 : i32 to index
      %swap3A_378 = arith.constant 0 : index
      %swap3A_379 = tpu.vector_load %arg7[%swap3A_377, %swap3A_378] {strides = array<i32>} : memref<32x128xf32, #tpu.memory_space<vmem>>, vector<1x16xf32>,
      %swap3A_380 = vector.shape_cast %swap3A_379 : vector<1x16xf32> to vector<16xf32>
      %swap3A_381 = vector.shape_cast %broadcast_in_dim3A_4 : vector<16xf32> to vector<1x16xf32>
      tpu.vector_store %arg7[%swap3A_377, %swap3A_378], %swap3A_381 {strides = array<i32>} : memref<32x128xf32, #tpu.memory_space<vmem>>, vector<1x16xf32>,
      %swap3A_382 = arith.constant 31 : i32
      %swap3A_383 = arith.index_cast %swap3A_382 : i32 to index
      %swap3A_384 = arith.constant 16 : index
      %swap3A_385 = tpu.vector_load %arg7[%swap3A_383, %swap3A_384] {strides = array<i32>} : memref<32x128xf32, #tpu.memory_space<vmem>>, vector<1x16xf32>,
      %swap3A_386 = vector.shape_cast %swap3A_385 : vector<1x16xf32> to vector<16xf32>
      %swap3A_387 = vector.shape_cast %broadcast_in_dim3A_4 : vector<16xf32> to vector<1x16xf32>
      tpu.vector_store %arg7[%swap3A_383, %swap3A_384], %swap3A_387 {strides = array<i32>} : memref<32x128xf32, #tpu.memory_space<vmem>>, vector<1x16xf32>,
      %get3A = arith.constant 0 : index
      %get3A_388 = tpu.vector_load %arg6[%get3A] {strides = array<i32>} : memref<16xf32, #tpu.memory_space<vmem>>, vector<16xf32>,
      %get3A_389 = vector.shape_cast %get3A_388 : vector<16xf32> to vector<16xf32>
      %slice3A = vector.extract_strided_slice %get3A_389 {offsets = [0], sizes = [1], strides = [1]} : vector<16xf32> to vector<1xf32>
      %squeeze3A = vector.extract %slice3A[0] : f32 from vector<1xf32>
      %slice3A_390 = vector.extract_strided_slice %get3A_389 {offsets = [1], sizes = [1], strides = [1]} : vector<16xf32> to vector<1xf32>
      %squeeze3A_391 = vector.extract %slice3A_390[0] : f32 from vector<1xf32>
      %slice3A_392 = vector.extract_strided_slice %get3A_389 {offsets = [2], sizes = [1], strides = [1]} : vector<16xf32> to vector<1xf32>
      %squeeze3A_393 = vector.extract %slice3A_392[0] : f32 from vector<1xf32>
      %slice3A_394 = vector.extract_strided_slice %get3A_389 {offsets = [3], sizes = [1], strides = [1]} : vector<16xf32> to vector<1xf32>
      %squeeze3A_395 = vector.extract %slice3A_394[0] : f32 from vector<1xf32>
      %get3A_396 = arith.constant 0 : index
      %get3A_397 = tpu.vector_load %arg5[%get3A_396] {strides = array<i32>} : memref<128xi32, #tpu.memory_space<vmem>>, vector<16xi32>,
      %get3A_398 = vector.shape_cast %get3A_397 : vector<16xi32> to vector<16xi32>
      %get3A_399 = arith.constant 32 : index
      %get3A_400 = tpu.vector_load %arg5[%get3A_399] {strides = array<i32>} : memref<128xi32, #tpu.memory_space<vmem>>, vector<16xi32>,
      %get3A_401 = vector.shape_cast %get3A_400 : vector<16xi32> to vector<16xi32>
      %get3A_402 = arith.constant 64 : index
      %get3A_403 = tpu.vector_load %arg5[%get3A_402] {strides = array<i32>} : memref<128xi32, #tpu.memory_space<vmem>>, vector<16xi32>,
      %get3A_404 = vector.shape_cast %get3A_403 : vector<16xi32> to vector<16xi32>
      %get3A_405 = arith.constant 96 : index
      %get3A_406 = tpu.vector_load %arg5[%get3A_405] {strides = array<i32>} : memref<128xi32, #tpu.memory_space<vmem>>, vector<16xi32>,
      %get3A_407 = vector.shape_cast %get3A_406 : vector<16xi32> to vector<16xi32>
      %eq3A_408 = arith.constant 0 : i32
      %eq3A_409 = vector.broadcast %eq3A_408 : i32 to vector<16xi32>
      %eq3A_410 = arith.cmpi eq, %get3A_398, %eq3A_409 : vector<16xi32>
      %jit3A = arith.constant 0.000000e+00 : f32
      %broadcast_in_dim3A_411 = vector.broadcast %squeeze3A : f32 to vector<16xf32>
      %broadcast_in_dim3A_412 = vector.broadcast %jit3A : f32 to vector<16xf32>
      %select_n3A = arith.select %eq3A_410, %broadcast_in_dim3A_411, %broadcast_in_dim3A_412 : vector<16xi1>, vector<16xf32>
      %add3A = arith.addf %broadcast_in_dim3A_4, %select_n3A : vector<16xf32>
      %eq3A_413 = arith.constant 0 : i32
      %eq3A_414 = vector.broadcast %eq3A_413 : i32 to vector<16xi32>
      %eq3A_415 = arith.cmpi eq, %get3A_401, %eq3A_414 : vector<16xi32>
      %jit3A_416 = arith.constant 0.000000e+00 : f32
      %broadcast_in_dim3A_417 = vector.broadcast %squeeze3A_391 : f32 to vector<16xf32>
      %broadcast_in_dim3A_418 = vector.broadcast %jit3A_416 : f32 to vector<16xf32>
      %select_n3A_419 = arith.select %eq3A_415, %broadcast_in_dim3A_417, %broadcast_in_dim3A_418 : vector<16xi1>, vector<16xf32>
      %add3A_420 = arith.addf %add3A, %select_n3A_419 : vector<16xf32>
      %eq3A_421 = arith.constant 0 : i32
      %eq3A_422 = vector.broadcast %eq3A_421 : i32 to vector<16xi32>
      %eq3A_423 = arith.cmpi eq, %get3A_404, %eq3A_422 : vector<16xi32>
      %jit3A_424 = arith.constant 0.000000e+00 : f32
      %broadcast_in_dim3A_425 = vector.broadcast %squeeze3A_393 : f32 to vector<16xf32>
      %broadcast_in_dim3A_426 = vector.broadcast %jit3A_424 : f32 to vector<16xf32>
      %select_n3A_427 = arith.select %eq3A_423, %broadcast_in_dim3A_425, %broadcast_in_dim3A_426 : vector<16xi1>, vector<16xf32>
      %add3A_428 = arith.addf %add3A_420, %select_n3A_427 : vector<16xf32>
      %eq3A_429 = arith.constant 0 : i32
      %eq3A_430 = vector.broadcast %eq3A_429 : i32 to vector<16xi32>
      %eq3A_431 = arith.cmpi eq, %get3A_407, %eq3A_430 : vector<16xi32>
      %jit3A_432 = arith.constant 0.000000e+00 : f32
      %broadcast_in_dim3A_433 = vector.broadcast %squeeze3A_395 : f32 to vector<16xf32>
      %broadcast_in_dim3A_434 = vector.broadcast %jit3A_432 : f32 to vector<16xf32>
      %select_n3A_435 = arith.select %eq3A_431, %broadcast_in_dim3A_433, %broadcast_in_dim3A_434 : vector<16xi1>, vector<16xf32>
      %add3A_436 = arith.addf %add3A_428, %select_n3A_435 : vector<16xf32>
      %swap3A_437 = arith.constant 0 : i32
      %swap3A_438 = arith.index_cast %swap3A_437 : i32 to index
      %swap3A_439 = arith.constant 0 : index
      %swap3A_440 = tpu.vector_load %arg7[%swap3A_438, %swap3A_439] {strides = array<i32>} : memref<32x128xf32, #tpu.memory_space<vmem>>, vector<1x16xf32>,
      %swap3A_441 = vector.shape_cast %swap3A_440 : vector<1x16xf32> to vector<16xf32>
      %swap3A_442 = vector.shape_cast %add3A_436 : vector<16xf32> to vector<1x16xf32>
      tpu.vector_store %arg7[%swap3A_438, %swap3A_439], %swap3A_442 {strides = array<i32>} : memref<32x128xf32, #tpu.memory_space<vmem>>, vector<1x16xf32>,
      %eq3A_443 = arith.constant 1 : i32
      %eq3A_444 = vector.broadcast %eq3A_443 : i32 to vector<16xi32>
      %eq3A_445 = arith.cmpi eq, %get3A_398, %eq3A_444 : vector<16xi32>
      %jit3A_446 = arith.constant 0.000000e+00 : f32
      %broadcast_in_dim3A_447 = vector.broadcast %squeeze3A : f32 to vector<16xf32>
      %broadcast_in_dim3A_448 = vector.broadcast %jit3A_446 : f32 to vector<16xf32>
      %select_n3A_449 = arith.select %eq3A_445, %broadcast_in_dim3A_447, %broadcast_in_dim3A_448 : vector<16xi1>, vector<16xf32>
      %add3A_450 = arith.addf %broadcast_in_dim3A_4, %select_n3A_449 : vector<16xf32>
      %eq3A_451 = arith.constant 1 : i32
      %eq3A_452 = vector.broadcast %eq3A_451 : i32 to vector<16xi32>
      %eq3A_453 = arith.cmpi eq, %get3A_401, %eq3A_452 : vector<16xi32>
      %jit3A_454 = arith.constant 0.000000e+00 : f32
      %broadcast_in_dim3A_455 = vector.broadcast %squeeze3A_391 : f32 to vector<16xf32>
      %broadcast_in_dim3A_456 = vector.broadcast %jit3A_454 : f32 to vector<16xf32>
      %select_n3A_457 = arith.select %eq3A_453, %broadcast_in_dim3A_455, %broadcast_in_dim3A_456 : vector<16xi1>, vector<16xf32>
      %add3A_458 = arith.addf %add3A_450, %select_n3A_457 : vector<16xf32>
      %eq3A_459 = arith.constant 1 : i32
      %eq3A_460 = vector.broadcast %eq3A_459 : i32 to vector<16xi32>
      %eq3A_461 = arith.cmpi eq, %get3A_404, %eq3A_460 : vector<16xi32>
      %jit3A_462 = arith.constant 0.000000e+00 : f32
      %broadcast_in_dim3A_463 = vector.broadcast %squeeze3A_393 : f32 to vector<16xf32>
      %broadcast_in_dim3A_464 = vector.broadcast %jit3A_462 : f32 to vector<16xf32>
      %select_n3A_465 = arith.select %eq3A_461, %broadcast_in_dim3A_463, %broadcast_in_dim3A_464 : vector<16xi1>, vector<16xf32>
      %add3A_466 = arith.addf %add3A_458, %select_n3A_465 : vector<16xf32>
      %eq3A_467 = arith.constant 1 : i32
      %eq3A_468 = vector.broadcast %eq3A_467 : i32 to vector<16xi32>
      %eq3A_469 = arith.cmpi eq, %get3A_407, %eq3A_468 : vector<16xi32>
      %jit3A_470 = arith.constant 0.000000e+00 : f32
      %broadcast_in_dim3A_471 = vector.broadcast %squeeze3A_395 : f32 to vector<16xf32>
      %broadcast_in_dim3A_472 = vector.broadcast %jit3A_470 : f32 to vector<16xf32>
      %select_n3A_473 = arith.select %eq3A_469, %broadcast_in_dim3A_471, %broadcast_in_dim3A_472 : vector<16xi1>, vector<16xf32>
      %add3A_474 = arith.addf %add3A_466, %select_n3A_473 : vector<16xf32>
      %swap3A_475 = arith.constant 1 : i32
      %swap3A_476 = arith.index_cast %swap3A_475 : i32 to index
      %swap3A_477 = arith.constant 0 : index
      %swap3A_478 = tpu.vector_load %arg7[%swap3A_476, %swap3A_477] {strides = array<i32>} : memref<32x128xf32, #tpu.memory_space<vmem>>, vector<1x16xf32>,
      %swap3A_479 = vector.shape_cast %swap3A_478 : vector<1x16xf32> to vector<16xf32>
      %swap3A_480 = vector.shape_cast %add3A_474 : vector<16xf32> to vector<1x16xf32>
      tpu.vector_store %arg7[%swap3A_476, %swap3A_477], %swap3A_480 {strides = array<i32>} : memref<32x128xf32, #tpu.memory_space<vmem>>, vector<1x16xf32>,
      %eq3A_481 = arith.constant 2 : i32
      %eq3A_482 = vector.broadcast %eq3A_481 : i32 to vector<16xi32>
      %eq3A_483 = arith.cmpi eq, %get3A_398, %eq3A_482 : vector<16xi32>
      %jit3A_484 = arith.constant 0.000000e+00 : f32
      %broadcast_in_dim3A_485 = vector.broadcast %squeeze3A : f32 to vector<16xf32>
      %broadcast_in_dim3A_486 = vector.broadcast %jit3A_484 : f32 to vector<16xf32>
      %select_n3A_487 = arith.select %eq3A_483, %broadcast_in_dim3A_485, %broadcast_in_dim3A_486 : vector<16xi1>, vector<16xf32>
      %add3A_488 = arith.addf %broadcast_in_dim3A_4, %select_n3A_487 : vector<16xf32>
      %eq3A_489 = arith.constant 2 : i32
      %eq3A_490 = vector.broadcast %eq3A_489 : i32 to vector<16xi32>
      %eq3A_491 = arith.cmpi eq, %get3A_401, %eq3A_490 : vector<16xi32>
      %jit3A_492 = arith.constant 0.000000e+00 : f32
      %broadcast_in_dim3A_493 = vector.broadcast %squeeze3A_391 : f32 to vector<16xf32>
      %broadcast_in_dim3A_494 = vector.broadcast %jit3A_492 : f32 to vector<16xf32>
      %select_n3A_495 = arith.select %eq3A_491, %broadcast_in_dim3A_493, %broadcast_in_dim3A_494 : vector<16xi1>, vector<16xf32>
      %add3A_496 = arith.addf %add3A_488, %select_n3A_495 : vector<16xf32>
      %eq3A_497 = arith.constant 2 : i32
      %eq3A_498 = vector.broadcast %eq3A_497 : i32 to vector<16xi32>
      %eq3A_499 = arith.cmpi eq, %get3A_404, %eq3A_498 : vector<16xi32>
      %jit3A_500 = arith.constant 0.000000e+00 : f32
      %broadcast_in_dim3A_501 = vector.broadcast %squeeze3A_393 : f32 to vector<16xf32>
      %broadcast_in_dim3A_502 = vector.broadcast %jit3A_500 : f32 to vector<16xf32>
      %select_n3A_503 = arith.select %eq3A_499, %broadcast_in_dim3A_501, %broadcast_in_dim3A_502 : vector<16xi1>, vector<16xf32>
      %add3A_504 = arith.addf %add3A_496, %select_n3A_503 : vector<16xf32>
      %eq3A_505 = arith.constant 2 : i32
      %eq3A_506 = vector.broadcast %eq3A_505 : i32 to vector<16xi32>
      %eq3A_507 = arith.cmpi eq, %get3A_407, %eq3A_506 : vector<16xi32>
      %jit3A_508 = arith.constant 0.000000e+00 : f32
      %broadcast_in_dim3A_509 = vector.broadcast %squeeze3A_395 : f32 to vector<16xf32>
      %broadcast_in_dim3A_510 = vector.broadcast %jit3A_508 : f32 to vector<16xf32>
      %select_n3A_511 = arith.select %eq3A_507, %broadcast_in_dim3A_509, %broadcast_in_dim3A_510 : vector<16xi1>, vector<16xf32>
      %add3A_512 = arith.addf %add3A_504, %select_n3A_511 : vector<16xf32>
      %swap3A_513 = arith.constant 2 : i32
      %swap3A_514 = arith.index_cast %swap3A_513 : i32 to index
      %swap3A_515 = arith.constant 0 : index
      %swap3A_516 = tpu.vector_load %arg7[%swap3A_514, %swap3A_515] {strides = array<i32>} : memref<32x128xf32, #tpu.memory_space<vmem>>, vector<1x16xf32>,
      %swap3A_517 = vector.shape_cast %swap3A_516 : vector<1x16xf32> to vector<16xf32>
      %swap3A_518 = vector.shape_cast %add3A_512 : vector<16xf32> to vector<1x16xf32>
      tpu.vector_store %arg7[%swap3A_514, %swap3A_515], %swap3A_518 {strides = array<i32>} : memref<32x128xf32, #tpu.memory_space<vmem>>, vector<1x16xf32>,
      %eq3A_519 = arith.constant 3 : i32
      %eq3A_520 = vector.broadcast %eq3A_519 : i32 to vector<16xi32>
      %eq3A_521 = arith.cmpi eq, %get3A_398, %eq3A_520 : vector<16xi32>
      %jit3A_522 = arith.constant 0.000000e+00 : f32
      %broadcast_in_dim3A_523 = vector.broadcast %squeeze3A : f32 to vector<16xf32>
      %broadcast_in_dim3A_524 = vector.broadcast %jit3A_522 : f32 to vector<16xf32>
      %select_n3A_525 = arith.select %eq3A_521, %broadcast_in_dim3A_523, %broadcast_in_dim3A_524 : vector<16xi1>, vector<16xf32>
      %add3A_526 = arith.addf %broadcast_in_dim3A_4, %select_n3A_525 : vector<16xf32>
      %eq3A_527 = arith.constant 3 : i32
      %eq3A_528 = vector.broadcast %eq3A_527 : i32 to vector<16xi32>
      %eq3A_529 = arith.cmpi eq, %get3A_401, %eq3A_528 : vector<16xi32>
      %jit3A_530 = arith.constant 0.000000e+00 : f32
      %broadcast_in_dim3A_531 = vector.broadcast %squeeze3A_391 : f32 to vector<16xf32>
      %broadcast_in_dim3A_532 = vector.broadcast %jit3A_530 : f32 to vector<16xf32>
      %select_n3A_533 = arith.select %eq3A_529, %broadcast_in_dim3A_531, %broadcast_in_dim3A_532 : vector<16xi1>, vector<16xf32>
      %add3A_534 = arith.addf %add3A_526, %select_n3A_533 : vector<16xf32>
      %eq3A_535 = arith.constant 3 : i32
      %eq3A_536 = vector.broadcast %eq3A_535 : i32 to vector<16xi32>
      %eq3A_537 = arith.cmpi eq, %get3A_404, %eq3A_536 : vector<16xi32>
      %jit3A_538 = arith.constant 0.000000e+00 : f32
      %broadcast_in_dim3A_539 = vector.broadcast %squeeze3A_393 : f32 to vector<16xf32>
      %broadcast_in_dim3A_540 = vector.broadcast %jit3A_538 : f32 to vector<16xf32>
      %select_n3A_541 = arith.select %eq3A_537, %broadcast_in_dim3A_539, %broadcast_in_dim3A_540 : vector<16xi1>, vector<16xf32>
      %add3A_542 = arith.addf %add3A_534, %select_n3A_541 : vector<16xf32>
      %eq3A_543 = arith.constant 3 : i32
      %eq3A_544 = vector.broadcast %eq3A_543 : i32 to vector<16xi32>
      %eq3A_545 = arith.cmpi eq, %get3A_407, %eq3A_544 : vector<16xi32>
      %jit3A_546 = arith.constant 0.000000e+00 : f32
      %broadcast_in_dim3A_547 = vector.broadcast %squeeze3A_395 : f32 to vector<16xf32>
      %broadcast_in_dim3A_548 = vector.broadcast %jit3A_546 : f32 to vector<16xf32>
      %select_n3A_549 = arith.select %eq3A_545, %broadcast_in_dim3A_547, %broadcast_in_dim3A_548 : vector<16xi1>, vector<16xf32>
      %add3A_550 = arith.addf %add3A_542, %select_n3A_549 : vector<16xf32>
      %swap3A_551 = arith.constant 3 : i32
      %swap3A_552 = arith.index_cast %swap3A_551 : i32 to index
      %swap3A_553 = arith.constant 0 : index
      %swap3A_554 = tpu.vector_load %arg7[%swap3A_552, %swap3A_553] {strides = array<i32>} : memref<32x128xf32, #tpu.memory_space<vmem>>, vector<1x16xf32>,
      %swap3A_555 = vector.shape_cast %swap3A_554 : vector<1x16xf32> to vector<16xf32>
      %swap3A_556 = vector.shape_cast %add3A_550 : vector<16xf32> to vector<1x16xf32>
      tpu.vector_store %arg7[%swap3A_552, %swap3A_553], %swap3A_556 {strides = array<i32>} : memref<32x128xf32, #tpu.memory_space<vmem>>, vector<1x16xf32>,
      %eq3A_557 = arith.constant 4 : i32
      %eq3A_558 = vector.broadcast %eq3A_557 : i32 to vector<16xi32>
      %eq3A_559 = arith.cmpi eq, %get3A_398, %eq3A_558 : vector<16xi32>
      %jit3A_560 = arith.constant 0.000000e+00 : f32
      %broadcast_in_dim3A_561 = vector.broadcast %squeeze3A : f32 to vector<16xf32>
      %broadcast_in_dim3A_562 = vector.broadcast %jit3A_560 : f32 to vector<16xf32>
      %select_n3A_563 = arith.select %eq3A_559, %broadcast_in_dim3A_561, %broadcast_in_dim3A_562 : vector<16xi1>, vector<16xf32>
      %add3A_564 = arith.addf %broadcast_in_dim3A_4, %select_n3A_563 : vector<16xf32>
      %eq3A_565 = arith.constant 4 : i32
      %eq3A_566 = vector.broadcast %eq3A_565 : i32 to vector<16xi32>
      %eq3A_567 = arith.cmpi eq, %get3A_401, %eq3A_566 : vector<16xi32>
      %jit3A_568 = arith.constant 0.000000e+00 : f32
      %broadcast_in_dim3A_569 = vector.broadcast %squeeze3A_391 : f32 to vector<16xf32>
      %broadcast_in_dim3A_570 = vector.broadcast %jit3A_568 : f32 to vector<16xf32>
      %select_n3A_571 = arith.select %eq3A_567, %broadcast_in_dim3A_569, %broadcast_in_dim3A_570 : vector<16xi1>, vector<16xf32>
      %add3A_572 = arith.addf %add3A_564, %select_n3A_571 : vector<16xf32>
      %eq3A_573 = arith.constant 4 : i32
      %eq3A_574 = vector.broadcast %eq3A_573 : i32 to vector<16xi32>
      %eq3A_575 = arith.cmpi eq, %get3A_404, %eq3A_574 : vector<16xi32>
      %jit3A_576 = arith.constant 0.000000e+00 : f32
      %broadcast_in_dim3A_577 = vector.broadcast %squeeze3A_393 : f32 to vector<16xf32>
      %broadcast_in_dim3A_578 = vector.broadcast %jit3A_576 : f32 to vector<16xf32>
      %select_n3A_579 = arith.select %eq3A_575, %broadcast_in_dim3A_577, %broadcast_in_dim3A_578 : vector<16xi1>, vector<16xf32>
      %add3A_580 = arith.addf %add3A_572, %select_n3A_579 : vector<16xf32>
      %eq3A_581 = arith.constant 4 : i32
      %eq3A_582 = vector.broadcast %eq3A_581 : i32 to vector<16xi32>
      %eq3A_583 = arith.cmpi eq, %get3A_407, %eq3A_582 : vector<16xi32>
      %jit3A_584 = arith.constant 0.000000e+00 : f32
      %broadcast_in_dim3A_585 = vector.broadcast %squeeze3A_395 : f32 to vector<16xf32>
      %broadcast_in_dim3A_586 = vector.broadcast %jit3A_584 : f32 to vector<16xf32>
      %select_n3A_587 = arith.select %eq3A_583, %broadcast_in_dim3A_585, %broadcast_in_dim3A_586 : vector<16xi1>, vector<16xf32>
      %add3A_588 = arith.addf %add3A_580, %select_n3A_587 : vector<16xf32>
      %swap3A_589 = arith.constant 4 : i32
      %swap3A_590 = arith.index_cast %swap3A_589 : i32 to index
      %swap3A_591 = arith.constant 0 : index
      %swap3A_592 = tpu.vector_load %arg7[%swap3A_590, %swap3A_591] {strides = array<i32>} : memref<32x128xf32, #tpu.memory_space<vmem>>, vector<1x16xf32>,
      %swap3A_593 = vector.shape_cast %swap3A_592 : vector<1x16xf32> to vector<16xf32>
      %swap3A_594 = vector.shape_cast %add3A_588 : vector<16xf32> to vector<1x16xf32>
      tpu.vector_store %arg7[%swap3A_590, %swap3A_591], %swap3A_594 {strides = array<i32>} : memref<32x128xf32, #tpu.memory_space<vmem>>, vector<1x16xf32>,
      %eq3A_595 = arith.constant 5 : i32
      %eq3A_596 = vector.broadcast %eq3A_595 : i32 to vector<16xi32>
      %eq3A_597 = arith.cmpi eq, %get3A_398, %eq3A_596 : vector<16xi32>
      %jit3A_598 = arith.constant 0.000000e+00 : f32
      %broadcast_in_dim3A_599 = vector.broadcast %squeeze3A : f32 to vector<16xf32>
      %broadcast_in_dim3A_600 = vector.broadcast %jit3A_598 : f32 to vector<16xf32>
      %select_n3A_601 = arith.select %eq3A_597, %broadcast_in_dim3A_599, %broadcast_in_dim3A_600 : vector<16xi1>, vector<16xf32>
      %add3A_602 = arith.addf %broadcast_in_dim3A_4, %select_n3A_601 : vector<16xf32>
      %eq3A_603 = arith.constant 5 : i32
      %eq3A_604 = vector.broadcast %eq3A_603 : i32 to vector<16xi32>
      %eq3A_605 = arith.cmpi eq, %get3A_401, %eq3A_604 : vector<16xi32>
      %jit3A_606 = arith.constant 0.000000e+00 : f32
      %broadcast_in_dim3A_607 = vector.broadcast %squeeze3A_391 : f32 to vector<16xf32>
      %broadcast_in_dim3A_608 = vector.broadcast %jit3A_606 : f32 to vector<16xf32>
      %select_n3A_609 = arith.select %eq3A_605, %broadcast_in_dim3A_607, %broadcast_in_dim3A_608 : vector<16xi1>, vector<16xf32>
      %add3A_610 = arith.addf %add3A_602, %select_n3A_609 : vector<16xf32>
      %eq3A_611 = arith.constant 5 : i32
      %eq3A_612 = vector.broadcast %eq3A_611 : i32 to vector<16xi32>
      %eq3A_613 = arith.cmpi eq, %get3A_404, %eq3A_612 : vector<16xi32>
      %jit3A_614 = arith.constant 0.000000e+00 : f32
      %broadcast_in_dim3A_615 = vector.broadcast %squeeze3A_393 : f32 to vector<16xf32>
      %broadcast_in_dim3A_616 = vector.broadcast %jit3A_614 : f32 to vector<16xf32>
      %select_n3A_617 = arith.select %eq3A_613, %broadcast_in_dim3A_615, %broadcast_in_dim3A_616 : vector<16xi1>, vector<16xf32>
      %add3A_618 = arith.addf %add3A_610, %select_n3A_617 : vector<16xf32>
      %eq3A_619 = arith.constant 5 : i32
      %eq3A_620 = vector.broadcast %eq3A_619 : i32 to vector<16xi32>
      %eq3A_621 = arith.cmpi eq, %get3A_407, %eq3A_620 : vector<16xi32>
      %jit3A_622 = arith.constant 0.000000e+00 : f32
      %broadcast_in_dim3A_623 = vector.broadcast %squeeze3A_395 : f32 to vector<16xf32>
      %broadcast_in_dim3A_624 = vector.broadcast %jit3A_622 : f32 to vector<16xf32>
      %select_n3A_625 = arith.select %eq3A_621, %broadcast_in_dim3A_623, %broadcast_in_dim3A_624 : vector<16xi1>, vector<16xf32>
      %add3A_626 = arith.addf %add3A_618, %select_n3A_625 : vector<16xf32>
      %swap3A_627 = arith.constant 5 : i32
      %swap3A_628 = arith.index_cast %swap3A_627 : i32 to index
      %swap3A_629 = arith.constant 0 : index
      %swap3A_630 = tpu.vector_load %arg7[%swap3A_628, %swap3A_629] {strides = array<i32>} : memref<32x128xf32, #tpu.memory_space<vmem>>, vector<1x16xf32>,
      %swap3A_631 = vector.shape_cast %swap3A_630 : vector<1x16xf32> to vector<16xf32>
      %swap3A_632 = vector.shape_cast %add3A_626 : vector<16xf32> to vector<1x16xf32>
      tpu.vector_store %arg7[%swap3A_628, %swap3A_629], %swap3A_632 {strides = array<i32>} : memref<32x128xf32, #tpu.memory_space<vmem>>, vector<1x16xf32>,
      %eq3A_633 = arith.constant 6 : i32
      %eq3A_634 = vector.broadcast %eq3A_633 : i32 to vector<16xi32>
      %eq3A_635 = arith.cmpi eq, %get3A_398, %eq3A_634 : vector<16xi32>
      %jit3A_636 = arith.constant 0.000000e+00 : f32
      %broadcast_in_dim3A_637 = vector.broadcast %squeeze3A : f32 to vector<16xf32>
      %broadcast_in_dim3A_638 = vector.broadcast %jit3A_636 : f32 to vector<16xf32>
      %select_n3A_639 = arith.select %eq3A_635, %broadcast_in_dim3A_637, %broadcast_in_dim3A_638 : vector<16xi1>, vector<16xf32>
      %add3A_640 = arith.addf %broadcast_in_dim3A_4, %select_n3A_639 : vector<16xf32>
      %eq3A_641 = arith.constant 6 : i32
      %eq3A_642 = vector.broadcast %eq3A_641 : i32 to vector<16xi32>
      %eq3A_643 = arith.cmpi eq, %get3A_401, %eq3A_642 : vector<16xi32>
      %jit3A_644 = arith.constant 0.000000e+00 : f32
      %broadcast_in_dim3A_645 = vector.broadcast %squeeze3A_391 : f32 to vector<16xf32>
      %broadcast_in_dim3A_646 = vector.broadcast %jit3A_644 : f32 to vector<16xf32>
      %select_n3A_647 = arith.select %eq3A_643, %broadcast_in_dim3A_645, %broadcast_in_dim3A_646 : vector<16xi1>, vector<16xf32>
      %add3A_648 = arith.addf %add3A_640, %select_n3A_647 : vector<16xf32>
      %eq3A_649 = arith.constant 6 : i32
      %eq3A_650 = vector.broadcast %eq3A_649 : i32 to vector<16xi32>
      %eq3A_651 = arith.cmpi eq, %get3A_404, %eq3A_650 : vector<16xi32>
      %jit3A_652 = arith.constant 0.000000e+00 : f32
      %broadcast_in_dim3A_653 = vector.broadcast %squeeze3A_393 : f32 to vector<16xf32>
      %broadcast_in_dim3A_654 = vector.broadcast %jit3A_652 : f32 to vector<16xf32>
      %select_n3A_655 = arith.select %eq3A_651, %broadcast_in_dim3A_653, %broadcast_in_dim3A_654 : vector<16xi1>, vector<16xf32>
      %add3A_656 = arith.addf %add3A_648, %select_n3A_655 : vector<16xf32>
      %eq3A_657 = arith.constant 6 : i32
      %eq3A_658 = vector.broadcast %eq3A_657 : i32 to vector<16xi32>
      %eq3A_659 = arith.cmpi eq, %get3A_407, %eq3A_658 : vector<16xi32>
      %jit3A_660 = arith.constant 0.000000e+00 : f32
      %broadcast_in_dim3A_661 = vector.broadcast %squeeze3A_395 : f32 to vector<16xf32>
      %broadcast_in_dim3A_662 = vector.broadcast %jit3A_660 : f32 to vector<16xf32>
      %select_n3A_663 = arith.select %eq3A_659, %broadcast_in_dim3A_661, %broadcast_in_dim3A_662 : vector<16xi1>, vector<16xf32>
      %add3A_664 = arith.addf %add3A_656, %select_n3A_663 : vector<16xf32>
      %swap3A_665 = arith.constant 6 : i32
      %swap3A_666 = arith.index_cast %swap3A_665 : i32 to index
      %swap3A_667 = arith.constant 0 : index
      %swap3A_668 = tpu.vector_load %arg7[%swap3A_666, %swap3A_667] {strides = array<i32>} : memref<32x128xf32, #tpu.memory_space<vmem>>, vector<1x16xf32>,
      %swap3A_669 = vector.shape_cast %swap3A_668 : vector<1x16xf32> to vector<16xf32>
      %swap3A_670 = vector.shape_cast %add3A_664 : vector<16xf32> to vector<1x16xf32>
      tpu.vector_store %arg7[%swap3A_666, %swap3A_667], %swap3A_670 {strides = array<i32>} : memref<32x128xf32, #tpu.memory_space<vmem>>, vector<1x16xf32>,
      %eq3A_671 = arith.constant 7 : i32
      %eq3A_672 = vector.broadcast %eq3A_671 : i32 to vector<16xi32>
      %eq3A_673 = arith.cmpi eq, %get3A_398, %eq3A_672 : vector<16xi32>
      %jit3A_674 = arith.constant 0.000000e+00 : f32
      %broadcast_in_dim3A_675 = vector.broadcast %squeeze3A : f32 to vector<16xf32>
      %broadcast_in_dim3A_676 = vector.broadcast %jit3A_674 : f32 to vector<16xf32>
      %select_n3A_677 = arith.select %eq3A_673, %broadcast_in_dim3A_675, %broadcast_in_dim3A_676 : vector<16xi1>, vector<16xf32>
      %add3A_678 = arith.addf %broadcast_in_dim3A_4, %select_n3A_677 : vector<16xf32>
      %eq3A_679 = arith.constant 7 : i32
      %eq3A_680 = vector.broadcast %eq3A_679 : i32 to vector<16xi32>
      %eq3A_681 = arith.cmpi eq, %get3A_401, %eq3A_680 : vector<16xi32>
      %jit3A_682 = arith.constant 0.000000e+00 : f32
      %broadcast_in_dim3A_683 = vector.broadcast %squeeze3A_391 : f32 to vector<16xf32>
      %broadcast_in_dim3A_684 = vector.broadcast %jit3A_682 : f32 to vector<16xf32>
      %select_n3A_685 = arith.select %eq3A_681, %broadcast_in_dim3A_683, %broadcast_in_dim3A_684 : vector<16xi1>, vector<16xf32>
      %add3A_686 = arith.addf %add3A_678, %select_n3A_685 : vector<16xf32>
      %eq3A_687 = arith.constant 7 : i32
      %eq3A_688 = vector.broadcast %eq3A_687 : i32 to vector<16xi32>
      %eq3A_689 = arith.cmpi eq, %get3A_404, %eq3A_688 : vector<16xi32>
      %jit3A_690 = arith.constant 0.000000e+00 : f32
      %broadcast_in_dim3A_691 = vector.broadcast %squeeze3A_393 : f32 to vector<16xf32>
      %broadcast_in_dim3A_692 = vector.broadcast %jit3A_690 : f32 to vector<16xf32>
      %select_n3A_693 = arith.select %eq3A_689, %broadcast_in_dim3A_691, %broadcast_in_dim3A_692 : vector<16xi1>, vector<16xf32>
      %add3A_694 = arith.addf %add3A_686, %select_n3A_693 : vector<16xf32>
      %eq3A_695 = arith.constant 7 : i32
      %eq3A_696 = vector.broadcast %eq3A_695 : i32 to vector<16xi32>
      %eq3A_697 = arith.cmpi eq, %get3A_407, %eq3A_696 : vector<16xi32>
      %jit3A_698 = arith.constant 0.000000e+00 : f32
      %broadcast_in_dim3A_699 = vector.broadcast %squeeze3A_395 : f32 to vector<16xf32>
      %broadcast_in_dim3A_700 = vector.broadcast %jit3A_698 : f32 to vector<16xf32>
      %select_n3A_701 = arith.select %eq3A_697, %broadcast_in_dim3A_699, %broadcast_in_dim3A_700 : vector<16xi1>, vector<16xf32>
      %add3A_702 = arith.addf %add3A_694, %select_n3A_701 : vector<16xf32>
      %swap3A_703 = arith.constant 7 : i32
      %swap3A_704 = arith.index_cast %swap3A_703 : i32 to index
      %swap3A_705 = arith.constant 0 : index
      %swap3A_706 = tpu.vector_load %arg7[%swap3A_704, %swap3A_705] {strides = array<i32>} : memref<32x128xf32, #tpu.memory_space<vmem>>, vector<1x16xf32>,
      %swap3A_707 = vector.shape_cast %swap3A_706 : vector<1x16xf32> to vector<16xf32>
      %swap3A_708 = vector.shape_cast %add3A_702 : vector<16xf32> to vector<1x16xf32>
      tpu.vector_store %arg7[%swap3A_704, %swap3A_705], %swap3A_708 {strides = array<i32>} : memref<32x128xf32, #tpu.memory_space<vmem>>, vector<1x16xf32>,
      %eq3A_709 = arith.constant 8 : i32
      %eq3A_710 = vector.broadcast %eq3A_709 : i32 to vector<16xi32>
      %eq3A_711 = arith.cmpi eq, %get3A_398, %eq3A_710 : vector<16xi32>
      %jit3A_712 = arith.constant 0.000000e+00 : f32
      %broadcast_in_dim3A_713 = vector.broadcast %squeeze3A : f32 to vector<16xf32>
      %broadcast_in_dim3A_714 = vector.broadcast %jit3A_712 : f32 to vector<16xf32>
      %select_n3A_715 = arith.select %eq3A_711, %broadcast_in_dim3A_713, %broadcast_in_dim3A_714 : vector<16xi1>, vector<16xf32>
      %add3A_716 = arith.addf %broadcast_in_dim3A_4, %select_n3A_715 : vector<16xf32>
      %eq3A_717 = arith.constant 8 : i32
      %eq3A_718 = vector.broadcast %eq3A_717 : i32 to vector<16xi32>
      %eq3A_719 = arith.cmpi eq, %get3A_401, %eq3A_718 : vector<16xi32>
      %jit3A_720 = arith.constant 0.000000e+00 : f32
      %broadcast_in_dim3A_721 = vector.broadcast %squeeze3A_391 : f32 to vector<16xf32>
      %broadcast_in_dim3A_722 = vector.broadcast %jit3A_720 : f32 to vector<16xf32>
      %select_n3A_723 = arith.select %eq3A_719, %broadcast_in_dim3A_721, %broadcast_in_dim3A_722 : vector<16xi1>, vector<16xf32>
      %add3A_724 = arith.addf %add3A_716, %select_n3A_723 : vector<16xf32>
      %eq3A_725 = arith.constant 8 : i32
      %eq3A_726 = vector.broadcast %eq3A_725 : i32 to vector<16xi32>
      %eq3A_727 = arith.cmpi eq, %get3A_404, %eq3A_726 : vector<16xi32>
      %jit3A_728 = arith.constant 0.000000e+00 : f32
      %broadcast_in_dim3A_729 = vector.broadcast %squeeze3A_393 : f32 to vector<16xf32>
      %broadcast_in_dim3A_730 = vector.broadcast %jit3A_728 : f32 to vector<16xf32>
      %select_n3A_731 = arith.select %eq3A_727, %broadcast_in_dim3A_729, %broadcast_in_dim3A_730 : vector<16xi1>, vector<16xf32>
      %add3A_732 = arith.addf %add3A_724, %select_n3A_731 : vector<16xf32>
      %eq3A_733 = arith.constant 8 : i32
      %eq3A_734 = vector.broadcast %eq3A_733 : i32 to vector<16xi32>
      %eq3A_735 = arith.cmpi eq, %get3A_407, %eq3A_734 : vector<16xi32>
      %jit3A_736 = arith.constant 0.000000e+00 : f32
      %broadcast_in_dim3A_737 = vector.broadcast %squeeze3A_395 : f32 to vector<16xf32>
      %broadcast_in_dim3A_738 = vector.broadcast %jit3A_736 : f32 to vector<16xf32>
      %select_n3A_739 = arith.select %eq3A_735, %broadcast_in_dim3A_737, %broadcast_in_dim3A_738 : vector<16xi1>, vector<16xf32>
      %add3A_740 = arith.addf %add3A_732, %select_n3A_739 : vector<16xf32>
      %swap3A_741 = arith.constant 8 : i32
      %swap3A_742 = arith.index_cast %swap3A_741 : i32 to index
      %swap3A_743 = arith.constant 0 : index
      %swap3A_744 = tpu.vector_load %arg7[%swap3A_742, %swap3A_743] {strides = array<i32>} : memref<32x128xf32, #tpu.memory_space<vmem>>, vector<1x16xf32>,
      %swap3A_745 = vector.shape_cast %swap3A_744 : vector<1x16xf32> to vector<16xf32>
      %swap3A_746 = vector.shape_cast %add3A_740 : vector<16xf32> to vector<1x16xf32>
      tpu.vector_store %arg7[%swap3A_742, %swap3A_743], %swap3A_746 {strides = array<i32>} : memref<32x128xf32, #tpu.memory_space<vmem>>, vector<1x16xf32>,
      %eq3A_747 = arith.constant 9 : i32
      %eq3A_748 = vector.broadcast %eq3A_747 : i32 to vector<16xi32>
      %eq3A_749 = arith.cmpi eq, %get3A_398, %eq3A_748 : vector<16xi32>
      %jit3A_750 = arith.constant 0.000000e+00 : f32
      %broadcast_in_dim3A_751 = vector.broadcast %squeeze3A : f32 to vector<16xf32>
      %broadcast_in_dim3A_752 = vector.broadcast %jit3A_750 : f32 to vector<16xf32>
      %select_n3A_753 = arith.select %eq3A_749, %broadcast_in_dim3A_751, %broadcast_in_dim3A_752 : vector<16xi1>, vector<16xf32>
      %add3A_754 = arith.addf %broadcast_in_dim3A_4, %select_n3A_753 : vector<16xf32>
      %eq3A_755 = arith.constant 9 : i32
      %eq3A_756 = vector.broadcast %eq3A_755 : i32 to vector<16xi32>
      %eq3A_757 = arith.cmpi eq, %get3A_401, %eq3A_756 : vector<16xi32>
      %jit3A_758 = arith.constant 0.000000e+00 : f32
      %broadcast_in_dim3A_759 = vector.broadcast %squeeze3A_391 : f32 to vector<16xf32>
      %broadcast_in_dim3A_760 = vector.broadcast %jit3A_758 : f32 to vector<16xf32>
      %select_n3A_761 = arith.select %eq3A_757, %broadcast_in_dim3A_759, %broadcast_in_dim3A_760 : vector<16xi1>, vector<16xf32>
      %add3A_762 = arith.addf %add3A_754, %select_n3A_761 : vector<16xf32>
      %eq3A_763 = arith.constant 9 : i32
      %eq3A_764 = vector.broadcast %eq3A_763 : i32 to vector<16xi32>
      %eq3A_765 = arith.cmpi eq, %get3A_404, %eq3A_764 : vector<16xi32>
      %jit3A_766 = arith.constant 0.000000e+00 : f32
      %broadcast_in_dim3A_767 = vector.broadcast %squeeze3A_393 : f32 to vector<16xf32>
      %broadcast_in_dim3A_768 = vector.broadcast %jit3A_766 : f32 to vector<16xf32>
      %select_n3A_769 = arith.select %eq3A_765, %broadcast_in_dim3A_767, %broadcast_in_dim3A_768 : vector<16xi1>, vector<16xf32>
      %add3A_770 = arith.addf %add3A_762, %select_n3A_769 : vector<16xf32>
      %eq3A_771 = arith.constant 9 : i32
      %eq3A_772 = vector.broadcast %eq3A_771 : i32 to vector<16xi32>
      %eq3A_773 = arith.cmpi eq, %get3A_407, %eq3A_772 : vector<16xi32>
      %jit3A_774 = arith.constant 0.000000e+00 : f32
      %broadcast_in_dim3A_775 = vector.broadcast %squeeze3A_395 : f32 to vector<16xf32>
      %broadcast_in_dim3A_776 = vector.broadcast %jit3A_774 : f32 to vector<16xf32>
      %select_n3A_777 = arith.select %eq3A_773, %broadcast_in_dim3A_775, %broadcast_in_dim3A_776 : vector<16xi1>, vector<16xf32>
      %add3A_778 = arith.addf %add3A_770, %select_n3A_777 : vector<16xf32>
      %swap3A_779 = arith.constant 9 : i32
      %swap3A_780 = arith.index_cast %swap3A_779 : i32 to index
      %swap3A_781 = arith.constant 0 : index
      %swap3A_782 = tpu.vector_load %arg7[%swap3A_780, %swap3A_781] {strides = array<i32>} : memref<32x128xf32, #tpu.memory_space<vmem>>, vector<1x16xf32>,
      %swap3A_783 = vector.shape_cast %swap3A_782 : vector<1x16xf32> to vector<16xf32>
      %swap3A_784 = vector.shape_cast %add3A_778 : vector<16xf32> to vector<1x16xf32>
      tpu.vector_store %arg7[%swap3A_780, %swap3A_781], %swap3A_784 {strides = array<i32>} : memref<32x128xf32, #tpu.memory_space<vmem>>, vector<1x16xf32>,
      %eq3A_785 = arith.constant 10 : i32
      %eq3A_786 = vector.broadcast %eq3A_785 : i32 to vector<16xi32>
      %eq3A_787 = arith.cmpi eq, %get3A_398, %eq3A_786 : vector<16xi32>
      %jit3A_788 = arith.constant 0.000000e+00 : f32
      %broadcast_in_dim3A_789 = vector.broadcast %squeeze3A : f32 to vector<16xf32>
      %broadcast_in_dim3A_790 = vector.broadcast %jit3A_788 : f32 to vector<16xf32>
      %select_n3A_791 = arith.select %eq3A_787, %broadcast_in_dim3A_789, %broadcast_in_dim3A_790 : vector<16xi1>, vector<16xf32>
      %add3A_792 = arith.addf %broadcast_in_dim3A_4, %select_n3A_791 : vector<16xf32>
      %eq3A_793 = arith.constant 10 : i32
      %eq3A_794 = vector.broadcast %eq3A_793 : i32 to vector<16xi32>
      %eq3A_795 = arith.cmpi eq, %get3A_401, %eq3A_794 : vector<16xi32>
      %jit3A_796 = arith.constant 0.000000e+00 : f32
      %broadcast_in_dim3A_797 = vector.broadcast %squeeze3A_391 : f32 to vector<16xf32>
      %broadcast_in_dim3A_798 = vector.broadcast %jit3A_796 : f32 to vector<16xf32>
      %select_n3A_799 = arith.select %eq3A_795, %broadcast_in_dim3A_797, %broadcast_in_dim3A_798 : vector<16xi1>, vector<16xf32>
      %add3A_800 = arith.addf %add3A_792, %select_n3A_799 : vector<16xf32>
      %eq3A_801 = arith.constant 10 : i32
      %eq3A_802 = vector.broadcast %eq3A_801 : i32 to vector<16xi32>
      %eq3A_803 = arith.cmpi eq, %get3A_404, %eq3A_802 : vector<16xi32>
      %jit3A_804 = arith.constant 0.000000e+00 : f32
      %broadcast_in_dim3A_805 = vector.broadcast %squeeze3A_393 : f32 to vector<16xf32>
      %broadcast_in_dim3A_806 = vector.broadcast %jit3A_804 : f32 to vector<16xf32>
      %select_n3A_807 = arith.select %eq3A_803, %broadcast_in_dim3A_805, %broadcast_in_dim3A_806 : vector<16xi1>, vector<16xf32>
      %add3A_808 = arith.addf %add3A_800, %select_n3A_807 : vector<16xf32>
      %eq3A_809 = arith.constant 10 : i32
      %eq3A_810 = vector.broadcast %eq3A_809 : i32 to vector<16xi32>
      %eq3A_811 = arith.cmpi eq, %get3A_407, %eq3A_810 : vector<16xi32>
      %jit3A_812 = arith.constant 0.000000e+00 : f32
      %broadcast_in_dim3A_813 = vector.broadcast %squeeze3A_395 : f32 to vector<16xf32>
      %broadcast_in_dim3A_814 = vector.broadcast %jit3A_812 : f32 to vector<16xf32>
      %select_n3A_815 = arith.select %eq3A_811, %broadcast_in_dim3A_813, %broadcast_in_dim3A_814 : vector<16xi1>, vector<16xf32>
      %add3A_816 = arith.addf %add3A_808, %select_n3A_815 : vector<16xf32>
      %swap3A_817 = arith.constant 10 : i32
      %swap3A_818 = arith.index_cast %swap3A_817 : i32 to index
      %swap3A_819 = arith.constant 0 : index
      %swap3A_820 = tpu.vector_load %arg7[%swap3A_818, %swap3A_819] {strides = array<i32>} : memref<32x128xf32, #tpu.memory_space<vmem>>, vector<1x16xf32>,
      %swap3A_821 = vector.shape_cast %swap3A_820 : vector<1x16xf32> to vector<16xf32>
      %swap3A_822 = vector.shape_cast %add3A_816 : vector<16xf32> to vector<1x16xf32>
      tpu.vector_store %arg7[%swap3A_818, %swap3A_819], %swap3A_822 {strides = array<i32>} : memref<32x128xf32, #tpu.memory_space<vmem>>, vector<1x16xf32>,
      %eq3A_823 = arith.constant 11 : i32
      %eq3A_824 = vector.broadcast %eq3A_823 : i32 to vector<16xi32>
      %eq3A_825 = arith.cmpi eq, %get3A_398, %eq3A_824 : vector<16xi32>
      %jit3A_826 = arith.constant 0.000000e+00 : f32
      %broadcast_in_dim3A_827 = vector.broadcast %squeeze3A : f32 to vector<16xf32>
      %broadcast_in_dim3A_828 = vector.broadcast %jit3A_826 : f32 to vector<16xf32>
      %select_n3A_829 = arith.select %eq3A_825, %broadcast_in_dim3A_827, %broadcast_in_dim3A_828 : vector<16xi1>, vector<16xf32>
      %add3A_830 = arith.addf %broadcast_in_dim3A_4, %select_n3A_829 : vector<16xf32>
      %eq3A_831 = arith.constant 11 : i32
      %eq3A_832 = vector.broadcast %eq3A_831 : i32 to vector<16xi32>
      %eq3A_833 = arith.cmpi eq, %get3A_401, %eq3A_832 : vector<16xi32>
      %jit3A_834 = arith.constant 0.000000e+00 : f32
      %broadcast_in_dim3A_835 = vector.broadcast %squeeze3A_391 : f32 to vector<16xf32>
      %broadcast_in_dim3A_836 = vector.broadcast %jit3A_834 : f32 to vector<16xf32>
      %select_n3A_837 = arith.select %eq3A_833, %broadcast_in_dim3A_835, %broadcast_in_dim3A_836 : vector<16xi1>, vector<16xf32>
      %add3A_838 = arith.addf %add3A_830, %select_n3A_837 : vector<16xf32>
      %eq3A_839 = arith.constant 11 : i32
      %eq3A_840 = vector.broadcast %eq3A_839 : i32 to vector<16xi32>
      %eq3A_841 = arith.cmpi eq, %get3A_404, %eq3A_840 : vector<16xi32>
      %jit3A_842 = arith.constant 0.000000e+00 : f32
      %broadcast_in_dim3A_843 = vector.broadcast %squeeze3A_393 : f32 to vector<16xf32>
      %broadcast_in_dim3A_844 = vector.broadcast %jit3A_842 : f32 to vector<16xf32>
      %select_n3A_845 = arith.select %eq3A_841, %broadcast_in_dim3A_843, %broadcast_in_dim3A_844 : vector<16xi1>, vector<16xf32>
      %add3A_846 = arith.addf %add3A_838, %select_n3A_845 : vector<16xf32>
      %eq3A_847 = arith.constant 11 : i32
      %eq3A_848 = vector.broadcast %eq3A_847 : i32 to vector<16xi32>
      %eq3A_849 = arith.cmpi eq, %get3A_407, %eq3A_848 : vector<16xi32>
      %jit3A_850 = arith.constant 0.000000e+00 : f32
      %broadcast_in_dim3A_851 = vector.broadcast %squeeze3A_395 : f32 to vector<16xf32>
      %broadcast_in_dim3A_852 = vector.broadcast %jit3A_850 : f32 to vector<16xf32>
      %select_n3A_853 = arith.select %eq3A_849, %broadcast_in_dim3A_851, %broadcast_in_dim3A_852 : vector<16xi1>, vector<16xf32>
      %add3A_854 = arith.addf %add3A_846, %select_n3A_853 : vector<16xf32>
      %swap3A_855 = arith.constant 11 : i32
      %swap3A_856 = arith.index_cast %swap3A_855 : i32 to index
      %swap3A_857 = arith.constant 0 : index
      %swap3A_858 = tpu.vector_load %arg7[%swap3A_856, %swap3A_857] {strides = array<i32>} : memref<32x128xf32, #tpu.memory_space<vmem>>, vector<1x16xf32>,
      %swap3A_859 = vector.shape_cast %swap3A_858 : vector<1x16xf32> to vector<16xf32>
      %swap3A_860 = vector.shape_cast %add3A_854 : vector<16xf32> to vector<1x16xf32>
      tpu.vector_store %arg7[%swap3A_856, %swap3A_857], %swap3A_860 {strides = array<i32>} : memref<32x128xf32, #tpu.memory_space<vmem>>, vector<1x16xf32>,
      %eq3A_861 = arith.constant 12 : i32
      %eq3A_862 = vector.broadcast %eq3A_861 : i32 to vector<16xi32>
      %eq3A_863 = arith.cmpi eq, %get3A_398, %eq3A_862 : vector<16xi32>
      %jit3A_864 = arith.constant 0.000000e+00 : f32
      %broadcast_in_dim3A_865 = vector.broadcast %squeeze3A : f32 to vector<16xf32>
      %broadcast_in_dim3A_866 = vector.broadcast %jit3A_864 : f32 to vector<16xf32>
      %select_n3A_867 = arith.select %eq3A_863, %broadcast_in_dim3A_865, %broadcast_in_dim3A_866 : vector<16xi1>, vector<16xf32>
      %add3A_868 = arith.addf %broadcast_in_dim3A_4, %select_n3A_867 : vector<16xf32>
      %eq3A_869 = arith.constant 12 : i32
      %eq3A_870 = vector.broadcast %eq3A_869 : i32 to vector<16xi32>
      %eq3A_871 = arith.cmpi eq, %get3A_401, %eq3A_870 : vector<16xi32>
      %jit3A_872 = arith.constant 0.000000e+00 : f32
      %broadcast_in_dim3A_873 = vector.broadcast %squeeze3A_391 : f32 to vector<16xf32>
      %broadcast_in_dim3A_874 = vector.broadcast %jit3A_872 : f32 to vector<16xf32>
      %select_n3A_875 = arith.select %eq3A_871, %broadcast_in_dim3A_873, %broadcast_in_dim3A_874 : vector<16xi1>, vector<16xf32>
      %add3A_876 = arith.addf %add3A_868, %select_n3A_875 : vector<16xf32>
      %eq3A_877 = arith.constant 12 : i32
      %eq3A_878 = vector.broadcast %eq3A_877 : i32 to vector<16xi32>
      %eq3A_879 = arith.cmpi eq, %get3A_404, %eq3A_878 : vector<16xi32>
      %jit3A_880 = arith.constant 0.000000e+00 : f32
      %broadcast_in_dim3A_881 = vector.broadcast %squeeze3A_393 : f32 to vector<16xf32>
      %broadcast_in_dim3A_882 = vector.broadcast %jit3A_880 : f32 to vector<16xf32>
      %select_n3A_883 = arith.select %eq3A_879, %broadcast_in_dim3A_881, %broadcast_in_dim3A_882 : vector<16xi1>, vector<16xf32>
      %add3A_884 = arith.addf %add3A_876, %select_n3A_883 : vector<16xf32>
      %eq3A_885 = arith.constant 12 : i32
      %eq3A_886 = vector.broadcast %eq3A_885 : i32 to vector<16xi32>
      %eq3A_887 = arith.cmpi eq, %get3A_407, %eq3A_886 : vector<16xi32>
      %jit3A_888 = arith.constant 0.000000e+00 : f32
      %broadcast_in_dim3A_889 = vector.broadcast %squeeze3A_395 : f32 to vector<16xf32>
      %broadcast_in_dim3A_890 = vector.broadcast %jit3A_888 : f32 to vector<16xf32>
      %select_n3A_891 = arith.select %eq3A_887, %broadcast_in_dim3A_889, %broadcast_in_dim3A_890 : vector<16xi1>, vector<16xf32>
      %add3A_892 = arith.addf %add3A_884, %select_n3A_891 : vector<16xf32>
      %swap3A_893 = arith.constant 12 : i32
      %swap3A_894 = arith.index_cast %swap3A_893 : i32 to index
      %swap3A_895 = arith.constant 0 : index
      %swap3A_896 = tpu.vector_load %arg7[%swap3A_894, %swap3A_895] {strides = array<i32>} : memref<32x128xf32, #tpu.memory_space<vmem>>, vector<1x16xf32>,
      %swap3A_897 = vector.shape_cast %swap3A_896 : vector<1x16xf32> to vector<16xf32>
      %swap3A_898 = vector.shape_cast %add3A_892 : vector<16xf32> to vector<1x16xf32>
      tpu.vector_store %arg7[%swap3A_894, %swap3A_895], %swap3A_898 {strides = array<i32>} : memref<32x128xf32, #tpu.memory_space<vmem>>, vector<1x16xf32>,
      %eq3A_899 = arith.constant 13 : i32
      %eq3A_900 = vector.broadcast %eq3A_899 : i32 to vector<16xi32>
      %eq3A_901 = arith.cmpi eq, %get3A_398, %eq3A_900 : vector<16xi32>
      %jit3A_902 = arith.constant 0.000000e+00 : f32
      %broadcast_in_dim3A_903 = vector.broadcast %squeeze3A : f32 to vector<16xf32>
      %broadcast_in_dim3A_904 = vector.broadcast %jit3A_902 : f32 to vector<16xf32>
      %select_n3A_905 = arith.select %eq3A_901, %broadcast_in_dim3A_903, %broadcast_in_dim3A_904 : vector<16xi1>, vector<16xf32>
      %add3A_906 = arith.addf %broadcast_in_dim3A_4, %select_n3A_905 : vector<16xf32>
      %eq3A_907 = arith.constant 13 : i32
      %eq3A_908 = vector.broadcast %eq3A_907 : i32 to vector<16xi32>
      %eq3A_909 = arith.cmpi eq, %get3A_401, %eq3A_908 : vector<16xi32>
      %jit3A_910 = arith.constant 0.000000e+00 : f32
      %broadcast_in_dim3A_911 = vector.broadcast %squeeze3A_391 : f32 to vector<16xf32>
      %broadcast_in_dim3A_912 = vector.broadcast %jit3A_910 : f32 to vector<16xf32>
      %select_n3A_913 = arith.select %eq3A_909, %broadcast_in_dim3A_911, %broadcast_in_dim3A_912 : vector<16xi1>, vector<16xf32>
      %add3A_914 = arith.addf %add3A_906, %select_n3A_913 : vector<16xf32>
      %eq3A_915 = arith.constant 13 : i32
      %eq3A_916 = vector.broadcast %eq3A_915 : i32 to vector<16xi32>
      %eq3A_917 = arith.cmpi eq, %get3A_404, %eq3A_916 : vector<16xi32>
      %jit3A_918 = arith.constant 0.000000e+00 : f32
      %broadcast_in_dim3A_919 = vector.broadcast %squeeze3A_393 : f32 to vector<16xf32>
      %broadcast_in_dim3A_920 = vector.broadcast %jit3A_918 : f32 to vector<16xf32>
      %select_n3A_921 = arith.select %eq3A_917, %broadcast_in_dim3A_919, %broadcast_in_dim3A_920 : vector<16xi1>, vector<16xf32>
      %add3A_922 = arith.addf %add3A_914, %select_n3A_921 : vector<16xf32>
      %eq3A_923 = arith.constant 13 : i32
      %eq3A_924 = vector.broadcast %eq3A_923 : i32 to vector<16xi32>
      %eq3A_925 = arith.cmpi eq, %get3A_407, %eq3A_924 : vector<16xi32>
      %jit3A_926 = arith.constant 0.000000e+00 : f32
      %broadcast_in_dim3A_927 = vector.broadcast %squeeze3A_395 : f32 to vector<16xf32>
      %broadcast_in_dim3A_928 = vector.broadcast %jit3A_926 : f32 to vector<16xf32>
      %select_n3A_929 = arith.select %eq3A_925, %broadcast_in_dim3A_927, %broadcast_in_dim3A_928 : vector<16xi1>, vector<16xf32>
      %add3A_930 = arith.addf %add3A_922, %select_n3A_929 : vector<16xf32>
      %swap3A_931 = arith.constant 13 : i32
      %swap3A_932 = arith.index_cast %swap3A_931 : i32 to index
      %swap3A_933 = arith.constant 0 : index
      %swap3A_934 = tpu.vector_load %arg7[%swap3A_932, %swap3A_933] {strides = array<i32>} : memref<32x128xf32, #tpu.memory_space<vmem>>, vector<1x16xf32>,
      %swap3A_935 = vector.shape_cast %swap3A_934 : vector<1x16xf32> to vector<16xf32>
      %swap3A_936 = vector.shape_cast %add3A_930 : vector<16xf32> to vector<1x16xf32>
      tpu.vector_store %arg7[%swap3A_932, %swap3A_933], %swap3A_936 {strides = array<i32>} : memref<32x128xf32, #tpu.memory_space<vmem>>, vector<1x16xf32>,
      %eq3A_937 = arith.constant 14 : i32
      %eq3A_938 = vector.broadcast %eq3A_937 : i32 to vector<16xi32>
      %eq3A_939 = arith.cmpi eq, %get3A_398, %eq3A_938 : vector<16xi32>
      %jit3A_940 = arith.constant 0.000000e+00 : f32
      %broadcast_in_dim3A_941 = vector.broadcast %squeeze3A : f32 to vector<16xf32>
      %broadcast_in_dim3A_942 = vector.broadcast %jit3A_940 : f32 to vector<16xf32>
      %select_n3A_943 = arith.select %eq3A_939, %broadcast_in_dim3A_941, %broadcast_in_dim3A_942 : vector<16xi1>, vector<16xf32>
      %add3A_944 = arith.addf %broadcast_in_dim3A_4, %select_n3A_943 : vector<16xf32>
      %eq3A_945 = arith.constant 14 : i32
      %eq3A_946 = vector.broadcast %eq3A_945 : i32 to vector<16xi32>
      %eq3A_947 = arith.cmpi eq, %get3A_401, %eq3A_946 : vector<16xi32>
      %jit3A_948 = arith.constant 0.000000e+00 : f32
      %broadcast_in_dim3A_949 = vector.broadcast %squeeze3A_391 : f32 to vector<16xf32>
      %broadcast_in_dim3A_950 = vector.broadcast %jit3A_948 : f32 to vector<16xf32>
      %select_n3A_951 = arith.select %eq3A_947, %broadcast_in_dim3A_949, %broadcast_in_dim3A_950 : vector<16xi1>, vector<16xf32>
      %add3A_952 = arith.addf %add3A_944, %select_n3A_951 : vector<16xf32>
      %eq3A_953 = arith.constant 14 : i32
      %eq3A_954 = vector.broadcast %eq3A_953 : i32 to vector<16xi32>
      %eq3A_955 = arith.cmpi eq, %get3A_404, %eq3A_954 : vector<16xi32>
      %jit3A_956 = arith.constant 0.000000e+00 : f32
      %broadcast_in_dim3A_957 = vector.broadcast %squeeze3A_393 : f32 to vector<16xf32>
      %broadcast_in_dim3A_958 = vector.broadcast %jit3A_956 : f32 to vector<16xf32>
      %select_n3A_959 = arith.select %eq3A_955, %broadcast_in_dim3A_957, %broadcast_in_dim3A_958 : vector<16xi1>, vector<16xf32>
      %add3A_960 = arith.addf %add3A_952, %select_n3A_959 : vector<16xf32>
      %eq3A_961 = arith.constant 14 : i32
      %eq3A_962 = vector.broadcast %eq3A_961 : i32 to vector<16xi32>
      %eq3A_963 = arith.cmpi eq, %get3A_407, %eq3A_962 : vector<16xi32>
      %jit3A_964 = arith.constant 0.000000e+00 : f32
      %broadcast_in_dim3A_965 = vector.broadcast %squeeze3A_395 : f32 to vector<16xf32>
      %broadcast_in_dim3A_966 = vector.broadcast %jit3A_964 : f32 to vector<16xf32>
      %select_n3A_967 = arith.select %eq3A_963, %broadcast_in_dim3A_965, %broadcast_in_dim3A_966 : vector<16xi1>, vector<16xf32>
      %add3A_968 = arith.addf %add3A_960, %select_n3A_967 : vector<16xf32>
      %swap3A_969 = arith.constant 14 : i32
      %swap3A_970 = arith.index_cast %swap3A_969 : i32 to index
      %swap3A_971 = arith.constant 0 : index
      %swap3A_972 = tpu.vector_load %arg7[%swap3A_970, %swap3A_971] {strides = array<i32>} : memref<32x128xf32, #tpu.memory_space<vmem>>, vector<1x16xf32>,
      %swap3A_973 = vector.shape_cast %swap3A_972 : vector<1x16xf32> to vector<16xf32>
      %swap3A_974 = vector.shape_cast %add3A_968 : vector<16xf32> to vector<1x16xf32>
      tpu.vector_store %arg7[%swap3A_970, %swap3A_971], %swap3A_974 {strides = array<i32>} : memref<32x128xf32, #tpu.memory_space<vmem>>, vector<1x16xf32>,
      %eq3A_975 = arith.constant 15 : i32
      %eq3A_976 = vector.broadcast %eq3A_975 : i32 to vector<16xi32>
      %eq3A_977 = arith.cmpi eq, %get3A_398, %eq3A_976 : vector<16xi32>
      %jit3A_978 = arith.constant 0.000000e+00 : f32
      %broadcast_in_dim3A_979 = vector.broadcast %squeeze3A : f32 to vector<16xf32>
      %broadcast_in_dim3A_980 = vector.broadcast %jit3A_978 : f32 to vector<16xf32>
      %select_n3A_981 = arith.select %eq3A_977, %broadcast_in_dim3A_979, %broadcast_in_dim3A_980 : vector<16xi1>, vector<16xf32>
      %add3A_982 = arith.addf %broadcast_in_dim3A_4, %select_n3A_981 : vector<16xf32>
      %eq3A_983 = arith.constant 15 : i32
      %eq3A_984 = vector.broadcast %eq3A_983 : i32 to vector<16xi32>
      %eq3A_985 = arith.cmpi eq, %get3A_401, %eq3A_984 : vector<16xi32>
      %jit3A_986 = arith.constant 0.000000e+00 : f32
      %broadcast_in_dim3A_987 = vector.broadcast %squeeze3A_391 : f32 to vector<16xf32>
      %broadcast_in_dim3A_988 = vector.broadcast %jit3A_986 : f32 to vector<16xf32>
      %select_n3A_989 = arith.select %eq3A_985, %broadcast_in_dim3A_987, %broadcast_in_dim3A_988 : vector<16xi1>, vector<16xf32>
      %add3A_990 = arith.addf %add3A_982, %select_n3A_989 : vector<16xf32>
      %eq3A_991 = arith.constant 15 : i32
      %eq3A_992 = vector.broadcast %eq3A_991 : i32 to vector<16xi32>
      %eq3A_993 = arith.cmpi eq, %get3A_404, %eq3A_992 : vector<16xi32>
      %jit3A_994 = arith.constant 0.000000e+00 : f32
      %broadcast_in_dim3A_995 = vector.broadcast %squeeze3A_393 : f32 to vector<16xf32>
      %broadcast_in_dim3A_996 = vector.broadcast %jit3A_994 : f32 to vector<16xf32>
      %select_n3A_997 = arith.select %eq3A_993, %broadcast_in_dim3A_995, %broadcast_in_dim3A_996 : vector<16xi1>, vector<16xf32>
      %add3A_998 = arith.addf %add3A_990, %select_n3A_997 : vector<16xf32>
      %eq3A_999 = arith.constant 15 : i32
      %eq3A_1000 = vector.broadcast %eq3A_999 : i32 to vector<16xi32>
      %eq3A_1001 = arith.cmpi eq, %get3A_407, %eq3A_1000 : vector<16xi32>
      %jit3A_1002 = arith.constant 0.000000e+00 : f32
      %broadcast_in_dim3A_1003 = vector.broadcast %squeeze3A_395 : f32 to vector<16xf32>
      %broadcast_in_dim3A_1004 = vector.broadcast %jit3A_1002 : f32 to vector<16xf32>
      %select_n3A_1005 = arith.select %eq3A_1001, %broadcast_in_dim3A_1003, %broadcast_in_dim3A_1004 : vector<16xi1>, vector<16xf32>
      %add3A_1006 = arith.addf %add3A_998, %select_n3A_1005 : vector<16xf32>
      %swap3A_1007 = arith.constant 15 : i32
      %swap3A_1008 = arith.index_cast %swap3A_1007 : i32 to index
      %swap3A_1009 = arith.constant 0 : index
      %swap3A_1010 = tpu.vector_load %arg7[%swap3A_1008, %swap3A_1009] {strides = array<i32>} : memref<32x128xf32, #tpu.memory_space<vmem>>, vector<1x16xf32>,
      %swap3A_1011 = vector.shape_cast %swap3A_1010 : vector<1x16xf32> to vector<16xf32>
      %swap3A_1012 = vector.shape_cast %add3A_1006 : vector<16xf32> to vector<1x16xf32>
      tpu.vector_store %arg7[%swap3A_1008, %swap3A_1009], %swap3A_1012 {strides = array<i32>} : memref<32x128xf32, #tpu.memory_space<vmem>>, vector<1x16xf32>,
      %eq3A_1013 = arith.constant 16 : i32
      %eq3A_1014 = vector.broadcast %eq3A_1013 : i32 to vector<16xi32>
      %eq3A_1015 = arith.cmpi eq, %get3A_398, %eq3A_1014 : vector<16xi32>
      %jit3A_1016 = arith.constant 0.000000e+00 : f32
      %broadcast_in_dim3A_1017 = vector.broadcast %squeeze3A : f32 to vector<16xf32>
      %broadcast_in_dim3A_1018 = vector.broadcast %jit3A_1016 : f32 to vector<16xf32>
      %select_n3A_1019 = arith.select %eq3A_1015, %broadcast_in_dim3A_1017, %broadcast_in_dim3A_1018 : vector<16xi1>, vector<16xf32>
      %add3A_1020 = arith.addf %broadcast_in_dim3A_4, %select_n3A_1019 : vector<16xf32>
      %eq3A_1021 = arith.constant 16 : i32
      %eq3A_1022 = vector.broadcast %eq3A_1021 : i32 to vector<16xi32>
      %eq3A_1023 = arith.cmpi eq, %get3A_401, %eq3A_1022 : vector<16xi32>
      %jit3A_1024 = arith.constant 0.000000e+00 : f32
      %broadcast_in_dim3A_1025 = vector.broadcast %squeeze3A_391 : f32 to vector<16xf32>
      %broadcast_in_dim3A_1026 = vector.broadcast %jit3A_1024 : f32 to vector<16xf32>
      %select_n3A_1027 = arith.select %eq3A_1023, %broadcast_in_dim3A_1025, %broadcast_in_dim3A_1026 : vector<16xi1>, vector<16xf32>
      %add3A_1028 = arith.addf %add3A_1020, %select_n3A_1027 : vector<16xf32>
      %eq3A_1029 = arith.constant 16 : i32
      %eq3A_1030 = vector.broadcast %eq3A_1029 : i32 to vector<16xi32>
      %eq3A_1031 = arith.cmpi eq, %get3A_404, %eq3A_1030 : vector<16xi32>
      %jit3A_1032 = arith.constant 0.000000e+00 : f32
      %broadcast_in_dim3A_1033 = vector.broadcast %squeeze3A_393 : f32 to vector<16xf32>
      %broadcast_in_dim3A_1034 = vector.broadcast %jit3A_1032 : f32 to vector<16xf32>
      %select_n3A_1035 = arith.select %eq3A_1031, %broadcast_in_dim3A_1033, %broadcast_in_dim3A_1034 : vector<16xi1>, vector<16xf32>
      %add3A_1036 = arith.addf %add3A_1028, %select_n3A_1035 : vector<16xf32>
      %eq3A_1037 = arith.constant 16 : i32
      %eq3A_1038 = vector.broadcast %eq3A_1037 : i32 to vector<16xi32>
      %eq3A_1039 = arith.cmpi eq, %get3A_407, %eq3A_1038 : vector<16xi32>
      %jit3A_1040 = arith.constant 0.000000e+00 : f32
      %broadcast_in_dim3A_1041 = vector.broadcast %squeeze3A_395 : f32 to vector<16xf32>
      %broadcast_in_dim3A_1042 = vector.broadcast %jit3A_1040 : f32 to vector<16xf32>
      %select_n3A_1043 = arith.select %eq3A_1039, %broadcast_in_dim3A_1041, %broadcast_in_dim3A_1042 : vector<16xi1>, vector<16xf32>
      %add3A_1044 = arith.addf %add3A_1036, %select_n3A_1043 : vector<16xf32>
      %swap3A_1045 = arith.constant 16 : i32
      %swap3A_1046 = arith.index_cast %swap3A_1045 : i32 to index
      %swap3A_1047 = arith.constant 0 : index
      %swap3A_1048 = tpu.vector_load %arg7[%swap3A_1046, %swap3A_1047] {strides = array<i32>} : memref<32x128xf32, #tpu.memory_space<vmem>>, vector<1x16xf32>,
      %swap3A_1049 = vector.shape_cast %swap3A_1048 : vector<1x16xf32> to vector<16xf32>
      %swap3A_1050 = vector.shape_cast %add3A_1044 : vector<16xf32> to vector<1x16xf32>
      tpu.vector_store %arg7[%swap3A_1046, %swap3A_1047], %swap3A_1050 {strides = array<i32>} : memref<32x128xf32, #tpu.memory_space<vmem>>, vector<1x16xf32>,
      %eq3A_1051 = arith.constant 17 : i32
      %eq3A_1052 = vector.broadcast %eq3A_1051 : i32 to vector<16xi32>
      %eq3A_1053 = arith.cmpi eq, %get3A_398, %eq3A_1052 : vector<16xi32>
      %jit3A_1054 = arith.constant 0.000000e+00 : f32
      %broadcast_in_dim3A_1055 = vector.broadcast %squeeze3A : f32 to vector<16xf32>
      %broadcast_in_dim3A_1056 = vector.broadcast %jit3A_1054 : f32 to vector<16xf32>
      %select_n3A_1057 = arith.select %eq3A_1053, %broadcast_in_dim3A_1055, %broadcast_in_dim3A_1056 : vector<16xi1>, vector<16xf32>
      %add3A_1058 = arith.addf %broadcast_in_dim3A_4, %select_n3A_1057 : vector<16xf32>
      %eq3A_1059 = arith.constant 17 : i32
      %eq3A_1060 = vector.broadcast %eq3A_1059 : i32 to vector<16xi32>
      %eq3A_1061 = arith.cmpi eq, %get3A_401, %eq3A_1060 : vector<16xi32>
      %jit3A_1062 = arith.constant 0.000000e+00 : f32
      %broadcast_in_dim3A_1063 = vector.broadcast %squeeze3A_391 : f32 to vector<16xf32>
      %broadcast_in_dim3A_1064 = vector.broadcast %jit3A_1062 : f32 to vector<16xf32>
      %select_n3A_1065 = arith.select %eq3A_1061, %broadcast_in_dim3A_1063, %broadcast_in_dim3A_1064 : vector<16xi1>, vector<16xf32>
      %add3A_1066 = arith.addf %add3A_1058, %select_n3A_1065 : vector<16xf32>
      %eq3A_1067 = arith.constant 17 : i32
      %eq3A_1068 = vector.broadcast %eq3A_1067 : i32 to vector<16xi32>
      %eq3A_1069 = arith.cmpi eq, %get3A_404, %eq3A_1068 : vector<16xi32>
      %jit3A_1070 = arith.constant 0.000000e+00 : f32
      %broadcast_in_dim3A_1071 = vector.broadcast %squeeze3A_393 : f32 to vector<16xf32>
      %broadcast_in_dim3A_1072 = vector.broadcast %jit3A_1070 : f32 to vector<16xf32>
      %select_n3A_1073 = arith.select %eq3A_1069, %broadcast_in_dim3A_1071, %broadcast_in_dim3A_1072 : vector<16xi1>, vector<16xf32>
      %add3A_1074 = arith.addf %add3A_1066, %select_n3A_1073 : vector<16xf32>
      %eq3A_1075 = arith.constant 17 : i32
      %eq3A_1076 = vector.broadcast %eq3A_1075 : i32 to vector<16xi32>
      %eq3A_1077 = arith.cmpi eq, %get3A_407, %eq3A_1076 : vector<16xi32>
      %jit3A_1078 = arith.constant 0.000000e+00 : f32
      %broadcast_in_dim3A_1079 = vector.broadcast %squeeze3A_395 : f32 to vector<16xf32>
      %broadcast_in_dim3A_1080 = vector.broadcast %jit3A_1078 : f32 to vector<16xf32>
      %select_n3A_1081 = arith.select %eq3A_1077, %broadcast_in_dim3A_1079, %broadcast_in_dim3A_1080 : vector<16xi1>, vector<16xf32>
      %add3A_1082 = arith.addf %add3A_1074, %select_n3A_1081 : vector<16xf32>
      %swap3A_1083 = arith.constant 17 : i32
      %swap3A_1084 = arith.index_cast %swap3A_1083 : i32 to index
      %swap3A_1085 = arith.constant 0 : index
      %swap3A_1086 = tpu.vector_load %arg7[%swap3A_1084, %swap3A_1085] {strides = array<i32>} : memref<32x128xf32, #tpu.memory_space<vmem>>, vector<1x16xf32>,
      %swap3A_1087 = vector.shape_cast %swap3A_1086 : vector<1x16xf32> to vector<16xf32>
      %swap3A_1088 = vector.shape_cast %add3A_1082 : vector<16xf32> to vector<1x16xf32>
      tpu.vector_store %arg7[%swap3A_1084, %swap3A_1085], %swap3A_1088 {strides = array<i32>} : memref<32x128xf32, #tpu.memory_space<vmem>>, vector<1x16xf32>,
      %eq3A_1089 = arith.constant 18 : i32
      %eq3A_1090 = vector.broadcast %eq3A_1089 : i32 to vector<16xi32>
      %eq3A_1091 = arith.cmpi eq, %get3A_398, %eq3A_1090 : vector<16xi32>
      %jit3A_1092 = arith.constant 0.000000e+00 : f32
      %broadcast_in_dim3A_1093 = vector.broadcast %squeeze3A : f32 to vector<16xf32>
      %broadcast_in_dim3A_1094 = vector.broadcast %jit3A_1092 : f32 to vector<16xf32>
      %select_n3A_1095 = arith.select %eq3A_1091, %broadcast_in_dim3A_1093, %broadcast_in_dim3A_1094 : vector<16xi1>, vector<16xf32>
      %add3A_1096 = arith.addf %broadcast_in_dim3A_4, %select_n3A_1095 : vector<16xf32>
      %eq3A_1097 = arith.constant 18 : i32
      %eq3A_1098 = vector.broadcast %eq3A_1097 : i32 to vector<16xi32>
      %eq3A_1099 = arith.cmpi eq, %get3A_401, %eq3A_1098 : vector<16xi32>
      %jit3A_1100 = arith.constant 0.000000e+00 : f32
      %broadcast_in_dim3A_1101 = vector.broadcast %squeeze3A_391 : f32 to vector<16xf32>
      %broadcast_in_dim3A_1102 = vector.broadcast %jit3A_1100 : f32 to vector<16xf32>
      %select_n3A_1103 = arith.select %eq3A_1099, %broadcast_in_dim3A_1101, %broadcast_in_dim3A_1102 : vector<16xi1>, vector<16xf32>
      %add3A_1104 = arith.addf %add3A_1096, %select_n3A_1103 : vector<16xf32>
      %eq3A_1105 = arith.constant 18 : i32
      %eq3A_1106 = vector.broadcast %eq3A_1105 : i32 to vector<16xi32>
      %eq3A_1107 = arith.cmpi eq, %get3A_404, %eq3A_1106 : vector<16xi32>
      %jit3A_1108 = arith.constant 0.000000e+00 : f32
      %broadcast_in_dim3A_1109 = vector.broadcast %squeeze3A_393 : f32 to vector<16xf32>
      %broadcast_in_dim3A_1110 = vector.broadcast %jit3A_1108 : f32 to vector<16xf32>
      %select_n3A_1111 = arith.select %eq3A_1107, %broadcast_in_dim3A_1109, %broadcast_in_dim3A_1110 : vector<16xi1>, vector<16xf32>
      %add3A_1112 = arith.addf %add3A_1104, %select_n3A_1111 : vector<16xf32>
      %eq3A_1113 = arith.constant 18 : i32
      %eq3A_1114 = vector.broadcast %eq3A_1113 : i32 to vector<16xi32>
      %eq3A_1115 = arith.cmpi eq, %get3A_407, %eq3A_1114 : vector<16xi32>
      %jit3A_1116 = arith.constant 0.000000e+00 : f32
      %broadcast_in_dim3A_1117 = vector.broadcast %squeeze3A_395 : f32 to vector<16xf32>
      %broadcast_in_dim3A_1118 = vector.broadcast %jit3A_1116 : f32 to vector<16xf32>
      %select_n3A_1119 = arith.select %eq3A_1115, %broadcast_in_dim3A_1117, %broadcast_in_dim3A_1118 : vector<16xi1>, vector<16xf32>
      %add3A_1120 = arith.addf %add3A_1112, %select_n3A_1119 : vector<16xf32>
      %swap3A_1121 = arith.constant 18 : i32
      %swap3A_1122 = arith.index_cast %swap3A_1121 : i32 to index
      %swap3A_1123 = arith.constant 0 : index
      %swap3A_1124 = tpu.vector_load %arg7[%swap3A_1122, %swap3A_1123] {strides = array<i32>} : memref<32x128xf32, #tpu.memory_space<vmem>>, vector<1x16xf32>,
      %swap3A_1125 = vector.shape_cast %swap3A_1124 : vector<1x16xf32> to vector<16xf32>
      %swap3A_1126 = vector.shape_cast %add3A_1120 : vector<16xf32> to vector<1x16xf32>
      tpu.vector_store %arg7[%swap3A_1122, %swap3A_1123], %swap3A_1126 {strides = array<i32>} : memref<32x128xf32, #tpu.memory_space<vmem>>, vector<1x16xf32>,
      %eq3A_1127 = arith.constant 19 : i32
      %eq3A_1128 = vector.broadcast %eq3A_1127 : i32 to vector<16xi32>
      %eq3A_1129 = arith.cmpi eq, %get3A_398, %eq3A_1128 : vector<16xi32>
      %jit3A_1130 = arith.constant 0.000000e+00 : f32
      %broadcast_in_dim3A_1131 = vector.broadcast %squeeze3A : f32 to vector<16xf32>
      %broadcast_in_dim3A_1132 = vector.broadcast %jit3A_1130 : f32 to vector<16xf32>
      %select_n3A_1133 = arith.select %eq3A_1129, %broadcast_in_dim3A_1131, %broadcast_in_dim3A_1132 : vector<16xi1>, vector<16xf32>
      %add3A_1134 = arith.addf %broadcast_in_dim3A_4, %select_n3A_1133 : vector<16xf32>
      %eq3A_1135 = arith.constant 19 : i32
      %eq3A_1136 = vector.broadcast %eq3A_1135 : i32 to vector<16xi32>
      %eq3A_1137 = arith.cmpi eq, %get3A_401, %eq3A_1136 : vector<16xi32>
      %jit3A_1138 = arith.constant 0.000000e+00 : f32
      %broadcast_in_dim3A_1139 = vector.broadcast %squeeze3A_391 : f32 to vector<16xf32>
      %broadcast_in_dim3A_1140 = vector.broadcast %jit3A_1138 : f32 to vector<16xf32>
      %select_n3A_1141 = arith.select %eq3A_1137, %broadcast_in_dim3A_1139, %broadcast_in_dim3A_1140 : vector<16xi1>, vector<16xf32>
      %add3A_1142 = arith.addf %add3A_1134, %select_n3A_1141 : vector<16xf32>
      %eq3A_1143 = arith.constant 19 : i32
      %eq3A_1144 = vector.broadcast %eq3A_1143 : i32 to vector<16xi32>
      %eq3A_1145 = arith.cmpi eq, %get3A_404, %eq3A_1144 : vector<16xi32>
      %jit3A_1146 = arith.constant 0.000000e+00 : f32
      %broadcast_in_dim3A_1147 = vector.broadcast %squeeze3A_393 : f32 to vector<16xf32>
      %broadcast_in_dim3A_1148 = vector.broadcast %jit3A_1146 : f32 to vector<16xf32>
      %select_n3A_1149 = arith.select %eq3A_1145, %broadcast_in_dim3A_1147, %broadcast_in_dim3A_1148 : vector<16xi1>, vector<16xf32>
      %add3A_1150 = arith.addf %add3A_1142, %select_n3A_1149 : vector<16xf32>
      %eq3A_1151 = arith.constant 19 : i32
      %eq3A_1152 = vector.broadcast %eq3A_1151 : i32 to vector<16xi32>
      %eq3A_1153 = arith.cmpi eq, %get3A_407, %eq3A_1152 : vector<16xi32>
      %jit3A_1154 = arith.constant 0.000000e+00 : f32
      %broadcast_in_dim3A_1155 = vector.broadcast %squeeze3A_395 : f32 to vector<16xf32>
      %broadcast_in_dim3A_1156 = vector.broadcast %jit3A_1154 : f32 to vector<16xf32>
      %select_n3A_1157 = arith.select %eq3A_1153, %broadcast_in_dim3A_1155, %broadcast_in_dim3A_1156 : vector<16xi1>, vector<16xf32>
      %add3A_1158 = arith.addf %add3A_1150, %select_n3A_1157 : vector<16xf32>
      %swap3A_1159 = arith.constant 19 : i32
      %swap3A_1160 = arith.index_cast %swap3A_1159 : i32 to index
      %swap3A_1161 = arith.constant 0 : index
      %swap3A_1162 = tpu.vector_load %arg7[%swap3A_1160, %swap3A_1161] {strides = array<i32>} : memref<32x128xf32, #tpu.memory_space<vmem>>, vector<1x16xf32>,
      %swap3A_1163 = vector.shape_cast %swap3A_1162 : vector<1x16xf32> to vector<16xf32>
      %swap3A_1164 = vector.shape_cast %add3A_1158 : vector<16xf32> to vector<1x16xf32>
      tpu.vector_store %arg7[%swap3A_1160, %swap3A_1161], %swap3A_1164 {strides = array<i32>} : memref<32x128xf32, #tpu.memory_space<vmem>>, vector<1x16xf32>,
      %eq3A_1165 = arith.constant 20 : i32
      %eq3A_1166 = vector.broadcast %eq3A_1165 : i32 to vector<16xi32>
      %eq3A_1167 = arith.cmpi eq, %get3A_398, %eq3A_1166 : vector<16xi32>
      %jit3A_1168 = arith.constant 0.000000e+00 : f32
      %broadcast_in_dim3A_1169 = vector.broadcast %squeeze3A : f32 to vector<16xf32>
      %broadcast_in_dim3A_1170 = vector.broadcast %jit3A_1168 : f32 to vector<16xf32>
      %select_n3A_1171 = arith.select %eq3A_1167, %broadcast_in_dim3A_1169, %broadcast_in_dim3A_1170 : vector<16xi1>, vector<16xf32>
      %add3A_1172 = arith.addf %broadcast_in_dim3A_4, %select_n3A_1171 : vector<16xf32>
      %eq3A_1173 = arith.constant 20 : i32
      %eq3A_1174 = vector.broadcast %eq3A_1173 : i32 to vector<16xi32>
      %eq3A_1175 = arith.cmpi eq, %get3A_401, %eq3A_1174 : vector<16xi32>
      %jit3A_1176 = arith.constant 0.000000e+00 : f32
      %broadcast_in_dim3A_1177 = vector.broadcast %squeeze3A_391 : f32 to vector<16xf32>
      %broadcast_in_dim3A_1178 = vector.broadcast %jit3A_1176 : f32 to vector<16xf32>
      %select_n3A_1179 = arith.select %eq3A_1175, %broadcast_in_dim3A_1177, %broadcast_in_dim3A_1178 : vector<16xi1>, vector<16xf32>
      %add3A_1180 = arith.addf %add3A_1172, %select_n3A_1179 : vector<16xf32>
      %eq3A_1181 = arith.constant 20 : i32
      %eq3A_1182 = vector.broadcast %eq3A_1181 : i32 to vector<16xi32>
      %eq3A_1183 = arith.cmpi eq, %get3A_404, %eq3A_1182 : vector<16xi32>
      %jit3A_1184 = arith.constant 0.000000e+00 : f32
      %broadcast_in_dim3A_1185 = vector.broadcast %squeeze3A_393 : f32 to vector<16xf32>
      %broadcast_in_dim3A_1186 = vector.broadcast %jit3A_1184 : f32 to vector<16xf32>
      %select_n3A_1187 = arith.select %eq3A_1183, %broadcast_in_dim3A_1185, %broadcast_in_dim3A_1186 : vector<16xi1>, vector<16xf32>
      %add3A_1188 = arith.addf %add3A_1180, %select_n3A_1187 : vector<16xf32>
      %eq3A_1189 = arith.constant 20 : i32
      %eq3A_1190 = vector.broadcast %eq3A_1189 : i32 to vector<16xi32>
      %eq3A_1191 = arith.cmpi eq, %get3A_407, %eq3A_1190 : vector<16xi32>
      %jit3A_1192 = arith.constant 0.000000e+00 : f32
      %broadcast_in_dim3A_1193 = vector.broadcast %squeeze3A_395 : f32 to vector<16xf32>
      %broadcast_in_dim3A_1194 = vector.broadcast %jit3A_1192 : f32 to vector<16xf32>
      %select_n3A_1195 = arith.select %eq3A_1191, %broadcast_in_dim3A_1193, %broadcast_in_dim3A_1194 : vector<16xi1>, vector<16xf32>
      %add3A_1196 = arith.addf %add3A_1188, %select_n3A_1195 : vector<16xf32>
      %swap3A_1197 = arith.constant 20 : i32
      %swap3A_1198 = arith.index_cast %swap3A_1197 : i32 to index
      %swap3A_1199 = arith.constant 0 : index
      %swap3A_1200 = tpu.vector_load %arg7[%swap3A_1198, %swap3A_1199] {strides = array<i32>} : memref<32x128xf32, #tpu.memory_space<vmem>>, vector<1x16xf32>,
      %swap3A_1201 = vector.shape_cast %swap3A_1200 : vector<1x16xf32> to vector<16xf32>
      %swap3A_1202 = vector.shape_cast %add3A_1196 : vector<16xf32> to vector<1x16xf32>
      tpu.vector_store %arg7[%swap3A_1198, %swap3A_1199], %swap3A_1202 {strides = array<i32>} : memref<32x128xf32, #tpu.memory_space<vmem>>, vector<1x16xf32>,
      %eq3A_1203 = arith.constant 21 : i32
      %eq3A_1204 = vector.broadcast %eq3A_1203 : i32 to vector<16xi32>
      %eq3A_1205 = arith.cmpi eq, %get3A_398, %eq3A_1204 : vector<16xi32>
      %jit3A_1206 = arith.constant 0.000000e+00 : f32
      %broadcast_in_dim3A_1207 = vector.broadcast %squeeze3A : f32 to vector<16xf32>
      %broadcast_in_dim3A_1208 = vector.broadcast %jit3A_1206 : f32 to vector<16xf32>
      %select_n3A_1209 = arith.select %eq3A_1205, %broadcast_in_dim3A_1207, %broadcast_in_dim3A_1208 : vector<16xi1>, vector<16xf32>
      %add3A_1210 = arith.addf %broadcast_in_dim3A_4, %select_n3A_1209 : vector<16xf32>
      %eq3A_1211 = arith.constant 21 : i32
      %eq3A_1212 = vector.broadcast %eq3A_1211 : i32 to vector<16xi32>
      %eq3A_1213 = arith.cmpi eq, %get3A_401, %eq3A_1212 : vector<16xi32>
      %jit3A_1214 = arith.constant 0.000000e+00 : f32
      %broadcast_in_dim3A_1215 = vector.broadcast %squeeze3A_391 : f32 to vector<16xf32>
      %broadcast_in_dim3A_1216 = vector.broadcast %jit3A_1214 : f32 to vector<16xf32>
      %select_n3A_1217 = arith.select %eq3A_1213, %broadcast_in_dim3A_1215, %broadcast_in_dim3A_1216 : vector<16xi1>, vector<16xf32>
      %add3A_1218 = arith.addf %add3A_1210, %select_n3A_1217 : vector<16xf32>
      %eq3A_1219 = arith.constant 21 : i32
      %eq3A_1220 = vector.broadcast %eq3A_1219 : i32 to vector<16xi32>
      %eq3A_1221 = arith.cmpi eq, %get3A_404, %eq3A_1220 : vector<16xi32>
      %jit3A_1222 = arith.constant 0.000000e+00 : f32
      %broadcast_in_dim3A_1223 = vector.broadcast %squeeze3A_393 : f32 to vector<16xf32>
      %broadcast_in_dim3A_1224 = vector.broadcast %jit3A_1222 : f32 to vector<16xf32>
      %select_n3A_1225 = arith.select %eq3A_1221, %broadcast_in_dim3A_1223, %broadcast_in_dim3A_1224 : vector<16xi1>, vector<16xf32>
      %add3A_1226 = arith.addf %add3A_1218, %select_n3A_1225 : vector<16xf32>
      %eq3A_1227 = arith.constant 21 : i32
      %eq3A_1228 = vector.broadcast %eq3A_1227 : i32 to vector<16xi32>
      %eq3A_1229 = arith.cmpi eq, %get3A_407, %eq3A_1228 : vector<16xi32>
      %jit3A_1230 = arith.constant 0.000000e+00 : f32
      %broadcast_in_dim3A_1231 = vector.broadcast %squeeze3A_395 : f32 to vector<16xf32>
      %broadcast_in_dim3A_1232 = vector.broadcast %jit3A_1230 : f32 to vector<16xf32>
      %select_n3A_1233 = arith.select %eq3A_1229, %broadcast_in_dim3A_1231, %broadcast_in_dim3A_1232 : vector<16xi1>, vector<16xf32>
      %add3A_1234 = arith.addf %add3A_1226, %select_n3A_1233 : vector<16xf32>
      %swap3A_1235 = arith.constant 21 : i32
      %swap3A_1236 = arith.index_cast %swap3A_1235 : i32 to index
      %swap3A_1237 = arith.constant 0 : index
      %swap3A_1238 = tpu.vector_load %arg7[%swap3A_1236, %swap3A_1237] {strides = array<i32>} : memref<32x128xf32, #tpu.memory_space<vmem>>, vector<1x16xf32>,
      %swap3A_1239 = vector.shape_cast %swap3A_1238 : vector<1x16xf32> to vector<16xf32>
      %swap3A_1240 = vector.shape_cast %add3A_1234 : vector<16xf32> to vector<1x16xf32>
      tpu.vector_store %arg7[%swap3A_1236, %swap3A_1237], %swap3A_1240 {strides = array<i32>} : memref<32x128xf32, #tpu.memory_space<vmem>>, vector<1x16xf32>,
      %eq3A_1241 = arith.constant 22 : i32
      %eq3A_1242 = vector.broadcast %eq3A_1241 : i32 to vector<16xi32>
      %eq3A_1243 = arith.cmpi eq, %get3A_398, %eq3A_1242 : vector<16xi32>
      %jit3A_1244 = arith.constant 0.000000e+00 : f32
      %broadcast_in_dim3A_1245 = vector.broadcast %squeeze3A : f32 to vector<16xf32>
      %broadcast_in_dim3A_1246 = vector.broadcast %jit3A_1244 : f32 to vector<16xf32>
      %select_n3A_1247 = arith.select %eq3A_1243, %broadcast_in_dim3A_1245, %broadcast_in_dim3A_1246 : vector<16xi1>, vector<16xf32>
      %add3A_1248 = arith.addf %broadcast_in_dim3A_4, %select_n3A_1247 : vector<16xf32>
      %eq3A_1249 = arith.constant 22 : i32
      %eq3A_1250 = vector.broadcast %eq3A_1249 : i32 to vector<16xi32>
      %eq3A_1251 = arith.cmpi eq, %get3A_401, %eq3A_1250 : vector<16xi32>
      %jit3A_1252 = arith.constant 0.000000e+00 : f32
      %broadcast_in_dim3A_1253 = vector.broadcast %squeeze3A_391 : f32 to vector<16xf32>
      %broadcast_in_dim3A_1254 = vector.broadcast %jit3A_1252 : f32 to vector<16xf32>
      %select_n3A_1255 = arith.select %eq3A_1251, %broadcast_in_dim3A_1253, %broadcast_in_dim3A_1254 : vector<16xi1>, vector<16xf32>
      %add3A_1256 = arith.addf %add3A_1248, %select_n3A_1255 : vector<16xf32>
      %eq3A_1257 = arith.constant 22 : i32
      %eq3A_1258 = vector.broadcast %eq3A_1257 : i32 to vector<16xi32>
      %eq3A_1259 = arith.cmpi eq, %get3A_404, %eq3A_1258 : vector<16xi32>
      %jit3A_1260 = arith.constant 0.000000e+00 : f32
      %broadcast_in_dim3A_1261 = vector.broadcast %squeeze3A_393 : f32 to vector<16xf32>
      %broadcast_in_dim3A_1262 = vector.broadcast %jit3A_1260 : f32 to vector<16xf32>
      %select_n3A_1263 = arith.select %eq3A_1259, %broadcast_in_dim3A_1261, %broadcast_in_dim3A_1262 : vector<16xi1>, vector<16xf32>
      %add3A_1264 = arith.addf %add3A_1256, %select_n3A_1263 : vector<16xf32>
      %eq3A_1265 = arith.constant 22 : i32
      %eq3A_1266 = vector.broadcast %eq3A_1265 : i32 to vector<16xi32>
      %eq3A_1267 = arith.cmpi eq, %get3A_407, %eq3A_1266 : vector<16xi32>
      %jit3A_1268 = arith.constant 0.000000e+00 : f32
      %broadcast_in_dim3A_1269 = vector.broadcast %squeeze3A_395 : f32 to vector<16xf32>
      %broadcast_in_dim3A_1270 = vector.broadcast %jit3A_1268 : f32 to vector<16xf32>
      %select_n3A_1271 = arith.select %eq3A_1267, %broadcast_in_dim3A_1269, %broadcast_in_dim3A_1270 : vector<16xi1>, vector<16xf32>
      %add3A_1272 = arith.addf %add3A_1264, %select_n3A_1271 : vector<16xf32>
      %swap3A_1273 = arith.constant 22 : i32
      %swap3A_1274 = arith.index_cast %swap3A_1273 : i32 to index
      %swap3A_1275 = arith.constant 0 : index
      %swap3A_1276 = tpu.vector_load %arg7[%swap3A_1274, %swap3A_1275] {strides = array<i32>} : memref<32x128xf32, #tpu.memory_space<vmem>>, vector<1x16xf32>,
      %swap3A_1277 = vector.shape_cast %swap3A_1276 : vector<1x16xf32> to vector<16xf32>
      %swap3A_1278 = vector.shape_cast %add3A_1272 : vector<16xf32> to vector<1x16xf32>
      tpu.vector_store %arg7[%swap3A_1274, %swap3A_1275], %swap3A_1278 {strides = array<i32>} : memref<32x128xf32, #tpu.memory_space<vmem>>, vector<1x16xf32>,
      %eq3A_1279 = arith.constant 23 : i32
      %eq3A_1280 = vector.broadcast %eq3A_1279 : i32 to vector<16xi32>
      %eq3A_1281 = arith.cmpi eq, %get3A_398, %eq3A_1280 : vector<16xi32>
      %jit3A_1282 = arith.constant 0.000000e+00 : f32
      %broadcast_in_dim3A_1283 = vector.broadcast %squeeze3A : f32 to vector<16xf32>
      %broadcast_in_dim3A_1284 = vector.broadcast %jit3A_1282 : f32 to vector<16xf32>
      %select_n3A_1285 = arith.select %eq3A_1281, %broadcast_in_dim3A_1283, %broadcast_in_dim3A_1284 : vector<16xi1>, vector<16xf32>
      %add3A_1286 = arith.addf %broadcast_in_dim3A_4, %select_n3A_1285 : vector<16xf32>
      %eq3A_1287 = arith.constant 23 : i32
      %eq3A_1288 = vector.broadcast %eq3A_1287 : i32 to vector<16xi32>
      %eq3A_1289 = arith.cmpi eq, %get3A_401, %eq3A_1288 : vector<16xi32>
      %jit3A_1290 = arith.constant 0.000000e+00 : f32
      %broadcast_in_dim3A_1291 = vector.broadcast %squeeze3A_391 : f32 to vector<16xf32>
      %broadcast_in_dim3A_1292 = vector.broadcast %jit3A_1290 : f32 to vector<16xf32>
      %select_n3A_1293 = arith.select %eq3A_1289, %broadcast_in_dim3A_1291, %broadcast_in_dim3A_1292 : vector<16xi1>, vector<16xf32>
      %add3A_1294 = arith.addf %add3A_1286, %select_n3A_1293 : vector<16xf32>
      %eq3A_1295 = arith.constant 23 : i32
      %eq3A_1296 = vector.broadcast %eq3A_1295 : i32 to vector<16xi32>
      %eq3A_1297 = arith.cmpi eq, %get3A_404, %eq3A_1296 : vector<16xi32>
      %jit3A_1298 = arith.constant 0.000000e+00 : f32
      %broadcast_in_dim3A_1299 = vector.broadcast %squeeze3A_393 : f32 to vector<16xf32>
      %broadcast_in_dim3A_1300 = vector.broadcast %jit3A_1298 : f32 to vector<16xf32>
      %select_n3A_1301 = arith.select %eq3A_1297, %broadcast_in_dim3A_1299, %broadcast_in_dim3A_1300 : vector<16xi1>, vector<16xf32>
      %add3A_1302 = arith.addf %add3A_1294, %select_n3A_1301 : vector<16xf32>
      %eq3A_1303 = arith.constant 23 : i32
      %eq3A_1304 = vector.broadcast %eq3A_1303 : i32 to vector<16xi32>
      %eq3A_1305 = arith.cmpi eq, %get3A_407, %eq3A_1304 : vector<16xi32>
      %jit3A_1306 = arith.constant 0.000000e+00 : f32
      %broadcast_in_dim3A_1307 = vector.broadcast %squeeze3A_395 : f32 to vector<16xf32>
      %broadcast_in_dim3A_1308 = vector.broadcast %jit3A_1306 : f32 to vector<16xf32>
      %select_n3A_1309 = arith.select %eq3A_1305, %broadcast_in_dim3A_1307, %broadcast_in_dim3A_1308 : vector<16xi1>, vector<16xf32>
      %add3A_1310 = arith.addf %add3A_1302, %select_n3A_1309 : vector<16xf32>
      %swap3A_1311 = arith.constant 23 : i32
      %swap3A_1312 = arith.index_cast %swap3A_1311 : i32 to index
      %swap3A_1313 = arith.constant 0 : index
      %swap3A_1314 = tpu.vector_load %arg7[%swap3A_1312, %swap3A_1313] {strides = array<i32>} : memref<32x128xf32, #tpu.memory_space<vmem>>, vector<1x16xf32>,
      %swap3A_1315 = vector.shape_cast %swap3A_1314 : vector<1x16xf32> to vector<16xf32>
      %swap3A_1316 = vector.shape_cast %add3A_1310 : vector<16xf32> to vector<1x16xf32>
      tpu.vector_store %arg7[%swap3A_1312, %swap3A_1313], %swap3A_1316 {strides = array<i32>} : memref<32x128xf32, #tpu.memory_space<vmem>>, vector<1x16xf32>,
      %eq3A_1317 = arith.constant 24 : i32
      %eq3A_1318 = vector.broadcast %eq3A_1317 : i32 to vector<16xi32>
      %eq3A_1319 = arith.cmpi eq, %get3A_398, %eq3A_1318 : vector<16xi32>
      %jit3A_1320 = arith.constant 0.000000e+00 : f32
      %broadcast_in_dim3A_1321 = vector.broadcast %squeeze3A : f32 to vector<16xf32>
      %broadcast_in_dim3A_1322 = vector.broadcast %jit3A_1320 : f32 to vector<16xf32>
      %select_n3A_1323 = arith.select %eq3A_1319, %broadcast_in_dim3A_1321, %broadcast_in_dim3A_1322 : vector<16xi1>, vector<16xf32>
      %add3A_1324 = arith.addf %broadcast_in_dim3A_4, %select_n3A_1323 : vector<16xf32>
      %eq3A_1325 = arith.constant 24 : i32
      %eq3A_1326 = vector.broadcast %eq3A_1325 : i32 to vector<16xi32>
      %eq3A_1327 = arith.cmpi eq, %get3A_401, %eq3A_1326 : vector<16xi32>
      %jit3A_1328 = arith.constant 0.000000e+00 : f32
      %broadcast_in_dim3A_1329 = vector.broadcast %squeeze3A_391 : f32 to vector<16xf32>
      %broadcast_in_dim3A_1330 = vector.broadcast %jit3A_1328 : f32 to vector<16xf32>
      %select_n3A_1331 = arith.select %eq3A_1327, %broadcast_in_dim3A_1329, %broadcast_in_dim3A_1330 : vector<16xi1>, vector<16xf32>
      %add3A_1332 = arith.addf %add3A_1324, %select_n3A_1331 : vector<16xf32>
      %eq3A_1333 = arith.constant 24 : i32
      %eq3A_1334 = vector.broadcast %eq3A_1333 : i32 to vector<16xi32>
      %eq3A_1335 = arith.cmpi eq, %get3A_404, %eq3A_1334 : vector<16xi32>
      %jit3A_1336 = arith.constant 0.000000e+00 : f32
      %broadcast_in_dim3A_1337 = vector.broadcast %squeeze3A_393 : f32 to vector<16xf32>
      %broadcast_in_dim3A_1338 = vector.broadcast %jit3A_1336 : f32 to vector<16xf32>
      %select_n3A_1339 = arith.select %eq3A_1335, %broadcast_in_dim3A_1337, %broadcast_in_dim3A_1338 : vector<16xi1>, vector<16xf32>
      %add3A_1340 = arith.addf %add3A_1332, %select_n3A_1339 : vector<16xf32>
      %eq3A_1341 = arith.constant 24 : i32
      %eq3A_1342 = vector.broadcast %eq3A_1341 : i32 to vector<16xi32>
      %eq3A_1343 = arith.cmpi eq, %get3A_407, %eq3A_1342 : vector<16xi32>
      %jit3A_1344 = arith.constant 0.000000e+00 : f32
      %broadcast_in_dim3A_1345 = vector.broadcast %squeeze3A_395 : f32 to vector<16xf32>
      %broadcast_in_dim3A_1346 = vector.broadcast %jit3A_1344 : f32 to vector<16xf32>
      %select_n3A_1347 = arith.select %eq3A_1343, %broadcast_in_dim3A_1345, %broadcast_in_dim3A_1346 : vector<16xi1>, vector<16xf32>
      %add3A_1348 = arith.addf %add3A_1340, %select_n3A_1347 : vector<16xf32>
      %swap3A_1349 = arith.constant 24 : i32
      %swap3A_1350 = arith.index_cast %swap3A_1349 : i32 to index
      %swap3A_1351 = arith.constant 0 : index
      %swap3A_1352 = tpu.vector_load %arg7[%swap3A_1350, %swap3A_1351] {strides = array<i32>} : memref<32x128xf32, #tpu.memory_space<vmem>>, vector<1x16xf32>,
      %swap3A_1353 = vector.shape_cast %swap3A_1352 : vector<1x16xf32> to vector<16xf32>
      %swap3A_1354 = vector.shape_cast %add3A_1348 : vector<16xf32> to vector<1x16xf32>
      tpu.vector_store %arg7[%swap3A_1350, %swap3A_1351], %swap3A_1354 {strides = array<i32>} : memref<32x128xf32, #tpu.memory_space<vmem>>, vector<1x16xf32>,
      %eq3A_1355 = arith.constant 25 : i32
      %eq3A_1356 = vector.broadcast %eq3A_1355 : i32 to vector<16xi32>
      %eq3A_1357 = arith.cmpi eq, %get3A_398, %eq3A_1356 : vector<16xi32>
      %jit3A_1358 = arith.constant 0.000000e+00 : f32
      %broadcast_in_dim3A_1359 = vector.broadcast %squeeze3A : f32 to vector<16xf32>
      %broadcast_in_dim3A_1360 = vector.broadcast %jit3A_1358 : f32 to vector<16xf32>
      %select_n3A_1361 = arith.select %eq3A_1357, %broadcast_in_dim3A_1359, %broadcast_in_dim3A_1360 : vector<16xi1>, vector<16xf32>
      %add3A_1362 = arith.addf %broadcast_in_dim3A_4, %select_n3A_1361 : vector<16xf32>
      %eq3A_1363 = arith.constant 25 : i32
      %eq3A_1364 = vector.broadcast %eq3A_1363 : i32 to vector<16xi32>
      %eq3A_1365 = arith.cmpi eq, %get3A_401, %eq3A_1364 : vector<16xi32>
      %jit3A_1366 = arith.constant 0.000000e+00 : f32
      %broadcast_in_dim3A_1367 = vector.broadcast %squeeze3A_391 : f32 to vector<16xf32>
      %broadcast_in_dim3A_1368 = vector.broadcast %jit3A_1366 : f32 to vector<16xf32>
      %select_n3A_1369 = arith.select %eq3A_1365, %broadcast_in_dim3A_1367, %broadcast_in_dim3A_1368 : vector<16xi1>, vector<16xf32>
      %add3A_1370 = arith.addf %add3A_1362, %select_n3A_1369 : vector<16xf32>
      %eq3A_1371 = arith.constant 25 : i32
      %eq3A_1372 = vector.broadcast %eq3A_1371 : i32 to vector<16xi32>
      %eq3A_1373 = arith.cmpi eq, %get3A_404, %eq3A_1372 : vector<16xi32>
      %jit3A_1374 = arith.constant 0.000000e+00 : f32
      %broadcast_in_dim3A_1375 = vector.broadcast %squeeze3A_393 : f32 to vector<16xf32>
      %broadcast_in_dim3A_1376 = vector.broadcast %jit3A_1374 : f32 to vector<16xf32>
      %select_n3A_1377 = arith.select %eq3A_1373, %broadcast_in_dim3A_1375, %broadcast_in_dim3A_1376 : vector<16xi1>, vector<16xf32>
      %add3A_1378 = arith.addf %add3A_1370, %select_n3A_1377 : vector<16xf32>
      %eq3A_1379 = arith.constant 25 : i32
      %eq3A_1380 = vector.broadcast %eq3A_1379 : i32 to vector<16xi32>
      %eq3A_1381 = arith.cmpi eq, %get3A_407, %eq3A_1380 : vector<16xi32>
      %jit3A_1382 = arith.constant 0.000000e+00 : f32
      %broadcast_in_dim3A_1383 = vector.broadcast %squeeze3A_395 : f32 to vector<16xf32>
      %broadcast_in_dim3A_1384 = vector.broadcast %jit3A_1382 : f32 to vector<16xf32>
      %select_n3A_1385 = arith.select %eq3A_1381, %broadcast_in_dim3A_1383, %broadcast_in_dim3A_1384 : vector<16xi1>, vector<16xf32>
      %add3A_1386 = arith.addf %add3A_1378, %select_n3A_1385 : vector<16xf32>
      %swap3A_1387 = arith.constant 25 : i32
      %swap3A_1388 = arith.index_cast %swap3A_1387 : i32 to index
      %swap3A_1389 = arith.constant 0 : index
      %swap3A_1390 = tpu.vector_load %arg7[%swap3A_1388, %swap3A_1389] {strides = array<i32>} : memref<32x128xf32, #tpu.memory_space<vmem>>, vector<1x16xf32>,
      %swap3A_1391 = vector.shape_cast %swap3A_1390 : vector<1x16xf32> to vector<16xf32>
      %swap3A_1392 = vector.shape_cast %add3A_1386 : vector<16xf32> to vector<1x16xf32>
      tpu.vector_store %arg7[%swap3A_1388, %swap3A_1389], %swap3A_1392 {strides = array<i32>} : memref<32x128xf32, #tpu.memory_space<vmem>>, vector<1x16xf32>,
      %eq3A_1393 = arith.constant 26 : i32
      %eq3A_1394 = vector.broadcast %eq3A_1393 : i32 to vector<16xi32>
      %eq3A_1395 = arith.cmpi eq, %get3A_398, %eq3A_1394 : vector<16xi32>
      %jit3A_1396 = arith.constant 0.000000e+00 : f32
      %broadcast_in_dim3A_1397 = vector.broadcast %squeeze3A : f32 to vector<16xf32>
      %broadcast_in_dim3A_1398 = vector.broadcast %jit3A_1396 : f32 to vector<16xf32>
      %select_n3A_1399 = arith.select %eq3A_1395, %broadcast_in_dim3A_1397, %broadcast_in_dim3A_1398 : vector<16xi1>, vector<16xf32>
      %add3A_1400 = arith.addf %broadcast_in_dim3A_4, %select_n3A_1399 : vector<16xf32>
      %eq3A_1401 = arith.constant 26 : i32
      %eq3A_1402 = vector.broadcast %eq3A_1401 : i32 to vector<16xi32>
      %eq3A_1403 = arith.cmpi eq, %get3A_401, %eq3A_1402 : vector<16xi32>
      %jit3A_1404 = arith.constant 0.000000e+00 : f32
      %broadcast_in_dim3A_1405 = vector.broadcast %squeeze3A_391 : f32 to vector<16xf32>
      %broadcast_in_dim3A_1406 = vector.broadcast %jit3A_1404 : f32 to vector<16xf32>
      %select_n3A_1407 = arith.select %eq3A_1403, %broadcast_in_dim3A_1405, %broadcast_in_dim3A_1406 : vector<16xi1>, vector<16xf32>
      %add3A_1408 = arith.addf %add3A_1400, %select_n3A_1407 : vector<16xf32>
      %eq3A_1409 = arith.constant 26 : i32
      %eq3A_1410 = vector.broadcast %eq3A_1409 : i32 to vector<16xi32>
      %eq3A_1411 = arith.cmpi eq, %get3A_404, %eq3A_1410 : vector<16xi32>
      %jit3A_1412 = arith.constant 0.000000e+00 : f32
      %broadcast_in_dim3A_1413 = vector.broadcast %squeeze3A_393 : f32 to vector<16xf32>
      %broadcast_in_dim3A_1414 = vector.broadcast %jit3A_1412 : f32 to vector<16xf32>
      %select_n3A_1415 = arith.select %eq3A_1411, %broadcast_in_dim3A_1413, %broadcast_in_dim3A_1414 : vector<16xi1>, vector<16xf32>
      %add3A_1416 = arith.addf %add3A_1408, %select_n3A_1415 : vector<16xf32>
      %eq3A_1417 = arith.constant 26 : i32
      %eq3A_1418 = vector.broadcast %eq3A_1417 : i32 to vector<16xi32>
      %eq3A_1419 = arith.cmpi eq, %get3A_407, %eq3A_1418 : vector<16xi32>
      %jit3A_1420 = arith.constant 0.000000e+00 : f32
      %broadcast_in_dim3A_1421 = vector.broadcast %squeeze3A_395 : f32 to vector<16xf32>
      %broadcast_in_dim3A_1422 = vector.broadcast %jit3A_1420 : f32 to vector<16xf32>
      %select_n3A_1423 = arith.select %eq3A_1419, %broadcast_in_dim3A_1421, %broadcast_in_dim3A_1422 : vector<16xi1>, vector<16xf32>
      %add3A_1424 = arith.addf %add3A_1416, %select_n3A_1423 : vector<16xf32>
      %swap3A_1425 = arith.constant 26 : i32
      %swap3A_1426 = arith.index_cast %swap3A_1425 : i32 to index
      %swap3A_1427 = arith.constant 0 : index
      %swap3A_1428 = tpu.vector_load %arg7[%swap3A_1426, %swap3A_1427] {strides = array<i32>} : memref<32x128xf32, #tpu.memory_space<vmem>>, vector<1x16xf32>,
      %swap3A_1429 = vector.shape_cast %swap3A_1428 : vector<1x16xf32> to vector<16xf32>
      %swap3A_1430 = vector.shape_cast %add3A_1424 : vector<16xf32> to vector<1x16xf32>
      tpu.vector_store %arg7[%swap3A_1426, %swap3A_1427], %swap3A_1430 {strides = array<i32>} : memref<32x128xf32, #tpu.memory_space<vmem>>, vector<1x16xf32>,
      %eq3A_1431 = arith.constant 27 : i32
      %eq3A_1432 = vector.broadcast %eq3A_1431 : i32 to vector<16xi32>
      %eq3A_1433 = arith.cmpi eq, %get3A_398, %eq3A_1432 : vector<16xi32>
      %jit3A_1434 = arith.constant 0.000000e+00 : f32
      %broadcast_in_dim3A_1435 = vector.broadcast %squeeze3A : f32 to vector<16xf32>
      %broadcast_in_dim3A_1436 = vector.broadcast %jit3A_1434 : f32 to vector<16xf32>
      %select_n3A_1437 = arith.select %eq3A_1433, %broadcast_in_dim3A_1435, %broadcast_in_dim3A_1436 : vector<16xi1>, vector<16xf32>
      %add3A_1438 = arith.addf %broadcast_in_dim3A_4, %select_n3A_1437 : vector<16xf32>
      %eq3A_1439 = arith.constant 27 : i32
      %eq3A_1440 = vector.broadcast %eq3A_1439 : i32 to vector<16xi32>
      %eq3A_1441 = arith.cmpi eq, %get3A_401, %eq3A_1440 : vector<16xi32>
      %jit3A_1442 = arith.constant 0.000000e+00 : f32
      %broadcast_in_dim3A_1443 = vector.broadcast %squeeze3A_391 : f32 to vector<16xf32>
      %broadcast_in_dim3A_1444 = vector.broadcast %jit3A_1442 : f32 to vector<16xf32>
      %select_n3A_1445 = arith.select %eq3A_1441, %broadcast_in_dim3A_1443, %broadcast_in_dim3A_1444 : vector<16xi1>, vector<16xf32>
      %add3A_1446 = arith.addf %add3A_1438, %select_n3A_1445 : vector<16xf32>
      %eq3A_1447 = arith.constant 27 : i32
      %eq3A_1448 = vector.broadcast %eq3A_1447 : i32 to vector<16xi32>
      %eq3A_1449 = arith.cmpi eq, %get3A_404, %eq3A_1448 : vector<16xi32>
      %jit3A_1450 = arith.constant 0.000000e+00 : f32
      %broadcast_in_dim3A_1451 = vector.broadcast %squeeze3A_393 : f32 to vector<16xf32>
      %broadcast_in_dim3A_1452 = vector.broadcast %jit3A_1450 : f32 to vector<16xf32>
      %select_n3A_1453 = arith.select %eq3A_1449, %broadcast_in_dim3A_1451, %broadcast_in_dim3A_1452 : vector<16xi1>, vector<16xf32>
      %add3A_1454 = arith.addf %add3A_1446, %select_n3A_1453 : vector<16xf32>
      %eq3A_1455 = arith.constant 27 : i32
      %eq3A_1456 = vector.broadcast %eq3A_1455 : i32 to vector<16xi32>
      %eq3A_1457 = arith.cmpi eq, %get3A_407, %eq3A_1456 : vector<16xi32>
      %jit3A_1458 = arith.constant 0.000000e+00 : f32
      %broadcast_in_dim3A_1459 = vector.broadcast %squeeze3A_395 : f32 to vector<16xf32>
      %broadcast_in_dim3A_1460 = vector.broadcast %jit3A_1458 : f32 to vector<16xf32>
      %select_n3A_1461 = arith.select %eq3A_1457, %broadcast_in_dim3A_1459, %broadcast_in_dim3A_1460 : vector<16xi1>, vector<16xf32>
      %add3A_1462 = arith.addf %add3A_1454, %select_n3A_1461 : vector<16xf32>
      %swap3A_1463 = arith.constant 27 : i32
      %swap3A_1464 = arith.index_cast %swap3A_1463 : i32 to index
      %swap3A_1465 = arith.constant 0 : index
      %swap3A_1466 = tpu.vector_load %arg7[%swap3A_1464, %swap3A_1465] {strides = array<i32>} : memref<32x128xf32, #tpu.memory_space<vmem>>, vector<1x16xf32>,
      %swap3A_1467 = vector.shape_cast %swap3A_1466 : vector<1x16xf32> to vector<16xf32>
      %swap3A_1468 = vector.shape_cast %add3A_1462 : vector<16xf32> to vector<1x16xf32>
      tpu.vector_store %arg7[%swap3A_1464, %swap3A_1465], %swap3A_1468 {strides = array<i32>} : memref<32x128xf32, #tpu.memory_space<vmem>>, vector<1x16xf32>,
      %eq3A_1469 = arith.constant 28 : i32
      %eq3A_1470 = vector.broadcast %eq3A_1469 : i32 to vector<16xi32>
      %eq3A_1471 = arith.cmpi eq, %get3A_398, %eq3A_1470 : vector<16xi32>
      %jit3A_1472 = arith.constant 0.000000e+00 : f32
      %broadcast_in_dim3A_1473 = vector.broadcast %squeeze3A : f32 to vector<16xf32>
      %broadcast_in_dim3A_1474 = vector.broadcast %jit3A_1472 : f32 to vector<16xf32>
      %select_n3A_1475 = arith.select %eq3A_1471, %broadcast_in_dim3A_1473, %broadcast_in_dim3A_1474 : vector<16xi1>, vector<16xf32>
      %add3A_1476 = arith.addf %broadcast_in_dim3A_4, %select_n3A_1475 : vector<16xf32>
      %eq3A_1477 = arith.constant 28 : i32
      %eq3A_1478 = vector.broadcast %eq3A_1477 : i32 to vector<16xi32>
      %eq3A_1479 = arith.cmpi eq, %get3A_401, %eq3A_1478 : vector<16xi32>
      %jit3A_1480 = arith.constant 0.000000e+00 : f32
      %broadcast_in_dim3A_1481 = vector.broadcast %squeeze3A_391 : f32 to vector<16xf32>
      %broadcast_in_dim3A_1482 = vector.broadcast %jit3A_1480 : f32 to vector<16xf32>
      %select_n3A_1483 = arith.select %eq3A_1479, %broadcast_in_dim3A_1481, %broadcast_in_dim3A_1482 : vector<16xi1>, vector<16xf32>
      %add3A_1484 = arith.addf %add3A_1476, %select_n3A_1483 : vector<16xf32>
      %eq3A_1485 = arith.constant 28 : i32
      %eq3A_1486 = vector.broadcast %eq3A_1485 : i32 to vector<16xi32>
      %eq3A_1487 = arith.cmpi eq, %get3A_404, %eq3A_1486 : vector<16xi32>
      %jit3A_1488 = arith.constant 0.000000e+00 : f32
      %broadcast_in_dim3A_1489 = vector.broadcast %squeeze3A_393 : f32 to vector<16xf32>
      %broadcast_in_dim3A_1490 = vector.broadcast %jit3A_1488 : f32 to vector<16xf32>
      %select_n3A_1491 = arith.select %eq3A_1487, %broadcast_in_dim3A_1489, %broadcast_in_dim3A_1490 : vector<16xi1>, vector<16xf32>
      %add3A_1492 = arith.addf %add3A_1484, %select_n3A_1491 : vector<16xf32>
      %eq3A_1493 = arith.constant 28 : i32
      %eq3A_1494 = vector.broadcast %eq3A_1493 : i32 to vector<16xi32>
      %eq3A_1495 = arith.cmpi eq, %get3A_407, %eq3A_1494 : vector<16xi32>
      %jit3A_1496 = arith.constant 0.000000e+00 : f32
      %broadcast_in_dim3A_1497 = vector.broadcast %squeeze3A_395 : f32 to vector<16xf32>
      %broadcast_in_dim3A_1498 = vector.broadcast %jit3A_1496 : f32 to vector<16xf32>
      %select_n3A_1499 = arith.select %eq3A_1495, %broadcast_in_dim3A_1497, %broadcast_in_dim3A_1498 : vector<16xi1>, vector<16xf32>
      %add3A_1500 = arith.addf %add3A_1492, %select_n3A_1499 : vector<16xf32>
      %swap3A_1501 = arith.constant 28 : i32
      %swap3A_1502 = arith.index_cast %swap3A_1501 : i32 to index
      %swap3A_1503 = arith.constant 0 : index
      %swap3A_1504 = tpu.vector_load %arg7[%swap3A_1502, %swap3A_1503] {strides = array<i32>} : memref<32x128xf32, #tpu.memory_space<vmem>>, vector<1x16xf32>,
      %swap3A_1505 = vector.shape_cast %swap3A_1504 : vector<1x16xf32> to vector<16xf32>
      %swap3A_1506 = vector.shape_cast %add3A_1500 : vector<16xf32> to vector<1x16xf32>
      tpu.vector_store %arg7[%swap3A_1502, %swap3A_1503], %swap3A_1506 {strides = array<i32>} : memref<32x128xf32, #tpu.memory_space<vmem>>, vector<1x16xf32>,
      %eq3A_1507 = arith.constant 29 : i32
      %eq3A_1508 = vector.broadcast %eq3A_1507 : i32 to vector<16xi32>
      %eq3A_1509 = arith.cmpi eq, %get3A_398, %eq3A_1508 : vector<16xi32>
      %jit3A_1510 = arith.constant 0.000000e+00 : f32
      %broadcast_in_dim3A_1511 = vector.broadcast %squeeze3A : f32 to vector<16xf32>
      %broadcast_in_dim3A_1512 = vector.broadcast %jit3A_1510 : f32 to vector<16xf32>
      %select_n3A_1513 = arith.select %eq3A_1509, %broadcast_in_dim3A_1511, %broadcast_in_dim3A_1512 : vector<16xi1>, vector<16xf32>
      %add3A_1514 = arith.addf %broadcast_in_dim3A_4, %select_n3A_1513 : vector<16xf32>
      %eq3A_1515 = arith.constant 29 : i32
      %eq3A_1516 = vector.broadcast %eq3A_1515 : i32 to vector<16xi32>
      %eq3A_1517 = arith.cmpi eq, %get3A_401, %eq3A_1516 : vector<16xi32>
      %jit3A_1518 = arith.constant 0.000000e+00 : f32
      %broadcast_in_dim3A_1519 = vector.broadcast %squeeze3A_391 : f32 to vector<16xf32>
      %broadcast_in_dim3A_1520 = vector.broadcast %jit3A_1518 : f32 to vector<16xf32>
      %select_n3A_1521 = arith.select %eq3A_1517, %broadcast_in_dim3A_1519, %broadcast_in_dim3A_1520 : vector<16xi1>, vector<16xf32>
      %add3A_1522 = arith.addf %add3A_1514, %select_n3A_1521 : vector<16xf32>
      %eq3A_1523 = arith.constant 29 : i32
      %eq3A_1524 = vector.broadcast %eq3A_1523 : i32 to vector<16xi32>
      %eq3A_1525 = arith.cmpi eq, %get3A_404, %eq3A_1524 : vector<16xi32>
      %jit3A_1526 = arith.constant 0.000000e+00 : f32
      %broadcast_in_dim3A_1527 = vector.broadcast %squeeze3A_393 : f32 to vector<16xf32>
      %broadcast_in_dim3A_1528 = vector.broadcast %jit3A_1526 : f32 to vector<16xf32>
      %select_n3A_1529 = arith.select %eq3A_1525, %broadcast_in_dim3A_1527, %broadcast_in_dim3A_1528 : vector<16xi1>, vector<16xf32>
      %add3A_1530 = arith.addf %add3A_1522, %select_n3A_1529 : vector<16xf32>
      %eq3A_1531 = arith.constant 29 : i32
      %eq3A_1532 = vector.broadcast %eq3A_1531 : i32 to vector<16xi32>
      %eq3A_1533 = arith.cmpi eq, %get3A_407, %eq3A_1532 : vector<16xi32>
      %jit3A_1534 = arith.constant 0.000000e+00 : f32
      %broadcast_in_dim3A_1535 = vector.broadcast %squeeze3A_395 : f32 to vector<16xf32>
      %broadcast_in_dim3A_1536 = vector.broadcast %jit3A_1534 : f32 to vector<16xf32>
      %select_n3A_1537 = arith.select %eq3A_1533, %broadcast_in_dim3A_1535, %broadcast_in_dim3A_1536 : vector<16xi1>, vector<16xf32>
      %add3A_1538 = arith.addf %add3A_1530, %select_n3A_1537 : vector<16xf32>
      %swap3A_1539 = arith.constant 29 : i32
      %swap3A_1540 = arith.index_cast %swap3A_1539 : i32 to index
      %swap3A_1541 = arith.constant 0 : index
      %swap3A_1542 = tpu.vector_load %arg7[%swap3A_1540, %swap3A_1541] {strides = array<i32>} : memref<32x128xf32, #tpu.memory_space<vmem>>, vector<1x16xf32>,
      %swap3A_1543 = vector.shape_cast %swap3A_1542 : vector<1x16xf32> to vector<16xf32>
      %swap3A_1544 = vector.shape_cast %add3A_1538 : vector<16xf32> to vector<1x16xf32>
      tpu.vector_store %arg7[%swap3A_1540, %swap3A_1541], %swap3A_1544 {strides = array<i32>} : memref<32x128xf32, #tpu.memory_space<vmem>>, vector<1x16xf32>,
      %eq3A_1545 = arith.constant 30 : i32
      %eq3A_1546 = vector.broadcast %eq3A_1545 : i32 to vector<16xi32>
      %eq3A_1547 = arith.cmpi eq, %get3A_398, %eq3A_1546 : vector<16xi32>
      %jit3A_1548 = arith.constant 0.000000e+00 : f32
      %broadcast_in_dim3A_1549 = vector.broadcast %squeeze3A : f32 to vector<16xf32>
      %broadcast_in_dim3A_1550 = vector.broadcast %jit3A_1548 : f32 to vector<16xf32>
      %select_n3A_1551 = arith.select %eq3A_1547, %broadcast_in_dim3A_1549, %broadcast_in_dim3A_1550 : vector<16xi1>, vector<16xf32>
      %add3A_1552 = arith.addf %broadcast_in_dim3A_4, %select_n3A_1551 : vector<16xf32>
      %eq3A_1553 = arith.constant 30 : i32
      %eq3A_1554 = vector.broadcast %eq3A_1553 : i32 to vector<16xi32>
      %eq3A_1555 = arith.cmpi eq, %get3A_401, %eq3A_1554 : vector<16xi32>
      %jit3A_1556 = arith.constant 0.000000e+00 : f32
      %broadcast_in_dim3A_1557 = vector.broadcast %squeeze3A_391 : f32 to vector<16xf32>
      %broadcast_in_dim3A_1558 = vector.broadcast %jit3A_1556 : f32 to vector<16xf32>
      %select_n3A_1559 = arith.select %eq3A_1555, %broadcast_in_dim3A_1557, %broadcast_in_dim3A_1558 : vector<16xi1>, vector<16xf32>
      %add3A_1560 = arith.addf %add3A_1552, %select_n3A_1559 : vector<16xf32>
      %eq3A_1561 = arith.constant 30 : i32
      %eq3A_1562 = vector.broadcast %eq3A_1561 : i32 to vector<16xi32>
      %eq3A_1563 = arith.cmpi eq, %get3A_404, %eq3A_1562 : vector<16xi32>
      %jit3A_1564 = arith.constant 0.000000e+00 : f32
      %broadcast_in_dim3A_1565 = vector.broadcast %squeeze3A_393 : f32 to vector<16xf32>
      %broadcast_in_dim3A_1566 = vector.broadcast %jit3A_1564 : f32 to vector<16xf32>
      %select_n3A_1567 = arith.select %eq3A_1563, %broadcast_in_dim3A_1565, %broadcast_in_dim3A_1566 : vector<16xi1>, vector<16xf32>
      %add3A_1568 = arith.addf %add3A_1560, %select_n3A_1567 : vector<16xf32>
      %eq3A_1569 = arith.constant 30 : i32
      %eq3A_1570 = vector.broadcast %eq3A_1569 : i32 to vector<16xi32>
      %eq3A_1571 = arith.cmpi eq, %get3A_407, %eq3A_1570 : vector<16xi32>
      %jit3A_1572 = arith.constant 0.000000e+00 : f32
      %broadcast_in_dim3A_1573 = vector.broadcast %squeeze3A_395 : f32 to vector<16xf32>
      %broadcast_in_dim3A_1574 = vector.broadcast %jit3A_1572 : f32 to vector<16xf32>
      %select_n3A_1575 = arith.select %eq3A_1571, %broadcast_in_dim3A_1573, %broadcast_in_dim3A_1574 : vector<16xi1>, vector<16xf32>
      %add3A_1576 = arith.addf %add3A_1568, %select_n3A_1575 : vector<16xf32>
      %swap3A_1577 = arith.constant 30 : i32
      %swap3A_1578 = arith.index_cast %swap3A_1577 : i32 to index
      %swap3A_1579 = arith.constant 0 : index
      %swap3A_1580 = tpu.vector_load %arg7[%swap3A_1578, %swap3A_1579] {strides = array<i32>} : memref<32x128xf32, #tpu.memory_space<vmem>>, vector<1x16xf32>,
      %swap3A_1581 = vector.shape_cast %swap3A_1580 : vector<1x16xf32> to vector<16xf32>
      %swap3A_1582 = vector.shape_cast %add3A_1576 : vector<16xf32> to vector<1x16xf32>
      tpu.vector_store %arg7[%swap3A_1578, %swap3A_1579], %swap3A_1582 {strides = array<i32>} : memref<32x128xf32, #tpu.memory_space<vmem>>, vector<1x16xf32>,
      %eq3A_1583 = arith.constant 31 : i32
      %eq3A_1584 = vector.broadcast %eq3A_1583 : i32 to vector<16xi32>
      %eq3A_1585 = arith.cmpi eq, %get3A_398, %eq3A_1584 : vector<16xi32>
      %jit3A_1586 = arith.constant 0.000000e+00 : f32
      %broadcast_in_dim3A_1587 = vector.broadcast %squeeze3A : f32 to vector<16xf32>
      %broadcast_in_dim3A_1588 = vector.broadcast %jit3A_1586 : f32 to vector<16xf32>
      %select_n3A_1589 = arith.select %eq3A_1585, %broadcast_in_dim3A_1587, %broadcast_in_dim3A_1588 : vector<16xi1>, vector<16xf32>
      %add3A_1590 = arith.addf %broadcast_in_dim3A_4, %select_n3A_1589 : vector<16xf32>
      %eq3A_1591 = arith.constant 31 : i32
      %eq3A_1592 = vector.broadcast %eq3A_1591 : i32 to vector<16xi32>
      %eq3A_1593 = arith.cmpi eq, %get3A_401, %eq3A_1592 : vector<16xi32>
      %jit3A_1594 = arith.constant 0.000000e+00 : f32
      %broadcast_in_dim3A_1595 = vector.broadcast %squeeze3A_391 : f32 to vector<16xf32>
      %broadcast_in_dim3A_1596 = vector.broadcast %jit3A_1594 : f32 to vector<16xf32>
      %select_n3A_1597 = arith.select %eq3A_1593, %broadcast_in_dim3A_1595, %broadcast_in_dim3A_1596 : vector<16xi1>, vector<16xf32>
      %add3A_1598 = arith.addf %add3A_1590, %select_n3A_1597 : vector<16xf32>
      %eq3A_1599 = arith.constant 31 : i32
      %eq3A_1600 = vector.broadcast %eq3A_1599 : i32 to vector<16xi32>
      %eq3A_1601 = arith.cmpi eq, %get3A_404, %eq3A_1600 : vector<16xi32>
      %jit3A_1602 = arith.constant 0.000000e+00 : f32
      %broadcast_in_dim3A_1603 = vector.broadcast %squeeze3A_393 : f32 to vector<16xf32>
      %broadcast_in_dim3A_1604 = vector.broadcast %jit3A_1602 : f32 to vector<16xf32>
      %select_n3A_1605 = arith.select %eq3A_1601, %broadcast_in_dim3A_1603, %broadcast_in_dim3A_1604 : vector<16xi1>, vector<16xf32>
      %add3A_1606 = arith.addf %add3A_1598, %select_n3A_1605 : vector<16xf32>
      %eq3A_1607 = arith.constant 31 : i32
      %eq3A_1608 = vector.broadcast %eq3A_1607 : i32 to vector<16xi32>
      %eq3A_1609 = arith.cmpi eq, %get3A_407, %eq3A_1608 : vector<16xi32>
      %jit3A_1610 = arith.constant 0.000000e+00 : f32
      %broadcast_in_dim3A_1611 = vector.broadcast %squeeze3A_395 : f32 to vector<16xf32>
      %broadcast_in_dim3A_1612 = vector.broadcast %jit3A_1610 : f32 to vector<16xf32>
      %select_n3A_1613 = arith.select %eq3A_1609, %broadcast_in_dim3A_1611, %broadcast_in_dim3A_1612 : vector<16xi1>, vector<16xf32>
      %add3A_1614 = arith.addf %add3A_1606, %select_n3A_1613 : vector<16xf32>
      %swap3A_1615 = arith.constant 31 : i32
      %swap3A_1616 = arith.index_cast %swap3A_1615 : i32 to index
      %swap3A_1617 = arith.constant 0 : index
      %swap3A_1618 = tpu.vector_load %arg7[%swap3A_1616, %swap3A_1617] {strides = array<i32>} : memref<32x128xf32, #tpu.memory_space<vmem>>, vector<1x16xf32>,
      %swap3A_1619 = vector.shape_cast %swap3A_1618 : vector<1x16xf32> to vector<16xf32>
      %swap3A_1620 = vector.shape_cast %add3A_1614 : vector<16xf32> to vector<1x16xf32>
      tpu.vector_store %arg7[%swap3A_1616, %swap3A_1617], %swap3A_1620 {strides = array<i32>} : memref<32x128xf32, #tpu.memory_space<vmem>>, vector<1x16xf32>,
      %get3A_1621 = arith.constant 16 : index
      %get3A_1622 = tpu.vector_load %arg5[%get3A_1621] {strides = array<i32>} : memref<128xi32, #tpu.memory_space<vmem>>, vector<16xi32>,
      %get3A_1623 = vector.shape_cast %get3A_1622 : vector<16xi32> to vector<16xi32>
      %get3A_1624 = arith.constant 48 : index
      %get3A_1625 = tpu.vector_load %arg5[%get3A_1624] {strides = array<i32>} : memref<128xi32, #tpu.memory_space<vmem>>, vector<16xi32>,
      %get3A_1626 = vector.shape_cast %get3A_1625 : vector<16xi32> to vector<16xi32>
      %get3A_1627 = arith.constant 80 : index
      %get3A_1628 = tpu.vector_load %arg5[%get3A_1627] {strides = array<i32>} : memref<128xi32, #tpu.memory_space<vmem>>, vector<16xi32>,
      %get3A_1629 = vector.shape_cast %get3A_1628 : vector<16xi32> to vector<16xi32>
      %get3A_1630 = arith.constant 112 : index
      %get3A_1631 = tpu.vector_load %arg5[%get3A_1630] {strides = array<i32>} : memref<128xi32, #tpu.memory_space<vmem>>, vector<16xi32>,
      %get3A_1632 = vector.shape_cast %get3A_1631 : vector<16xi32> to vector<16xi32>
      %eq3A_1633 = arith.constant 0 : i32
      %eq3A_1634 = vector.broadcast %eq3A_1633 : i32 to vector<16xi32>
      %eq3A_1635 = arith.cmpi eq, %get3A_1623, %eq3A_1634 : vector<16xi32>
      %jit3A_1636 = arith.constant 0.000000e+00 : f32
      %broadcast_in_dim3A_1637 = vector.broadcast %squeeze3A : f32 to vector<16xf32>
      %broadcast_in_dim3A_1638 = vector.broadcast %jit3A_1636 : f32 to vector<16xf32>
      %select_n3A_1639 = arith.select %eq3A_1635, %broadcast_in_dim3A_1637, %broadcast_in_dim3A_1638 : vector<16xi1>, vector<16xf32>
      %add3A_1640 = arith.addf %broadcast_in_dim3A_4, %select_n3A_1639 : vector<16xf32>
      %eq3A_1641 = arith.constant 0 : i32
      %eq3A_1642 = vector.broadcast %eq3A_1641 : i32 to vector<16xi32>
      %eq3A_1643 = arith.cmpi eq, %get3A_1626, %eq3A_1642 : vector<16xi32>
      %jit3A_1644 = arith.constant 0.000000e+00 : f32
      %broadcast_in_dim3A_1645 = vector.broadcast %squeeze3A_391 : f32 to vector<16xf32>
      %broadcast_in_dim3A_1646 = vector.broadcast %jit3A_1644 : f32 to vector<16xf32>
      %select_n3A_1647 = arith.select %eq3A_1643, %broadcast_in_dim3A_1645, %broadcast_in_dim3A_1646 : vector<16xi1>, vector<16xf32>
      %add3A_1648 = arith.addf %add3A_1640, %select_n3A_1647 : vector<16xf32>
      %eq3A_1649 = arith.constant 0 : i32
      %eq3A_1650 = vector.broadcast %eq3A_1649 : i32 to vector<16xi32>
      %eq3A_1651 = arith.cmpi eq, %get3A_1629, %eq3A_1650 : vector<16xi32>
      %jit3A_1652 = arith.constant 0.000000e+00 : f32
      %broadcast_in_dim3A_1653 = vector.broadcast %squeeze3A_393 : f32 to vector<16xf32>
      %broadcast_in_dim3A_1654 = vector.broadcast %jit3A_1652 : f32 to vector<16xf32>
      %select_n3A_1655 = arith.select %eq3A_1651, %broadcast_in_dim3A_1653, %broadcast_in_dim3A_1654 : vector<16xi1>, vector<16xf32>
      %add3A_1656 = arith.addf %add3A_1648, %select_n3A_1655 : vector<16xf32>
      %eq3A_1657 = arith.constant 0 : i32
      %eq3A_1658 = vector.broadcast %eq3A_1657 : i32 to vector<16xi32>
      %eq3A_1659 = arith.cmpi eq, %get3A_1632, %eq3A_1658 : vector<16xi32>
      %jit3A_1660 = arith.constant 0.000000e+00 : f32
      %broadcast_in_dim3A_1661 = vector.broadcast %squeeze3A_395 : f32 to vector<16xf32>
      %broadcast_in_dim3A_1662 = vector.broadcast %jit3A_1660 : f32 to vector<16xf32>
      %select_n3A_1663 = arith.select %eq3A_1659, %broadcast_in_dim3A_1661, %broadcast_in_dim3A_1662 : vector<16xi1>, vector<16xf32>
      %add3A_1664 = arith.addf %add3A_1656, %select_n3A_1663 : vector<16xf32>
      %swap3A_1665 = arith.constant 0 : i32
      %swap3A_1666 = arith.index_cast %swap3A_1665 : i32 to index
      %swap3A_1667 = arith.constant 16 : index
      %swap3A_1668 = tpu.vector_load %arg7[%swap3A_1666, %swap3A_1667] {strides = array<i32>} : memref<32x128xf32, #tpu.memory_space<vmem>>, vector<1x16xf32>,
      %swap3A_1669 = vector.shape_cast %swap3A_1668 : vector<1x16xf32> to vector<16xf32>
      %swap3A_1670 = vector.shape_cast %add3A_1664 : vector<16xf32> to vector<1x16xf32>
      tpu.vector_store %arg7[%swap3A_1666, %swap3A_1667], %swap3A_1670 {strides = array<i32>} : memref<32x128xf32, #tpu.memory_space<vmem>>, vector<1x16xf32>,
      %eq3A_1671 = arith.constant 1 : i32
      %eq3A_1672 = vector.broadcast %eq3A_1671 : i32 to vector<16xi32>
      %eq3A_1673 = arith.cmpi eq, %get3A_1623, %eq3A_1672 : vector<16xi32>
      %jit3A_1674 = arith.constant 0.000000e+00 : f32
      %broadcast_in_dim3A_1675 = vector.broadcast %squeeze3A : f32 to vector<16xf32>
      %broadcast_in_dim3A_1676 = vector.broadcast %jit3A_1674 : f32 to vector<16xf32>
      %select_n3A_1677 = arith.select %eq3A_1673, %broadcast_in_dim3A_1675, %broadcast_in_dim3A_1676 : vector<16xi1>, vector<16xf32>
      %add3A_1678 = arith.addf %broadcast_in_dim3A_4, %select_n3A_1677 : vector<16xf32>
      %eq3A_1679 = arith.constant 1 : i32
      %eq3A_1680 = vector.broadcast %eq3A_1679 : i32 to vector<16xi32>
      %eq3A_1681 = arith.cmpi eq, %get3A_1626, %eq3A_1680 : vector<16xi32>
      %jit3A_1682 = arith.constant 0.000000e+00 : f32
      %broadcast_in_dim3A_1683 = vector.broadcast %squeeze3A_391 : f32 to vector<16xf32>
      %broadcast_in_dim3A_1684 = vector.broadcast %jit3A_1682 : f32 to vector<16xf32>
      %select_n3A_1685 = arith.select %eq3A_1681, %broadcast_in_dim3A_1683, %broadcast_in_dim3A_1684 : vector<16xi1>, vector<16xf32>
      %add3A_1686 = arith.addf %add3A_1678, %select_n3A_1685 : vector<16xf32>
      %eq3A_1687 = arith.constant 1 : i32
      %eq3A_1688 = vector.broadcast %eq3A_1687 : i32 to vector<16xi32>
      %eq3A_1689 = arith.cmpi eq, %get3A_1629, %eq3A_1688 : vector<16xi32>
      %jit3A_1690 = arith.constant 0.000000e+00 : f32
      %broadcast_in_dim3A_1691 = vector.broadcast %squeeze3A_393 : f32 to vector<16xf32>
      %broadcast_in_dim3A_1692 = vector.broadcast %jit3A_1690 : f32 to vector<16xf32>
      %select_n3A_1693 = arith.select %eq3A_1689, %broadcast_in_dim3A_1691, %broadcast_in_dim3A_1692 : vector<16xi1>, vector<16xf32>
      %add3A_1694 = arith.addf %add3A_1686, %select_n3A_1693 : vector<16xf32>
      %eq3A_1695 = arith.constant 1 : i32
      %eq3A_1696 = vector.broadcast %eq3A_1695 : i32 to vector<16xi32>
      %eq3A_1697 = arith.cmpi eq, %get3A_1632, %eq3A_1696 : vector<16xi32>
      %jit3A_1698 = arith.constant 0.000000e+00 : f32
      %broadcast_in_dim3A_1699 = vector.broadcast %squeeze3A_395 : f32 to vector<16xf32>
      %broadcast_in_dim3A_1700 = vector.broadcast %jit3A_1698 : f32 to vector<16xf32>
      %select_n3A_1701 = arith.select %eq3A_1697, %broadcast_in_dim3A_1699, %broadcast_in_dim3A_1700 : vector<16xi1>, vector<16xf32>
      %add3A_1702 = arith.addf %add3A_1694, %select_n3A_1701 : vector<16xf32>
      %swap3A_1703 = arith.constant 1 : i32
      %swap3A_1704 = arith.index_cast %swap3A_1703 : i32 to index
      %swap3A_1705 = arith.constant 16 : index
      %swap3A_1706 = tpu.vector_load %arg7[%swap3A_1704, %swap3A_1705] {strides = array<i32>} : memref<32x128xf32, #tpu.memory_space<vmem>>, vector<1x16xf32>,
      %swap3A_1707 = vector.shape_cast %swap3A_1706 : vector<1x16xf32> to vector<16xf32>
      %swap3A_1708 = vector.shape_cast %add3A_1702 : vector<16xf32> to vector<1x16xf32>
      tpu.vector_store %arg7[%swap3A_1704, %swap3A_1705], %swap3A_1708 {strides = array<i32>} : memref<32x128xf32, #tpu.memory_space<vmem>>, vector<1x16xf32>,
      %eq3A_1709 = arith.constant 2 : i32
      %eq3A_1710 = vector.broadcast %eq3A_1709 : i32 to vector<16xi32>
      %eq3A_1711 = arith.cmpi eq, %get3A_1623, %eq3A_1710 : vector<16xi32>
      %jit3A_1712 = arith.constant 0.000000e+00 : f32
      %broadcast_in_dim3A_1713 = vector.broadcast %squeeze3A : f32 to vector<16xf32>
      %broadcast_in_dim3A_1714 = vector.broadcast %jit3A_1712 : f32 to vector<16xf32>
      %select_n3A_1715 = arith.select %eq3A_1711, %broadcast_in_dim3A_1713, %broadcast_in_dim3A_1714 : vector<16xi1>, vector<16xf32>
      %add3A_1716 = arith.addf %broadcast_in_dim3A_4, %select_n3A_1715 : vector<16xf32>
      %eq3A_1717 = arith.constant 2 : i32
      %eq3A_1718 = vector.broadcast %eq3A_1717 : i32 to vector<16xi32>
      %eq3A_1719 = arith.cmpi eq, %get3A_1626, %eq3A_1718 : vector<16xi32>
      %jit3A_1720 = arith.constant 0.000000e+00 : f32
      %broadcast_in_dim3A_1721 = vector.broadcast %squeeze3A_391 : f32 to vector<16xf32>
      %broadcast_in_dim3A_1722 = vector.broadcast %jit3A_1720 : f32 to vector<16xf32>
      %select_n3A_1723 = arith.select %eq3A_1719, %broadcast_in_dim3A_1721, %broadcast_in_dim3A_1722 : vector<16xi1>, vector<16xf32>
      %add3A_1724 = arith.addf %add3A_1716, %select_n3A_1723 : vector<16xf32>
      %eq3A_1725 = arith.constant 2 : i32
      %eq3A_1726 = vector.broadcast %eq3A_1725 : i32 to vector<16xi32>
      %eq3A_1727 = arith.cmpi eq, %get3A_1629, %eq3A_1726 : vector<16xi32>
      %jit3A_1728 = arith.constant 0.000000e+00 : f32
      %broadcast_in_dim3A_1729 = vector.broadcast %squeeze3A_393 : f32 to vector<16xf32>
      %broadcast_in_dim3A_1730 = vector.broadcast %jit3A_1728 : f32 to vector<16xf32>
      %select_n3A_1731 = arith.select %eq3A_1727, %broadcast_in_dim3A_1729, %broadcast_in_dim3A_1730 : vector<16xi1>, vector<16xf32>
      %add3A_1732 = arith.addf %add3A_1724, %select_n3A_1731 : vector<16xf32>
      %eq3A_1733 = arith.constant 2 : i32
      %eq3A_1734 = vector.broadcast %eq3A_1733 : i32 to vector<16xi32>
      %eq3A_1735 = arith.cmpi eq, %get3A_1632, %eq3A_1734 : vector<16xi32>
      %jit3A_1736 = arith.constant 0.000000e+00 : f32
      %broadcast_in_dim3A_1737 = vector.broadcast %squeeze3A_395 : f32 to vector<16xf32>
      %broadcast_in_dim3A_1738 = vector.broadcast %jit3A_1736 : f32 to vector<16xf32>
      %select_n3A_1739 = arith.select %eq3A_1735, %broadcast_in_dim3A_1737, %broadcast_in_dim3A_1738 : vector<16xi1>, vector<16xf32>
      %add3A_1740 = arith.addf %add3A_1732, %select_n3A_1739 : vector<16xf32>
      %swap3A_1741 = arith.constant 2 : i32
      %swap3A_1742 = arith.index_cast %swap3A_1741 : i32 to index
      %swap3A_1743 = arith.constant 16 : index
      %swap3A_1744 = tpu.vector_load %arg7[%swap3A_1742, %swap3A_1743] {strides = array<i32>} : memref<32x128xf32, #tpu.memory_space<vmem>>, vector<1x16xf32>,
      %swap3A_1745 = vector.shape_cast %swap3A_1744 : vector<1x16xf32> to vector<16xf32>
      %swap3A_1746 = vector.shape_cast %add3A_1740 : vector<16xf32> to vector<1x16xf32>
      tpu.vector_store %arg7[%swap3A_1742, %swap3A_1743], %swap3A_1746 {strides = array<i32>} : memref<32x128xf32, #tpu.memory_space<vmem>>, vector<1x16xf32>,
      %eq3A_1747 = arith.constant 3 : i32
      %eq3A_1748 = vector.broadcast %eq3A_1747 : i32 to vector<16xi32>
      %eq3A_1749 = arith.cmpi eq, %get3A_1623, %eq3A_1748 : vector<16xi32>
      %jit3A_1750 = arith.constant 0.000000e+00 : f32
      %broadcast_in_dim3A_1751 = vector.broadcast %squeeze3A : f32 to vector<16xf32>
      %broadcast_in_dim3A_1752 = vector.broadcast %jit3A_1750 : f32 to vector<16xf32>
      %select_n3A_1753 = arith.select %eq3A_1749, %broadcast_in_dim3A_1751, %broadcast_in_dim3A_1752 : vector<16xi1>, vector<16xf32>
      %add3A_1754 = arith.addf %broadcast_in_dim3A_4, %select_n3A_1753 : vector<16xf32>
      %eq3A_1755 = arith.constant 3 : i32
      %eq3A_1756 = vector.broadcast %eq3A_1755 : i32 to vector<16xi32>
      %eq3A_1757 = arith.cmpi eq, %get3A_1626, %eq3A_1756 : vector<16xi32>
      %jit3A_1758 = arith.constant 0.000000e+00 : f32
      %broadcast_in_dim3A_1759 = vector.broadcast %squeeze3A_391 : f32 to vector<16xf32>
      %broadcast_in_dim3A_1760 = vector.broadcast %jit3A_1758 : f32 to vector<16xf32>
      %select_n3A_1761 = arith.select %eq3A_1757, %broadcast_in_dim3A_1759, %broadcast_in_dim3A_1760 : vector<16xi1>, vector<16xf32>
      %add3A_1762 = arith.addf %add3A_1754, %select_n3A_1761 : vector<16xf32>
      %eq3A_1763 = arith.constant 3 : i32
      %eq3A_1764 = vector.broadcast %eq3A_1763 : i32 to vector<16xi32>
      %eq3A_1765 = arith.cmpi eq, %get3A_1629, %eq3A_1764 : vector<16xi32>
      %jit3A_1766 = arith.constant 0.000000e+00 : f32
      %broadcast_in_dim3A_1767 = vector.broadcast %squeeze3A_393 : f32 to vector<16xf32>
      %broadcast_in_dim3A_1768 = vector.broadcast %jit3A_1766 : f32 to vector<16xf32>
      %select_n3A_1769 = arith.select %eq3A_1765, %broadcast_in_dim3A_1767, %broadcast_in_dim3A_1768 : vector<16xi1>, vector<16xf32>
      %add3A_1770 = arith.addf %add3A_1762, %select_n3A_1769 : vector<16xf32>
      %eq3A_1771 = arith.constant 3 : i32
      %eq3A_1772 = vector.broadcast %eq3A_1771 : i32 to vector<16xi32>
      %eq3A_1773 = arith.cmpi eq, %get3A_1632, %eq3A_1772 : vector<16xi32>
      %jit3A_1774 = arith.constant 0.000000e+00 : f32
      %broadcast_in_dim3A_1775 = vector.broadcast %squeeze3A_395 : f32 to vector<16xf32>
      %broadcast_in_dim3A_1776 = vector.broadcast %jit3A_1774 : f32 to vector<16xf32>
      %select_n3A_1777 = arith.select %eq3A_1773, %broadcast_in_dim3A_1775, %broadcast_in_dim3A_1776 : vector<16xi1>, vector<16xf32>
      %add3A_1778 = arith.addf %add3A_1770, %select_n3A_1777 : vector<16xf32>
      %swap3A_1779 = arith.constant 3 : i32
      %swap3A_1780 = arith.index_cast %swap3A_1779 : i32 to index
      %swap3A_1781 = arith.constant 16 : index
      %swap3A_1782 = tpu.vector_load %arg7[%swap3A_1780, %swap3A_1781] {strides = array<i32>} : memref<32x128xf32, #tpu.memory_space<vmem>>, vector<1x16xf32>,
      %swap3A_1783 = vector.shape_cast %swap3A_1782 : vector<1x16xf32> to vector<16xf32>
      %swap3A_1784 = vector.shape_cast %add3A_1778 : vector<16xf32> to vector<1x16xf32>
      tpu.vector_store %arg7[%swap3A_1780, %swap3A_1781], %swap3A_1784 {strides = array<i32>} : memref<32x128xf32, #tpu.memory_space<vmem>>, vector<1x16xf32>,
      %eq3A_1785 = arith.constant 4 : i32
      %eq3A_1786 = vector.broadcast %eq3A_1785 : i32 to vector<16xi32>
      %eq3A_1787 = arith.cmpi eq, %get3A_1623, %eq3A_1786 : vector<16xi32>
      %jit3A_1788 = arith.constant 0.000000e+00 : f32
      %broadcast_in_dim3A_1789 = vector.broadcast %squeeze3A : f32 to vector<16xf32>
      %broadcast_in_dim3A_1790 = vector.broadcast %jit3A_1788 : f32 to vector<16xf32>
      %select_n3A_1791 = arith.select %eq3A_1787, %broadcast_in_dim3A_1789, %broadcast_in_dim3A_1790 : vector<16xi1>, vector<16xf32>
      %add3A_1792 = arith.addf %broadcast_in_dim3A_4, %select_n3A_1791 : vector<16xf32>
      %eq3A_1793 = arith.constant 4 : i32
      %eq3A_1794 = vector.broadcast %eq3A_1793 : i32 to vector<16xi32>
      %eq3A_1795 = arith.cmpi eq, %get3A_1626, %eq3A_1794 : vector<16xi32>
      %jit3A_1796 = arith.constant 0.000000e+00 : f32
      %broadcast_in_dim3A_1797 = vector.broadcast %squeeze3A_391 : f32 to vector<16xf32>
      %broadcast_in_dim3A_1798 = vector.broadcast %jit3A_1796 : f32 to vector<16xf32>
      %select_n3A_1799 = arith.select %eq3A_1795, %broadcast_in_dim3A_1797, %broadcast_in_dim3A_1798 : vector<16xi1>, vector<16xf32>
      %add3A_1800 = arith.addf %add3A_1792, %select_n3A_1799 : vector<16xf32>
      %eq3A_1801 = arith.constant 4 : i32
      %eq3A_1802 = vector.broadcast %eq3A_1801 : i32 to vector<16xi32>
      %eq3A_1803 = arith.cmpi eq, %get3A_1629, %eq3A_1802 : vector<16xi32>
      %jit3A_1804 = arith.constant 0.000000e+00 : f32
      %broadcast_in_dim3A_1805 = vector.broadcast %squeeze3A_393 : f32 to vector<16xf32>
      %broadcast_in_dim3A_1806 = vector.broadcast %jit3A_1804 : f32 to vector<16xf32>
      %select_n3A_1807 = arith.select %eq3A_1803, %broadcast_in_dim3A_1805, %broadcast_in_dim3A_1806 : vector<16xi1>, vector<16xf32>
      %add3A_1808 = arith.addf %add3A_1800, %select_n3A_1807 : vector<16xf32>
      %eq3A_1809 = arith.constant 4 : i32
      %eq3A_1810 = vector.broadcast %eq3A_1809 : i32 to vector<16xi32>
      %eq3A_1811 = arith.cmpi eq, %get3A_1632, %eq3A_1810 : vector<16xi32>
      %jit3A_1812 = arith.constant 0.000000e+00 : f32
      %broadcast_in_dim3A_1813 = vector.broadcast %squeeze3A_395 : f32 to vector<16xf32>
      %broadcast_in_dim3A_1814 = vector.broadcast %jit3A_1812 : f32 to vector<16xf32>
      %select_n3A_1815 = arith.select %eq3A_1811, %broadcast_in_dim3A_1813, %broadcast_in_dim3A_1814 : vector<16xi1>, vector<16xf32>
      %add3A_1816 = arith.addf %add3A_1808, %select_n3A_1815 : vector<16xf32>
      %swap3A_1817 = arith.constant 4 : i32
      %swap3A_1818 = arith.index_cast %swap3A_1817 : i32 to index
      %swap3A_1819 = arith.constant 16 : index
      %swap3A_1820 = tpu.vector_load %arg7[%swap3A_1818, %swap3A_1819] {strides = array<i32>} : memref<32x128xf32, #tpu.memory_space<vmem>>, vector<1x16xf32>,
      %swap3A_1821 = vector.shape_cast %swap3A_1820 : vector<1x16xf32> to vector<16xf32>
      %swap3A_1822 = vector.shape_cast %add3A_1816 : vector<16xf32> to vector<1x16xf32>
      tpu.vector_store %arg7[%swap3A_1818, %swap3A_1819], %swap3A_1822 {strides = array<i32>} : memref<32x128xf32, #tpu.memory_space<vmem>>, vector<1x16xf32>,
      %eq3A_1823 = arith.constant 5 : i32
      %eq3A_1824 = vector.broadcast %eq3A_1823 : i32 to vector<16xi32>
      %eq3A_1825 = arith.cmpi eq, %get3A_1623, %eq3A_1824 : vector<16xi32>
      %jit3A_1826 = arith.constant 0.000000e+00 : f32
      %broadcast_in_dim3A_1827 = vector.broadcast %squeeze3A : f32 to vector<16xf32>
      %broadcast_in_dim3A_1828 = vector.broadcast %jit3A_1826 : f32 to vector<16xf32>
      %select_n3A_1829 = arith.select %eq3A_1825, %broadcast_in_dim3A_1827, %broadcast_in_dim3A_1828 : vector<16xi1>, vector<16xf32>
      %add3A_1830 = arith.addf %broadcast_in_dim3A_4, %select_n3A_1829 : vector<16xf32>
      %eq3A_1831 = arith.constant 5 : i32
      %eq3A_1832 = vector.broadcast %eq3A_1831 : i32 to vector<16xi32>
      %eq3A_1833 = arith.cmpi eq, %get3A_1626, %eq3A_1832 : vector<16xi32>
      %jit3A_1834 = arith.constant 0.000000e+00 : f32
      %broadcast_in_dim3A_1835 = vector.broadcast %squeeze3A_391 : f32 to vector<16xf32>
      %broadcast_in_dim3A_1836 = vector.broadcast %jit3A_1834 : f32 to vector<16xf32>
      %select_n3A_1837 = arith.select %eq3A_1833, %broadcast_in_dim3A_1835, %broadcast_in_dim3A_1836 : vector<16xi1>, vector<16xf32>
      %add3A_1838 = arith.addf %add3A_1830, %select_n3A_1837 : vector<16xf32>
      %eq3A_1839 = arith.constant 5 : i32
      %eq3A_1840 = vector.broadcast %eq3A_1839 : i32 to vector<16xi32>
      %eq3A_1841 = arith.cmpi eq, %get3A_1629, %eq3A_1840 : vector<16xi32>
      %jit3A_1842 = arith.constant 0.000000e+00 : f32
      %broadcast_in_dim3A_1843 = vector.broadcast %squeeze3A_393 : f32 to vector<16xf32>
      %broadcast_in_dim3A_1844 = vector.broadcast %jit3A_1842 : f32 to vector<16xf32>
      %select_n3A_1845 = arith.select %eq3A_1841, %broadcast_in_dim3A_1843, %broadcast_in_dim3A_1844 : vector<16xi1>, vector<16xf32>
      %add3A_1846 = arith.addf %add3A_1838, %select_n3A_1845 : vector<16xf32>
      %eq3A_1847 = arith.constant 5 : i32
      %eq3A_1848 = vector.broadcast %eq3A_1847 : i32 to vector<16xi32>
      %eq3A_1849 = arith.cmpi eq, %get3A_1632, %eq3A_1848 : vector<16xi32>
      %jit3A_1850 = arith.constant 0.000000e+00 : f32
      %broadcast_in_dim3A_1851 = vector.broadcast %squeeze3A_395 : f32 to vector<16xf32>
      %broadcast_in_dim3A_1852 = vector.broadcast %jit3A_1850 : f32 to vector<16xf32>
      %select_n3A_1853 = arith.select %eq3A_1849, %broadcast_in_dim3A_1851, %broadcast_in_dim3A_1852 : vector<16xi1>, vector<16xf32>
      %add3A_1854 = arith.addf %add3A_1846, %select_n3A_1853 : vector<16xf32>
      %swap3A_1855 = arith.constant 5 : i32
      %swap3A_1856 = arith.index_cast %swap3A_1855 : i32 to index
      %swap3A_1857 = arith.constant 16 : index
      %swap3A_1858 = tpu.vector_load %arg7[%swap3A_1856, %swap3A_1857] {strides = array<i32>} : memref<32x128xf32, #tpu.memory_space<vmem>>, vector<1x16xf32>,
      %swap3A_1859 = vector.shape_cast %swap3A_1858 : vector<1x16xf32> to vector<16xf32>
      %swap3A_1860 = vector.shape_cast %add3A_1854 : vector<16xf32> to vector<1x16xf32>
      tpu.vector_store %arg7[%swap3A_1856, %swap3A_1857], %swap3A_1860 {strides = array<i32>} : memref<32x128xf32, #tpu.memory_space<vmem>>, vector<1x16xf32>,
      %eq3A_1861 = arith.constant 6 : i32
      %eq3A_1862 = vector.broadcast %eq3A_1861 : i32 to vector<16xi32>
      %eq3A_1863 = arith.cmpi eq, %get3A_1623, %eq3A_1862 : vector<16xi32>
      %jit3A_1864 = arith.constant 0.000000e+00 : f32
      %broadcast_in_dim3A_1865 = vector.broadcast %squeeze3A : f32 to vector<16xf32>
      %broadcast_in_dim3A_1866 = vector.broadcast %jit3A_1864 : f32 to vector<16xf32>
      %select_n3A_1867 = arith.select %eq3A_1863, %broadcast_in_dim3A_1865, %broadcast_in_dim3A_1866 : vector<16xi1>, vector<16xf32>
      %add3A_1868 = arith.addf %broadcast_in_dim3A_4, %select_n3A_1867 : vector<16xf32>
      %eq3A_1869 = arith.constant 6 : i32
      %eq3A_1870 = vector.broadcast %eq3A_1869 : i32 to vector<16xi32>
      %eq3A_1871 = arith.cmpi eq, %get3A_1626, %eq3A_1870 : vector<16xi32>
      %jit3A_1872 = arith.constant 0.000000e+00 : f32
      %broadcast_in_dim3A_1873 = vector.broadcast %squeeze3A_391 : f32 to vector<16xf32>
      %broadcast_in_dim3A_1874 = vector.broadcast %jit3A_1872 : f32 to vector<16xf32>
      %select_n3A_1875 = arith.select %eq3A_1871, %broadcast_in_dim3A_1873, %broadcast_in_dim3A_1874 : vector<16xi1>, vector<16xf32>
      %add3A_1876 = arith.addf %add3A_1868, %select_n3A_1875 : vector<16xf32>
      %eq3A_1877 = arith.constant 6 : i32
      %eq3A_1878 = vector.broadcast %eq3A_1877 : i32 to vector<16xi32>
      %eq3A_1879 = arith.cmpi eq, %get3A_1629, %eq3A_1878 : vector<16xi32>
      %jit3A_1880 = arith.constant 0.000000e+00 : f32
      %broadcast_in_dim3A_1881 = vector.broadcast %squeeze3A_393 : f32 to vector<16xf32>
      %broadcast_in_dim3A_1882 = vector.broadcast %jit3A_1880 : f32 to vector<16xf32>
      %select_n3A_1883 = arith.select %eq3A_1879, %broadcast_in_dim3A_1881, %broadcast_in_dim3A_1882 : vector<16xi1>, vector<16xf32>
      %add3A_1884 = arith.addf %add3A_1876, %select_n3A_1883 : vector<16xf32>
      %eq3A_1885 = arith.constant 6 : i32
      %eq3A_1886 = vector.broadcast %eq3A_1885 : i32 to vector<16xi32>
      %eq3A_1887 = arith.cmpi eq, %get3A_1632, %eq3A_1886 : vector<16xi32>
      %jit3A_1888 = arith.constant 0.000000e+00 : f32
      %broadcast_in_dim3A_1889 = vector.broadcast %squeeze3A_395 : f32 to vector<16xf32>
      %broadcast_in_dim3A_1890 = vector.broadcast %jit3A_1888 : f32 to vector<16xf32>
      %select_n3A_1891 = arith.select %eq3A_1887, %broadcast_in_dim3A_1889, %broadcast_in_dim3A_1890 : vector<16xi1>, vector<16xf32>
      %add3A_1892 = arith.addf %add3A_1884, %select_n3A_1891 : vector<16xf32>
      %swap3A_1893 = arith.constant 6 : i32
      %swap3A_1894 = arith.index_cast %swap3A_1893 : i32 to index
      %swap3A_1895 = arith.constant 16 : index
      %swap3A_1896 = tpu.vector_load %arg7[%swap3A_1894, %swap3A_1895] {strides = array<i32>} : memref<32x128xf32, #tpu.memory_space<vmem>>, vector<1x16xf32>,
      %swap3A_1897 = vector.shape_cast %swap3A_1896 : vector<1x16xf32> to vector<16xf32>
      %swap3A_1898 = vector.shape_cast %add3A_1892 : vector<16xf32> to vector<1x16xf32>
      tpu.vector_store %arg7[%swap3A_1894, %swap3A_1895], %swap3A_1898 {strides = array<i32>} : memref<32x128xf32, #tpu.memory_space<vmem>>, vector<1x16xf32>,
      %eq3A_1899 = arith.constant 7 : i32
      %eq3A_1900 = vector.broadcast %eq3A_1899 : i32 to vector<16xi32>
      %eq3A_1901 = arith.cmpi eq, %get3A_1623, %eq3A_1900 : vector<16xi32>
      %jit3A_1902 = arith.constant 0.000000e+00 : f32
      %broadcast_in_dim3A_1903 = vector.broadcast %squeeze3A : f32 to vector<16xf32>
      %broadcast_in_dim3A_1904 = vector.broadcast %jit3A_1902 : f32 to vector<16xf32>
      %select_n3A_1905 = arith.select %eq3A_1901, %broadcast_in_dim3A_1903, %broadcast_in_dim3A_1904 : vector<16xi1>, vector<16xf32>
      %add3A_1906 = arith.addf %broadcast_in_dim3A_4, %select_n3A_1905 : vector<16xf32>
      %eq3A_1907 = arith.constant 7 : i32
      %eq3A_1908 = vector.broadcast %eq3A_1907 : i32 to vector<16xi32>
      %eq3A_1909 = arith.cmpi eq, %get3A_1626, %eq3A_1908 : vector<16xi32>
      %jit3A_1910 = arith.constant 0.000000e+00 : f32
      %broadcast_in_dim3A_1911 = vector.broadcast %squeeze3A_391 : f32 to vector<16xf32>
      %broadcast_in_dim3A_1912 = vector.broadcast %jit3A_1910 : f32 to vector<16xf32>
      %select_n3A_1913 = arith.select %eq3A_1909, %broadcast_in_dim3A_1911, %broadcast_in_dim3A_1912 : vector<16xi1>, vector<16xf32>
      %add3A_1914 = arith.addf %add3A_1906, %select_n3A_1913 : vector<16xf32>
      %eq3A_1915 = arith.constant 7 : i32
      %eq3A_1916 = vector.broadcast %eq3A_1915 : i32 to vector<16xi32>
      %eq3A_1917 = arith.cmpi eq, %get3A_1629, %eq3A_1916 : vector<16xi32>
      %jit3A_1918 = arith.constant 0.000000e+00 : f32
      %broadcast_in_dim3A_1919 = vector.broadcast %squeeze3A_393 : f32 to vector<16xf32>
      %broadcast_in_dim3A_1920 = vector.broadcast %jit3A_1918 : f32 to vector<16xf32>
      %select_n3A_1921 = arith.select %eq3A_1917, %broadcast_in_dim3A_1919, %broadcast_in_dim3A_1920 : vector<16xi1>, vector<16xf32>
      %add3A_1922 = arith.addf %add3A_1914, %select_n3A_1921 : vector<16xf32>
      %eq3A_1923 = arith.constant 7 : i32
      %eq3A_1924 = vector.broadcast %eq3A_1923 : i32 to vector<16xi32>
      %eq3A_1925 = arith.cmpi eq, %get3A_1632, %eq3A_1924 : vector<16xi32>
      %jit3A_1926 = arith.constant 0.000000e+00 : f32
      %broadcast_in_dim3A_1927 = vector.broadcast %squeeze3A_395 : f32 to vector<16xf32>
      %broadcast_in_dim3A_1928 = vector.broadcast %jit3A_1926 : f32 to vector<16xf32>
      %select_n3A_1929 = arith.select %eq3A_1925, %broadcast_in_dim3A_1927, %broadcast_in_dim3A_1928 : vector<16xi1>, vector<16xf32>
      %add3A_1930 = arith.addf %add3A_1922, %select_n3A_1929 : vector<16xf32>
      %swap3A_1931 = arith.constant 7 : i32
      %swap3A_1932 = arith.index_cast %swap3A_1931 : i32 to index
      %swap3A_1933 = arith.constant 16 : index
      %swap3A_1934 = tpu.vector_load %arg7[%swap3A_1932, %swap3A_1933] {strides = array<i32>} : memref<32x128xf32, #tpu.memory_space<vmem>>, vector<1x16xf32>,
      %swap3A_1935 = vector.shape_cast %swap3A_1934 : vector<1x16xf32> to vector<16xf32>
      %swap3A_1936 = vector.shape_cast %add3A_1930 : vector<16xf32> to vector<1x16xf32>
      tpu.vector_store %arg7[%swap3A_1932, %swap3A_1933], %swap3A_1936 {strides = array<i32>} : memref<32x128xf32, #tpu.memory_space<vmem>>, vector<1x16xf32>,
      %eq3A_1937 = arith.constant 8 : i32
      %eq3A_1938 = vector.broadcast %eq3A_1937 : i32 to vector<16xi32>
      %eq3A_1939 = arith.cmpi eq, %get3A_1623, %eq3A_1938 : vector<16xi32>
      %jit3A_1940 = arith.constant 0.000000e+00 : f32
      %broadcast_in_dim3A_1941 = vector.broadcast %squeeze3A : f32 to vector<16xf32>
      %broadcast_in_dim3A_1942 = vector.broadcast %jit3A_1940 : f32 to vector<16xf32>
      %select_n3A_1943 = arith.select %eq3A_1939, %broadcast_in_dim3A_1941, %broadcast_in_dim3A_1942 : vector<16xi1>, vector<16xf32>
      %add3A_1944 = arith.addf %broadcast_in_dim3A_4, %select_n3A_1943 : vector<16xf32>
      %eq3A_1945 = arith.constant 8 : i32
      %eq3A_1946 = vector.broadcast %eq3A_1945 : i32 to vector<16xi32>
      %eq3A_1947 = arith.cmpi eq, %get3A_1626, %eq3A_1946 : vector<16xi32>
      %jit3A_1948 = arith.constant 0.000000e+00 : f32
      %broadcast_in_dim3A_1949 = vector.broadcast %squeeze3A_391 : f32 to vector<16xf32>
      %broadcast_in_dim3A_1950 = vector.broadcast %jit3A_1948 : f32 to vector<16xf32>
      %select_n3A_1951 = arith.select %eq3A_1947, %broadcast_in_dim3A_1949, %broadcast_in_dim3A_1950 : vector<16xi1>, vector<16xf32>
      %add3A_1952 = arith.addf %add3A_1944, %select_n3A_1951 : vector<16xf32>
      %eq3A_1953 = arith.constant 8 : i32
      %eq3A_1954 = vector.broadcast %eq3A_1953 : i32 to vector<16xi32>
      %eq3A_1955 = arith.cmpi eq, %get3A_1629, %eq3A_1954 : vector<16xi32>
      %jit3A_1956 = arith.constant 0.000000e+00 : f32
      %broadcast_in_dim3A_1957 = vector.broadcast %squeeze3A_393 : f32 to vector<16xf32>
      %broadcast_in_dim3A_1958 = vector.broadcast %jit3A_1956 : f32 to vector<16xf32>
      %select_n3A_1959 = arith.select %eq3A_1955, %broadcast_in_dim3A_1957, %broadcast_in_dim3A_1958 : vector<16xi1>, vector<16xf32>
      %add3A_1960 = arith.addf %add3A_1952, %select_n3A_1959 : vector<16xf32>
      %eq3A_1961 = arith.constant 8 : i32
      %eq3A_1962 = vector.broadcast %eq3A_1961 : i32 to vector<16xi32>
      %eq3A_1963 = arith.cmpi eq, %get3A_1632, %eq3A_1962 : vector<16xi32>
      %jit3A_1964 = arith.constant 0.000000e+00 : f32
      %broadcast_in_dim3A_1965 = vector.broadcast %squeeze3A_395 : f32 to vector<16xf32>
      %broadcast_in_dim3A_1966 = vector.broadcast %jit3A_1964 : f32 to vector<16xf32>
      %select_n3A_1967 = arith.select %eq3A_1963, %broadcast_in_dim3A_1965, %broadcast_in_dim3A_1966 : vector<16xi1>, vector<16xf32>
      %add3A_1968 = arith.addf %add3A_1960, %select_n3A_1967 : vector<16xf32>
      %swap3A_1969 = arith.constant 8 : i32
      %swap3A_1970 = arith.index_cast %swap3A_1969 : i32 to index
      %swap3A_1971 = arith.constant 16 : index
      %swap3A_1972 = tpu.vector_load %arg7[%swap3A_1970, %swap3A_1971] {strides = array<i32>} : memref<32x128xf32, #tpu.memory_space<vmem>>, vector<1x16xf32>,
      %swap3A_1973 = vector.shape_cast %swap3A_1972 : vector<1x16xf32> to vector<16xf32>
      %swap3A_1974 = vector.shape_cast %add3A_1968 : vector<16xf32> to vector<1x16xf32>
      tpu.vector_store %arg7[%swap3A_1970, %swap3A_1971], %swap3A_1974 {strides = array<i32>} : memref<32x128xf32, #tpu.memory_space<vmem>>, vector<1x16xf32>,
      %eq3A_1975 = arith.constant 9 : i32
      %eq3A_1976 = vector.broadcast %eq3A_1975 : i32 to vector<16xi32>
      %eq3A_1977 = arith.cmpi eq, %get3A_1623, %eq3A_1976 : vector<16xi32>
      %jit3A_1978 = arith.constant 0.000000e+00 : f32
      %broadcast_in_dim3A_1979 = vector.broadcast %squeeze3A : f32 to vector<16xf32>
      %broadcast_in_dim3A_1980 = vector.broadcast %jit3A_1978 : f32 to vector<16xf32>
      %select_n3A_1981 = arith.select %eq3A_1977, %broadcast_in_dim3A_1979, %broadcast_in_dim3A_1980 : vector<16xi1>, vector<16xf32>
      %add3A_1982 = arith.addf %broadcast_in_dim3A_4, %select_n3A_1981 : vector<16xf32>
      %eq3A_1983 = arith.constant 9 : i32
      %eq3A_1984 = vector.broadcast %eq3A_1983 : i32 to vector<16xi32>
      %eq3A_1985 = arith.cmpi eq, %get3A_1626, %eq3A_1984 : vector<16xi32>
      %jit3A_1986 = arith.constant 0.000000e+00 : f32
      %broadcast_in_dim3A_1987 = vector.broadcast %squeeze3A_391 : f32 to vector<16xf32>
      %broadcast_in_dim3A_1988 = vector.broadcast %jit3A_1986 : f32 to vector<16xf32>
      %select_n3A_1989 = arith.select %eq3A_1985, %broadcast_in_dim3A_1987, %broadcast_in_dim3A_1988 : vector<16xi1>, vector<16xf32>
      %add3A_1990 = arith.addf %add3A_1982, %select_n3A_1989 : vector<16xf32>
      %eq3A_1991 = arith.constant 9 : i32
      %eq3A_1992 = vector.broadcast %eq3A_1991 : i32 to vector<16xi32>
      %eq3A_1993 = arith.cmpi eq, %get3A_1629, %eq3A_1992 : vector<16xi32>
      %jit3A_1994 = arith.constant 0.000000e+00 : f32
      %broadcast_in_dim3A_1995 = vector.broadcast %squeeze3A_393 : f32 to vector<16xf32>
      %broadcast_in_dim3A_1996 = vector.broadcast %jit3A_1994 : f32 to vector<16xf32>
      %select_n3A_1997 = arith.select %eq3A_1993, %broadcast_in_dim3A_1995, %broadcast_in_dim3A_1996 : vector<16xi1>, vector<16xf32>
      %add3A_1998 = arith.addf %add3A_1990, %select_n3A_1997 : vector<16xf32>
      %eq3A_1999 = arith.constant 9 : i32
      %eq3A_2000 = vector.broadcast %eq3A_1999 : i32 to vector<16xi32>
      %eq3A_2001 = arith.cmpi eq, %get3A_1632, %eq3A_2000 : vector<16xi32>
      %jit3A_2002 = arith.constant 0.000000e+00 : f32
      %broadcast_in_dim3A_2003 = vector.broadcast %squeeze3A_395 : f32 to vector<16xf32>
      %broadcast_in_dim3A_2004 = vector.broadcast %jit3A_2002 : f32 to vector<16xf32>
      %select_n3A_2005 = arith.select %eq3A_2001, %broadcast_in_dim3A_2003, %broadcast_in_dim3A_2004 : vector<16xi1>, vector<16xf32>
      %add3A_2006 = arith.addf %add3A_1998, %select_n3A_2005 : vector<16xf32>
      %swap3A_2007 = arith.constant 9 : i32
      %swap3A_2008 = arith.index_cast %swap3A_2007 : i32 to index
      %swap3A_2009 = arith.constant 16 : index
      %swap3A_2010 = tpu.vector_load %arg7[%swap3A_2008, %swap3A_2009] {strides = array<i32>} : memref<32x128xf32, #tpu.memory_space<vmem>>, vector<1x16xf32>,
      %swap3A_2011 = vector.shape_cast %swap3A_2010 : vector<1x16xf32> to vector<16xf32>
      %swap3A_2012 = vector.shape_cast %add3A_2006 : vector<16xf32> to vector<1x16xf32>
      tpu.vector_store %arg7[%swap3A_2008, %swap3A_2009], %swap3A_2012 {strides = array<i32>} : memref<32x128xf32, #tpu.memory_space<vmem>>, vector<1x16xf32>,
      %eq3A_2013 = arith.constant 10 : i32
      %eq3A_2014 = vector.broadcast %eq3A_2013 : i32 to vector<16xi32>
      %eq3A_2015 = arith.cmpi eq, %get3A_1623, %eq3A_2014 : vector<16xi32>
      %jit3A_2016 = arith.constant 0.000000e+00 : f32
      %broadcast_in_dim3A_2017 = vector.broadcast %squeeze3A : f32 to vector<16xf32>
      %broadcast_in_dim3A_2018 = vector.broadcast %jit3A_2016 : f32 to vector<16xf32>
      %select_n3A_2019 = arith.select %eq3A_2015, %broadcast_in_dim3A_2017, %broadcast_in_dim3A_2018 : vector<16xi1>, vector<16xf32>
      %add3A_2020 = arith.addf %broadcast_in_dim3A_4, %select_n3A_2019 : vector<16xf32>
      %eq3A_2021 = arith.constant 10 : i32
      %eq3A_2022 = vector.broadcast %eq3A_2021 : i32 to vector<16xi32>
      %eq3A_2023 = arith.cmpi eq, %get3A_1626, %eq3A_2022 : vector<16xi32>
      %jit3A_2024 = arith.constant 0.000000e+00 : f32
      %broadcast_in_dim3A_2025 = vector.broadcast %squeeze3A_391 : f32 to vector<16xf32>
      %broadcast_in_dim3A_2026 = vector.broadcast %jit3A_2024 : f32 to vector<16xf32>
      %select_n3A_2027 = arith.select %eq3A_2023, %broadcast_in_dim3A_2025, %broadcast_in_dim3A_2026 : vector<16xi1>, vector<16xf32>
      %add3A_2028 = arith.addf %add3A_2020, %select_n3A_2027 : vector<16xf32>
      %eq3A_2029 = arith.constant 10 : i32
      %eq3A_2030 = vector.broadcast %eq3A_2029 : i32 to vector<16xi32>
      %eq3A_2031 = arith.cmpi eq, %get3A_1629, %eq3A_2030 : vector<16xi32>
      %jit3A_2032 = arith.constant 0.000000e+00 : f32
      %broadcast_in_dim3A_2033 = vector.broadcast %squeeze3A_393 : f32 to vector<16xf32>
      %broadcast_in_dim3A_2034 = vector.broadcast %jit3A_2032 : f32 to vector<16xf32>
      %select_n3A_2035 = arith.select %eq3A_2031, %broadcast_in_dim3A_2033, %broadcast_in_dim3A_2034 : vector<16xi1>, vector<16xf32>
      %add3A_2036 = arith.addf %add3A_2028, %select_n3A_2035 : vector<16xf32>
      %eq3A_2037 = arith.constant 10 : i32
      %eq3A_2038 = vector.broadcast %eq3A_2037 : i32 to vector<16xi32>
      %eq3A_2039 = arith.cmpi eq, %get3A_1632, %eq3A_2038 : vector<16xi32>
      %jit3A_2040 = arith.constant 0.000000e+00 : f32
      %broadcast_in_dim3A_2041 = vector.broadcast %squeeze3A_395 : f32 to vector<16xf32>
      %broadcast_in_dim3A_2042 = vector.broadcast %jit3A_2040 : f32 to vector<16xf32>
      %select_n3A_2043 = arith.select %eq3A_2039, %broadcast_in_dim3A_2041, %broadcast_in_dim3A_2042 : vector<16xi1>, vector<16xf32>
      %add3A_2044 = arith.addf %add3A_2036, %select_n3A_2043 : vector<16xf32>
      %swap3A_2045 = arith.constant 10 : i32
      %swap3A_2046 = arith.index_cast %swap3A_2045 : i32 to index
      %swap3A_2047 = arith.constant 16 : index
      %swap3A_2048 = tpu.vector_load %arg7[%swap3A_2046, %swap3A_2047] {strides = array<i32>} : memref<32x128xf32, #tpu.memory_space<vmem>>, vector<1x16xf32>,
      %swap3A_2049 = vector.shape_cast %swap3A_2048 : vector<1x16xf32> to vector<16xf32>
      %swap3A_2050 = vector.shape_cast %add3A_2044 : vector<16xf32> to vector<1x16xf32>
      tpu.vector_store %arg7[%swap3A_2046, %swap3A_2047], %swap3A_2050 {strides = array<i32>} : memref<32x128xf32, #tpu.memory_space<vmem>>, vector<1x16xf32>,
      %eq3A_2051 = arith.constant 11 : i32
      %eq3A_2052 = vector.broadcast %eq3A_2051 : i32 to vector<16xi32>
      %eq3A_2053 = arith.cmpi eq, %get3A_1623, %eq3A_2052 : vector<16xi32>
      %jit3A_2054 = arith.constant 0.000000e+00 : f32
      %broadcast_in_dim3A_2055 = vector.broadcast %squeeze3A : f32 to vector<16xf32>
      %broadcast_in_dim3A_2056 = vector.broadcast %jit3A_2054 : f32 to vector<16xf32>
      %select_n3A_2057 = arith.select %eq3A_2053, %broadcast_in_dim3A_2055, %broadcast_in_dim3A_2056 : vector<16xi1>, vector<16xf32>
      %add3A_2058 = arith.addf %broadcast_in_dim3A_4, %select_n3A_2057 : vector<16xf32>
      %eq3A_2059 = arith.constant 11 : i32
      %eq3A_2060 = vector.broadcast %eq3A_2059 : i32 to vector<16xi32>
      %eq3A_2061 = arith.cmpi eq, %get3A_1626, %eq3A_2060 : vector<16xi32>
      %jit3A_2062 = arith.constant 0.000000e+00 : f32
      %broadcast_in_dim3A_2063 = vector.broadcast %squeeze3A_391 : f32 to vector<16xf32>
      %broadcast_in_dim3A_2064 = vector.broadcast %jit3A_2062 : f32 to vector<16xf32>
      %select_n3A_2065 = arith.select %eq3A_2061, %broadcast_in_dim3A_2063, %broadcast_in_dim3A_2064 : vector<16xi1>, vector<16xf32>
      %add3A_2066 = arith.addf %add3A_2058, %select_n3A_2065 : vector<16xf32>
      %eq3A_2067 = arith.constant 11 : i32
      %eq3A_2068 = vector.broadcast %eq3A_2067 : i32 to vector<16xi32>
      %eq3A_2069 = arith.cmpi eq, %get3A_1629, %eq3A_2068 : vector<16xi32>
      %jit3A_2070 = arith.constant 0.000000e+00 : f32
      %broadcast_in_dim3A_2071 = vector.broadcast %squeeze3A_393 : f32 to vector<16xf32>
      %broadcast_in_dim3A_2072 = vector.broadcast %jit3A_2070 : f32 to vector<16xf32>
      %select_n3A_2073 = arith.select %eq3A_2069, %broadcast_in_dim3A_2071, %broadcast_in_dim3A_2072 : vector<16xi1>, vector<16xf32>
      %add3A_2074 = arith.addf %add3A_2066, %select_n3A_2073 : vector<16xf32>
      %eq3A_2075 = arith.constant 11 : i32
      %eq3A_2076 = vector.broadcast %eq3A_2075 : i32 to vector<16xi32>
      %eq3A_2077 = arith.cmpi eq, %get3A_1632, %eq3A_2076 : vector<16xi32>
      %jit3A_2078 = arith.constant 0.000000e+00 : f32
      %broadcast_in_dim3A_2079 = vector.broadcast %squeeze3A_395 : f32 to vector<16xf32>
      %broadcast_in_dim3A_2080 = vector.broadcast %jit3A_2078 : f32 to vector<16xf32>
      %select_n3A_2081 = arith.select %eq3A_2077, %broadcast_in_dim3A_2079, %broadcast_in_dim3A_2080 : vector<16xi1>, vector<16xf32>
      %add3A_2082 = arith.addf %add3A_2074, %select_n3A_2081 : vector<16xf32>
      %swap3A_2083 = arith.constant 11 : i32
      %swap3A_2084 = arith.index_cast %swap3A_2083 : i32 to index
      %swap3A_2085 = arith.constant 16 : index
      %swap3A_2086 = tpu.vector_load %arg7[%swap3A_2084, %swap3A_2085] {strides = array<i32>} : memref<32x128xf32, #tpu.memory_space<vmem>>, vector<1x16xf32>,
      %swap3A_2087 = vector.shape_cast %swap3A_2086 : vector<1x16xf32> to vector<16xf32>
      %swap3A_2088 = vector.shape_cast %add3A_2082 : vector<16xf32> to vector<1x16xf32>
      tpu.vector_store %arg7[%swap3A_2084, %swap3A_2085], %swap3A_2088 {strides = array<i32>} : memref<32x128xf32, #tpu.memory_space<vmem>>, vector<1x16xf32>,
      %eq3A_2089 = arith.constant 12 : i32
      %eq3A_2090 = vector.broadcast %eq3A_2089 : i32 to vector<16xi32>
      %eq3A_2091 = arith.cmpi eq, %get3A_1623, %eq3A_2090 : vector<16xi32>
      %jit3A_2092 = arith.constant 0.000000e+00 : f32
      %broadcast_in_dim3A_2093 = vector.broadcast %squeeze3A : f32 to vector<16xf32>
      %broadcast_in_dim3A_2094 = vector.broadcast %jit3A_2092 : f32 to vector<16xf32>
      %select_n3A_2095 = arith.select %eq3A_2091, %broadcast_in_dim3A_2093, %broadcast_in_dim3A_2094 : vector<16xi1>, vector<16xf32>
      %add3A_2096 = arith.addf %broadcast_in_dim3A_4, %select_n3A_2095 : vector<16xf32>
      %eq3A_2097 = arith.constant 12 : i32
      %eq3A_2098 = vector.broadcast %eq3A_2097 : i32 to vector<16xi32>
      %eq3A_2099 = arith.cmpi eq, %get3A_1626, %eq3A_2098 : vector<16xi32>
      %jit3A_2100 = arith.constant 0.000000e+00 : f32
      %broadcast_in_dim3A_2101 = vector.broadcast %squeeze3A_391 : f32 to vector<16xf32>
      %broadcast_in_dim3A_2102 = vector.broadcast %jit3A_2100 : f32 to vector<16xf32>
      %select_n3A_2103 = arith.select %eq3A_2099, %broadcast_in_dim3A_2101, %broadcast_in_dim3A_2102 : vector<16xi1>, vector<16xf32>
      %add3A_2104 = arith.addf %add3A_2096, %select_n3A_2103 : vector<16xf32>
      %eq3A_2105 = arith.constant 12 : i32
      %eq3A_2106 = vector.broadcast %eq3A_2105 : i32 to vector<16xi32>
      %eq3A_2107 = arith.cmpi eq, %get3A_1629, %eq3A_2106 : vector<16xi32>
      %jit3A_2108 = arith.constant 0.000000e+00 : f32
      %broadcast_in_dim3A_2109 = vector.broadcast %squeeze3A_393 : f32 to vector<16xf32>
      %broadcast_in_dim3A_2110 = vector.broadcast %jit3A_2108 : f32 to vector<16xf32>
      %select_n3A_2111 = arith.select %eq3A_2107, %broadcast_in_dim3A_2109, %broadcast_in_dim3A_2110 : vector<16xi1>, vector<16xf32>
      %add3A_2112 = arith.addf %add3A_2104, %select_n3A_2111 : vector<16xf32>
      %eq3A_2113 = arith.constant 12 : i32
      %eq3A_2114 = vector.broadcast %eq3A_2113 : i32 to vector<16xi32>
      %eq3A_2115 = arith.cmpi eq, %get3A_1632, %eq3A_2114 : vector<16xi32>
      %jit3A_2116 = arith.constant 0.000000e+00 : f32
      %broadcast_in_dim3A_2117 = vector.broadcast %squeeze3A_395 : f32 to vector<16xf32>
      %broadcast_in_dim3A_2118 = vector.broadcast %jit3A_2116 : f32 to vector<16xf32>
      %select_n3A_2119 = arith.select %eq3A_2115, %broadcast_in_dim3A_2117, %broadcast_in_dim3A_2118 : vector<16xi1>, vector<16xf32>
      %add3A_2120 = arith.addf %add3A_2112, %select_n3A_2119 : vector<16xf32>
      %swap3A_2121 = arith.constant 12 : i32
      %swap3A_2122 = arith.index_cast %swap3A_2121 : i32 to index
      %swap3A_2123 = arith.constant 16 : index
      %swap3A_2124 = tpu.vector_load %arg7[%swap3A_2122, %swap3A_2123] {strides = array<i32>} : memref<32x128xf32, #tpu.memory_space<vmem>>, vector<1x16xf32>,
      %swap3A_2125 = vector.shape_cast %swap3A_2124 : vector<1x16xf32> to vector<16xf32>
      %swap3A_2126 = vector.shape_cast %add3A_2120 : vector<16xf32> to vector<1x16xf32>
      tpu.vector_store %arg7[%swap3A_2122, %swap3A_2123], %swap3A_2126 {strides = array<i32>} : memref<32x128xf32, #tpu.memory_space<vmem>>, vector<1x16xf32>,
      %eq3A_2127 = arith.constant 13 : i32
      %eq3A_2128 = vector.broadcast %eq3A_2127 : i32 to vector<16xi32>
      %eq3A_2129 = arith.cmpi eq, %get3A_1623, %eq3A_2128 : vector<16xi32>
      %jit3A_2130 = arith.constant 0.000000e+00 : f32
      %broadcast_in_dim3A_2131 = vector.broadcast %squeeze3A : f32 to vector<16xf32>
      %broadcast_in_dim3A_2132 = vector.broadcast %jit3A_2130 : f32 to vector<16xf32>
      %select_n3A_2133 = arith.select %eq3A_2129, %broadcast_in_dim3A_2131, %broadcast_in_dim3A_2132 : vector<16xi1>, vector<16xf32>
      %add3A_2134 = arith.addf %broadcast_in_dim3A_4, %select_n3A_2133 : vector<16xf32>
      %eq3A_2135 = arith.constant 13 : i32
      %eq3A_2136 = vector.broadcast %eq3A_2135 : i32 to vector<16xi32>
      %eq3A_2137 = arith.cmpi eq, %get3A_1626, %eq3A_2136 : vector<16xi32>
      %jit3A_2138 = arith.constant 0.000000e+00 : f32
      %broadcast_in_dim3A_2139 = vector.broadcast %squeeze3A_391 : f32 to vector<16xf32>
      %broadcast_in_dim3A_2140 = vector.broadcast %jit3A_2138 : f32 to vector<16xf32>
      %select_n3A_2141 = arith.select %eq3A_2137, %broadcast_in_dim3A_2139, %broadcast_in_dim3A_2140 : vector<16xi1>, vector<16xf32>
      %add3A_2142 = arith.addf %add3A_2134, %select_n3A_2141 : vector<16xf32>
      %eq3A_2143 = arith.constant 13 : i32
      %eq3A_2144 = vector.broadcast %eq3A_2143 : i32 to vector<16xi32>
      %eq3A_2145 = arith.cmpi eq, %get3A_1629, %eq3A_2144 : vector<16xi32>
      %jit3A_2146 = arith.constant 0.000000e+00 : f32
      %broadcast_in_dim3A_2147 = vector.broadcast %squeeze3A_393 : f32 to vector<16xf32>
      %broadcast_in_dim3A_2148 = vector.broadcast %jit3A_2146 : f32 to vector<16xf32>
      %select_n3A_2149 = arith.select %eq3A_2145, %broadcast_in_dim3A_2147, %broadcast_in_dim3A_2148 : vector<16xi1>, vector<16xf32>
      %add3A_2150 = arith.addf %add3A_2142, %select_n3A_2149 : vector<16xf32>
      %eq3A_2151 = arith.constant 13 : i32
      %eq3A_2152 = vector.broadcast %eq3A_2151 : i32 to vector<16xi32>
      %eq3A_2153 = arith.cmpi eq, %get3A_1632, %eq3A_2152 : vector<16xi32>
      %jit3A_2154 = arith.constant 0.000000e+00 : f32
      %broadcast_in_dim3A_2155 = vector.broadcast %squeeze3A_395 : f32 to vector<16xf32>
      %broadcast_in_dim3A_2156 = vector.broadcast %jit3A_2154 : f32 to vector<16xf32>
      %select_n3A_2157 = arith.select %eq3A_2153, %broadcast_in_dim3A_2155, %broadcast_in_dim3A_2156 : vector<16xi1>, vector<16xf32>
      %add3A_2158 = arith.addf %add3A_2150, %select_n3A_2157 : vector<16xf32>
      %swap3A_2159 = arith.constant 13 : i32
      %swap3A_2160 = arith.index_cast %swap3A_2159 : i32 to index
      %swap3A_2161 = arith.constant 16 : index
      %swap3A_2162 = tpu.vector_load %arg7[%swap3A_2160, %swap3A_2161] {strides = array<i32>} : memref<32x128xf32, #tpu.memory_space<vmem>>, vector<1x16xf32>,
      %swap3A_2163 = vector.shape_cast %swap3A_2162 : vector<1x16xf32> to vector<16xf32>
      %swap3A_2164 = vector.shape_cast %add3A_2158 : vector<16xf32> to vector<1x16xf32>
      tpu.vector_store %arg7[%swap3A_2160, %swap3A_2161], %swap3A_2164 {strides = array<i32>} : memref<32x128xf32, #tpu.memory_space<vmem>>, vector<1x16xf32>,
      %eq3A_2165 = arith.constant 14 : i32
      %eq3A_2166 = vector.broadcast %eq3A_2165 : i32 to vector<16xi32>
      %eq3A_2167 = arith.cmpi eq, %get3A_1623, %eq3A_2166 : vector<16xi32>
      %jit3A_2168 = arith.constant 0.000000e+00 : f32
      %broadcast_in_dim3A_2169 = vector.broadcast %squeeze3A : f32 to vector<16xf32>
      %broadcast_in_dim3A_2170 = vector.broadcast %jit3A_2168 : f32 to vector<16xf32>
      %select_n3A_2171 = arith.select %eq3A_2167, %broadcast_in_dim3A_2169, %broadcast_in_dim3A_2170 : vector<16xi1>, vector<16xf32>
      %add3A_2172 = arith.addf %broadcast_in_dim3A_4, %select_n3A_2171 : vector<16xf32>
      %eq3A_2173 = arith.constant 14 : i32
      %eq3A_2174 = vector.broadcast %eq3A_2173 : i32 to vector<16xi32>
      %eq3A_2175 = arith.cmpi eq, %get3A_1626, %eq3A_2174 : vector<16xi32>
      %jit3A_2176 = arith.constant 0.000000e+00 : f32
      %broadcast_in_dim3A_2177 = vector.broadcast %squeeze3A_391 : f32 to vector<16xf32>
      %broadcast_in_dim3A_2178 = vector.broadcast %jit3A_2176 : f32 to vector<16xf32>
      %select_n3A_2179 = arith.select %eq3A_2175, %broadcast_in_dim3A_2177, %broadcast_in_dim3A_2178 : vector<16xi1>, vector<16xf32>
      %add3A_2180 = arith.addf %add3A_2172, %select_n3A_2179 : vector<16xf32>
      %eq3A_2181 = arith.constant 14 : i32
      %eq3A_2182 = vector.broadcast %eq3A_2181 : i32 to vector<16xi32>
      %eq3A_2183 = arith.cmpi eq, %get3A_1629, %eq3A_2182 : vector<16xi32>
      %jit3A_2184 = arith.constant 0.000000e+00 : f32
      %broadcast_in_dim3A_2185 = vector.broadcast %squeeze3A_393 : f32 to vector<16xf32>
      %broadcast_in_dim3A_2186 = vector.broadcast %jit3A_2184 : f32 to vector<16xf32>
      %select_n3A_2187 = arith.select %eq3A_2183, %broadcast_in_dim3A_2185, %broadcast_in_dim3A_2186 : vector<16xi1>, vector<16xf32>
      %add3A_2188 = arith.addf %add3A_2180, %select_n3A_2187 : vector<16xf32>
      %eq3A_2189 = arith.constant 14 : i32
      %eq3A_2190 = vector.broadcast %eq3A_2189 : i32 to vector<16xi32>
      %eq3A_2191 = arith.cmpi eq, %get3A_1632, %eq3A_2190 : vector<16xi32>
      %jit3A_2192 = arith.constant 0.000000e+00 : f32
      %broadcast_in_dim3A_2193 = vector.broadcast %squeeze3A_395 : f32 to vector<16xf32>
      %broadcast_in_dim3A_2194 = vector.broadcast %jit3A_2192 : f32 to vector<16xf32>
      %select_n3A_2195 = arith.select %eq3A_2191, %broadcast_in_dim3A_2193, %broadcast_in_dim3A_2194 : vector<16xi1>, vector<16xf32>
      %add3A_2196 = arith.addf %add3A_2188, %select_n3A_2195 : vector<16xf32>
      %swap3A_2197 = arith.constant 14 : i32
      %swap3A_2198 = arith.index_cast %swap3A_2197 : i32 to index
      %swap3A_2199 = arith.constant 16 : index
      %swap3A_2200 = tpu.vector_load %arg7[%swap3A_2198, %swap3A_2199] {strides = array<i32>} : memref<32x128xf32, #tpu.memory_space<vmem>>, vector<1x16xf32>,
      %swap3A_2201 = vector.shape_cast %swap3A_2200 : vector<1x16xf32> to vector<16xf32>
      %swap3A_2202 = vector.shape_cast %add3A_2196 : vector<16xf32> to vector<1x16xf32>
      tpu.vector_store %arg7[%swap3A_2198, %swap3A_2199], %swap3A_2202 {strides = array<i32>} : memref<32x128xf32, #tpu.memory_space<vmem>>, vector<1x16xf32>,
      %eq3A_2203 = arith.constant 15 : i32
      %eq3A_2204 = vector.broadcast %eq3A_2203 : i32 to vector<16xi32>
      %eq3A_2205 = arith.cmpi eq, %get3A_1623, %eq3A_2204 : vector<16xi32>
      %jit3A_2206 = arith.constant 0.000000e+00 : f32
      %broadcast_in_dim3A_2207 = vector.broadcast %squeeze3A : f32 to vector<16xf32>
      %broadcast_in_dim3A_2208 = vector.broadcast %jit3A_2206 : f32 to vector<16xf32>
      %select_n3A_2209 = arith.select %eq3A_2205, %broadcast_in_dim3A_2207, %broadcast_in_dim3A_2208 : vector<16xi1>, vector<16xf32>
      %add3A_2210 = arith.addf %broadcast_in_dim3A_4, %select_n3A_2209 : vector<16xf32>
      %eq3A_2211 = arith.constant 15 : i32
      %eq3A_2212 = vector.broadcast %eq3A_2211 : i32 to vector<16xi32>
      %eq3A_2213 = arith.cmpi eq, %get3A_1626, %eq3A_2212 : vector<16xi32>
      %jit3A_2214 = arith.constant 0.000000e+00 : f32
      %broadcast_in_dim3A_2215 = vector.broadcast %squeeze3A_391 : f32 to vector<16xf32>
      %broadcast_in_dim3A_2216 = vector.broadcast %jit3A_2214 : f32 to vector<16xf32>
      %select_n3A_2217 = arith.select %eq3A_2213, %broadcast_in_dim3A_2215, %broadcast_in_dim3A_2216 : vector<16xi1>, vector<16xf32>
      %add3A_2218 = arith.addf %add3A_2210, %select_n3A_2217 : vector<16xf32>
      %eq3A_2219 = arith.constant 15 : i32
      %eq3A_2220 = vector.broadcast %eq3A_2219 : i32 to vector<16xi32>
      %eq3A_2221 = arith.cmpi eq, %get3A_1629, %eq3A_2220 : vector<16xi32>
      %jit3A_2222 = arith.constant 0.000000e+00 : f32
      %broadcast_in_dim3A_2223 = vector.broadcast %squeeze3A_393 : f32 to vector<16xf32>
      %broadcast_in_dim3A_2224 = vector.broadcast %jit3A_2222 : f32 to vector<16xf32>
      %select_n3A_2225 = arith.select %eq3A_2221, %broadcast_in_dim3A_2223, %broadcast_in_dim3A_2224 : vector<16xi1>, vector<16xf32>
      %add3A_2226 = arith.addf %add3A_2218, %select_n3A_2225 : vector<16xf32>
      %eq3A_2227 = arith.constant 15 : i32
      %eq3A_2228 = vector.broadcast %eq3A_2227 : i32 to vector<16xi32>
      %eq3A_2229 = arith.cmpi eq, %get3A_1632, %eq3A_2228 : vector<16xi32>
      %jit3A_2230 = arith.constant 0.000000e+00 : f32
      %broadcast_in_dim3A_2231 = vector.broadcast %squeeze3A_395 : f32 to vector<16xf32>
      %broadcast_in_dim3A_2232 = vector.broadcast %jit3A_2230 : f32 to vector<16xf32>
      %select_n3A_2233 = arith.select %eq3A_2229, %broadcast_in_dim3A_2231, %broadcast_in_dim3A_2232 : vector<16xi1>, vector<16xf32>
      %add3A_2234 = arith.addf %add3A_2226, %select_n3A_2233 : vector<16xf32>
      %swap3A_2235 = arith.constant 15 : i32
      %swap3A_2236 = arith.index_cast %swap3A_2235 : i32 to index
      %swap3A_2237 = arith.constant 16 : index
      %swap3A_2238 = tpu.vector_load %arg7[%swap3A_2236, %swap3A_2237] {strides = array<i32>} : memref<32x128xf32, #tpu.memory_space<vmem>>, vector<1x16xf32>,
      %swap3A_2239 = vector.shape_cast %swap3A_2238 : vector<1x16xf32> to vector<16xf32>
      %swap3A_2240 = vector.shape_cast %add3A_2234 : vector<16xf32> to vector<1x16xf32>
      tpu.vector_store %arg7[%swap3A_2236, %swap3A_2237], %swap3A_2240 {strides = array<i32>} : memref<32x128xf32, #tpu.memory_space<vmem>>, vector<1x16xf32>,
      %eq3A_2241 = arith.constant 16 : i32
      %eq3A_2242 = vector.broadcast %eq3A_2241 : i32 to vector<16xi32>
      %eq3A_2243 = arith.cmpi eq, %get3A_1623, %eq3A_2242 : vector<16xi32>
      %jit3A_2244 = arith.constant 0.000000e+00 : f32
      %broadcast_in_dim3A_2245 = vector.broadcast %squeeze3A : f32 to vector<16xf32>
      %broadcast_in_dim3A_2246 = vector.broadcast %jit3A_2244 : f32 to vector<16xf32>
      %select_n3A_2247 = arith.select %eq3A_2243, %broadcast_in_dim3A_2245, %broadcast_in_dim3A_2246 : vector<16xi1>, vector<16xf32>
      %add3A_2248 = arith.addf %broadcast_in_dim3A_4, %select_n3A_2247 : vector<16xf32>
      %eq3A_2249 = arith.constant 16 : i32
      %eq3A_2250 = vector.broadcast %eq3A_2249 : i32 to vector<16xi32>
      %eq3A_2251 = arith.cmpi eq, %get3A_1626, %eq3A_2250 : vector<16xi32>
      %jit3A_2252 = arith.constant 0.000000e+00 : f32
      %broadcast_in_dim3A_2253 = vector.broadcast %squeeze3A_391 : f32 to vector<16xf32>
      %broadcast_in_dim3A_2254 = vector.broadcast %jit3A_2252 : f32 to vector<16xf32>
      %select_n3A_2255 = arith.select %eq3A_2251, %broadcast_in_dim3A_2253, %broadcast_in_dim3A_2254 : vector<16xi1>, vector<16xf32>
      %add3A_2256 = arith.addf %add3A_2248, %select_n3A_2255 : vector<16xf32>
      %eq3A_2257 = arith.constant 16 : i32
      %eq3A_2258 = vector.broadcast %eq3A_2257 : i32 to vector<16xi32>
      %eq3A_2259 = arith.cmpi eq, %get3A_1629, %eq3A_2258 : vector<16xi32>
      %jit3A_2260 = arith.constant 0.000000e+00 : f32
      %broadcast_in_dim3A_2261 = vector.broadcast %squeeze3A_393 : f32 to vector<16xf32>
      %broadcast_in_dim3A_2262 = vector.broadcast %jit3A_2260 : f32 to vector<16xf32>
      %select_n3A_2263 = arith.select %eq3A_2259, %broadcast_in_dim3A_2261, %broadcast_in_dim3A_2262 : vector<16xi1>, vector<16xf32>
      %add3A_2264 = arith.addf %add3A_2256, %select_n3A_2263 : vector<16xf32>
      %eq3A_2265 = arith.constant 16 : i32
      %eq3A_2266 = vector.broadcast %eq3A_2265 : i32 to vector<16xi32>
      %eq3A_2267 = arith.cmpi eq, %get3A_1632, %eq3A_2266 : vector<16xi32>
      %jit3A_2268 = arith.constant 0.000000e+00 : f32
      %broadcast_in_dim3A_2269 = vector.broadcast %squeeze3A_395 : f32 to vector<16xf32>
      %broadcast_in_dim3A_2270 = vector.broadcast %jit3A_2268 : f32 to vector<16xf32>
      %select_n3A_2271 = arith.select %eq3A_2267, %broadcast_in_dim3A_2269, %broadcast_in_dim3A_2270 : vector<16xi1>, vector<16xf32>
      %add3A_2272 = arith.addf %add3A_2264, %select_n3A_2271 : vector<16xf32>
      %swap3A_2273 = arith.constant 16 : i32
      %swap3A_2274 = arith.index_cast %swap3A_2273 : i32 to index
      %swap3A_2275 = arith.constant 16 : index
      %swap3A_2276 = tpu.vector_load %arg7[%swap3A_2274, %swap3A_2275] {strides = array<i32>} : memref<32x128xf32, #tpu.memory_space<vmem>>, vector<1x16xf32>,
      %swap3A_2277 = vector.shape_cast %swap3A_2276 : vector<1x16xf32> to vector<16xf32>
      %swap3A_2278 = vector.shape_cast %add3A_2272 : vector<16xf32> to vector<1x16xf32>
      tpu.vector_store %arg7[%swap3A_2274, %swap3A_2275], %swap3A_2278 {strides = array<i32>} : memref<32x128xf32, #tpu.memory_space<vmem>>, vector<1x16xf32>,
      %eq3A_2279 = arith.constant 17 : i32
      %eq3A_2280 = vector.broadcast %eq3A_2279 : i32 to vector<16xi32>
      %eq3A_2281 = arith.cmpi eq, %get3A_1623, %eq3A_2280 : vector<16xi32>
      %jit3A_2282 = arith.constant 0.000000e+00 : f32
      %broadcast_in_dim3A_2283 = vector.broadcast %squeeze3A : f32 to vector<16xf32>
      %broadcast_in_dim3A_2284 = vector.broadcast %jit3A_2282 : f32 to vector<16xf32>
      %select_n3A_2285 = arith.select %eq3A_2281, %broadcast_in_dim3A_2283, %broadcast_in_dim3A_2284 : vector<16xi1>, vector<16xf32>
      %add3A_2286 = arith.addf %broadcast_in_dim3A_4, %select_n3A_2285 : vector<16xf32>
      %eq3A_2287 = arith.constant 17 : i32
      %eq3A_2288 = vector.broadcast %eq3A_2287 : i32 to vector<16xi32>
      %eq3A_2289 = arith.cmpi eq, %get3A_1626, %eq3A_2288 : vector<16xi32>
      %jit3A_2290 = arith.constant 0.000000e+00 : f32
      %broadcast_in_dim3A_2291 = vector.broadcast %squeeze3A_391 : f32 to vector<16xf32>
      %broadcast_in_dim3A_2292 = vector.broadcast %jit3A_2290 : f32 to vector<16xf32>
      %select_n3A_2293 = arith.select %eq3A_2289, %broadcast_in_dim3A_2291, %broadcast_in_dim3A_2292 : vector<16xi1>, vector<16xf32>
      %add3A_2294 = arith.addf %add3A_2286, %select_n3A_2293 : vector<16xf32>
      %eq3A_2295 = arith.constant 17 : i32
      %eq3A_2296 = vector.broadcast %eq3A_2295 : i32 to vector<16xi32>
      %eq3A_2297 = arith.cmpi eq, %get3A_1629, %eq3A_2296 : vector<16xi32>
      %jit3A_2298 = arith.constant 0.000000e+00 : f32
      %broadcast_in_dim3A_2299 = vector.broadcast %squeeze3A_393 : f32 to vector<16xf32>
      %broadcast_in_dim3A_2300 = vector.broadcast %jit3A_2298 : f32 to vector<16xf32>
      %select_n3A_2301 = arith.select %eq3A_2297, %broadcast_in_dim3A_2299, %broadcast_in_dim3A_2300 : vector<16xi1>, vector<16xf32>
      %add3A_2302 = arith.addf %add3A_2294, %select_n3A_2301 : vector<16xf32>
      %eq3A_2303 = arith.constant 17 : i32
      %eq3A_2304 = vector.broadcast %eq3A_2303 : i32 to vector<16xi32>
      %eq3A_2305 = arith.cmpi eq, %get3A_1632, %eq3A_2304 : vector<16xi32>
      %jit3A_2306 = arith.constant 0.000000e+00 : f32
      %broadcast_in_dim3A_2307 = vector.broadcast %squeeze3A_395 : f32 to vector<16xf32>
      %broadcast_in_dim3A_2308 = vector.broadcast %jit3A_2306 : f32 to vector<16xf32>
      %select_n3A_2309 = arith.select %eq3A_2305, %broadcast_in_dim3A_2307, %broadcast_in_dim3A_2308 : vector<16xi1>, vector<16xf32>
      %add3A_2310 = arith.addf %add3A_2302, %select_n3A_2309 : vector<16xf32>
      %swap3A_2311 = arith.constant 17 : i32
      %swap3A_2312 = arith.index_cast %swap3A_2311 : i32 to index
      %swap3A_2313 = arith.constant 16 : index
      %swap3A_2314 = tpu.vector_load %arg7[%swap3A_2312, %swap3A_2313] {strides = array<i32>} : memref<32x128xf32, #tpu.memory_space<vmem>>, vector<1x16xf32>,
      %swap3A_2315 = vector.shape_cast %swap3A_2314 : vector<1x16xf32> to vector<16xf32>
      %swap3A_2316 = vector.shape_cast %add3A_2310 : vector<16xf32> to vector<1x16xf32>
      tpu.vector_store %arg7[%swap3A_2312, %swap3A_2313], %swap3A_2316 {strides = array<i32>} : memref<32x128xf32, #tpu.memory_space<vmem>>, vector<1x16xf32>,
      %eq3A_2317 = arith.constant 18 : i32
      %eq3A_2318 = vector.broadcast %eq3A_2317 : i32 to vector<16xi32>
      %eq3A_2319 = arith.cmpi eq, %get3A_1623, %eq3A_2318 : vector<16xi32>
      %jit3A_2320 = arith.constant 0.000000e+00 : f32
      %broadcast_in_dim3A_2321 = vector.broadcast %squeeze3A : f32 to vector<16xf32>
      %broadcast_in_dim3A_2322 = vector.broadcast %jit3A_2320 : f32 to vector<16xf32>
      %select_n3A_2323 = arith.select %eq3A_2319, %broadcast_in_dim3A_2321, %broadcast_in_dim3A_2322 : vector<16xi1>, vector<16xf32>
      %add3A_2324 = arith.addf %broadcast_in_dim3A_4, %select_n3A_2323 : vector<16xf32>
      %eq3A_2325 = arith.constant 18 : i32
      %eq3A_2326 = vector.broadcast %eq3A_2325 : i32 to vector<16xi32>
      %eq3A_2327 = arith.cmpi eq, %get3A_1626, %eq3A_2326 : vector<16xi32>
      %jit3A_2328 = arith.constant 0.000000e+00 : f32
      %broadcast_in_dim3A_2329 = vector.broadcast %squeeze3A_391 : f32 to vector<16xf32>
      %broadcast_in_dim3A_2330 = vector.broadcast %jit3A_2328 : f32 to vector<16xf32>
      %select_n3A_2331 = arith.select %eq3A_2327, %broadcast_in_dim3A_2329, %broadcast_in_dim3A_2330 : vector<16xi1>, vector<16xf32>
      %add3A_2332 = arith.addf %add3A_2324, %select_n3A_2331 : vector<16xf32>
      %eq3A_2333 = arith.constant 18 : i32
      %eq3A_2334 = vector.broadcast %eq3A_2333 : i32 to vector<16xi32>
      %eq3A_2335 = arith.cmpi eq, %get3A_1629, %eq3A_2334 : vector<16xi32>
      %jit3A_2336 = arith.constant 0.000000e+00 : f32
      %broadcast_in_dim3A_2337 = vector.broadcast %squeeze3A_393 : f32 to vector<16xf32>
      %broadcast_in_dim3A_2338 = vector.broadcast %jit3A_2336 : f32 to vector<16xf32>
      %select_n3A_2339 = arith.select %eq3A_2335, %broadcast_in_dim3A_2337, %broadcast_in_dim3A_2338 : vector<16xi1>, vector<16xf32>
      %add3A_2340 = arith.addf %add3A_2332, %select_n3A_2339 : vector<16xf32>
      %eq3A_2341 = arith.constant 18 : i32
      %eq3A_2342 = vector.broadcast %eq3A_2341 : i32 to vector<16xi32>
      %eq3A_2343 = arith.cmpi eq, %get3A_1632, %eq3A_2342 : vector<16xi32>
      %jit3A_2344 = arith.constant 0.000000e+00 : f32
      %broadcast_in_dim3A_2345 = vector.broadcast %squeeze3A_395 : f32 to vector<16xf32>
      %broadcast_in_dim3A_2346 = vector.broadcast %jit3A_2344 : f32 to vector<16xf32>
      %select_n3A_2347 = arith.select %eq3A_2343, %broadcast_in_dim3A_2345, %broadcast_in_dim3A_2346 : vector<16xi1>, vector<16xf32>
      %add3A_2348 = arith.addf %add3A_2340, %select_n3A_2347 : vector<16xf32>
      %swap3A_2349 = arith.constant 18 : i32
      %swap3A_2350 = arith.index_cast %swap3A_2349 : i32 to index
      %swap3A_2351 = arith.constant 16 : index
      %swap3A_2352 = tpu.vector_load %arg7[%swap3A_2350, %swap3A_2351] {strides = array<i32>} : memref<32x128xf32, #tpu.memory_space<vmem>>, vector<1x16xf32>,
      %swap3A_2353 = vector.shape_cast %swap3A_2352 : vector<1x16xf32> to vector<16xf32>
      %swap3A_2354 = vector.shape_cast %add3A_2348 : vector<16xf32> to vector<1x16xf32>
      tpu.vector_store %arg7[%swap3A_2350, %swap3A_2351], %swap3A_2354 {strides = array<i32>} : memref<32x128xf32, #tpu.memory_space<vmem>>, vector<1x16xf32>,
      %eq3A_2355 = arith.constant 19 : i32
      %eq3A_2356 = vector.broadcast %eq3A_2355 : i32 to vector<16xi32>
      %eq3A_2357 = arith.cmpi eq, %get3A_1623, %eq3A_2356 : vector<16xi32>
      %jit3A_2358 = arith.constant 0.000000e+00 : f32
      %broadcast_in_dim3A_2359 = vector.broadcast %squeeze3A : f32 to vector<16xf32>
      %broadcast_in_dim3A_2360 = vector.broadcast %jit3A_2358 : f32 to vector<16xf32>
      %select_n3A_2361 = arith.select %eq3A_2357, %broadcast_in_dim3A_2359, %broadcast_in_dim3A_2360 : vector<16xi1>, vector<16xf32>
      %add3A_2362 = arith.addf %broadcast_in_dim3A_4, %select_n3A_2361 : vector<16xf32>
      %eq3A_2363 = arith.constant 19 : i32
      %eq3A_2364 = vector.broadcast %eq3A_2363 : i32 to vector<16xi32>
      %eq3A_2365 = arith.cmpi eq, %get3A_1626, %eq3A_2364 : vector<16xi32>
      %jit3A_2366 = arith.constant 0.000000e+00 : f32
      %broadcast_in_dim3A_2367 = vector.broadcast %squeeze3A_391 : f32 to vector<16xf32>
      %broadcast_in_dim3A_2368 = vector.broadcast %jit3A_2366 : f32 to vector<16xf32>
      %select_n3A_2369 = arith.select %eq3A_2365, %broadcast_in_dim3A_2367, %broadcast_in_dim3A_2368 : vector<16xi1>, vector<16xf32>
      %add3A_2370 = arith.addf %add3A_2362, %select_n3A_2369 : vector<16xf32>
      %eq3A_2371 = arith.constant 19 : i32
      %eq3A_2372 = vector.broadcast %eq3A_2371 : i32 to vector<16xi32>
      %eq3A_2373 = arith.cmpi eq, %get3A_1629, %eq3A_2372 : vector<16xi32>
      %jit3A_2374 = arith.constant 0.000000e+00 : f32
      %broadcast_in_dim3A_2375 = vector.broadcast %squeeze3A_393 : f32 to vector<16xf32>
      %broadcast_in_dim3A_2376 = vector.broadcast %jit3A_2374 : f32 to vector<16xf32>
      %select_n3A_2377 = arith.select %eq3A_2373, %broadcast_in_dim3A_2375, %broadcast_in_dim3A_2376 : vector<16xi1>, vector<16xf32>
      %add3A_2378 = arith.addf %add3A_2370, %select_n3A_2377 : vector<16xf32>
      %eq3A_2379 = arith.constant 19 : i32
      %eq3A_2380 = vector.broadcast %eq3A_2379 : i32 to vector<16xi32>
      %eq3A_2381 = arith.cmpi eq, %get3A_1632, %eq3A_2380 : vector<16xi32>
      %jit3A_2382 = arith.constant 0.000000e+00 : f32
      %broadcast_in_dim3A_2383 = vector.broadcast %squeeze3A_395 : f32 to vector<16xf32>
      %broadcast_in_dim3A_2384 = vector.broadcast %jit3A_2382 : f32 to vector<16xf32>
      %select_n3A_2385 = arith.select %eq3A_2381, %broadcast_in_dim3A_2383, %broadcast_in_dim3A_2384 : vector<16xi1>, vector<16xf32>
      %add3A_2386 = arith.addf %add3A_2378, %select_n3A_2385 : vector<16xf32>
      %swap3A_2387 = arith.constant 19 : i32
      %swap3A_2388 = arith.index_cast %swap3A_2387 : i32 to index
      %swap3A_2389 = arith.constant 16 : index
      %swap3A_2390 = tpu.vector_load %arg7[%swap3A_2388, %swap3A_2389] {strides = array<i32>} : memref<32x128xf32, #tpu.memory_space<vmem>>, vector<1x16xf32>,
      %swap3A_2391 = vector.shape_cast %swap3A_2390 : vector<1x16xf32> to vector<16xf32>
      %swap3A_2392 = vector.shape_cast %add3A_2386 : vector<16xf32> to vector<1x16xf32>
      tpu.vector_store %arg7[%swap3A_2388, %swap3A_2389], %swap3A_2392 {strides = array<i32>} : memref<32x128xf32, #tpu.memory_space<vmem>>, vector<1x16xf32>,
      %eq3A_2393 = arith.constant 20 : i32
      %eq3A_2394 = vector.broadcast %eq3A_2393 : i32 to vector<16xi32>
      %eq3A_2395 = arith.cmpi eq, %get3A_1623, %eq3A_2394 : vector<16xi32>
      %jit3A_2396 = arith.constant 0.000000e+00 : f32
      %broadcast_in_dim3A_2397 = vector.broadcast %squeeze3A : f32 to vector<16xf32>
      %broadcast_in_dim3A_2398 = vector.broadcast %jit3A_2396 : f32 to vector<16xf32>
      %select_n3A_2399 = arith.select %eq3A_2395, %broadcast_in_dim3A_2397, %broadcast_in_dim3A_2398 : vector<16xi1>, vector<16xf32>
      %add3A_2400 = arith.addf %broadcast_in_dim3A_4, %select_n3A_2399 : vector<16xf32>
      %eq3A_2401 = arith.constant 20 : i32
      %eq3A_2402 = vector.broadcast %eq3A_2401 : i32 to vector<16xi32>
      %eq3A_2403 = arith.cmpi eq, %get3A_1626, %eq3A_2402 : vector<16xi32>
      %jit3A_2404 = arith.constant 0.000000e+00 : f32
      %broadcast_in_dim3A_2405 = vector.broadcast %squeeze3A_391 : f32 to vector<16xf32>
      %broadcast_in_dim3A_2406 = vector.broadcast %jit3A_2404 : f32 to vector<16xf32>
      %select_n3A_2407 = arith.select %eq3A_2403, %broadcast_in_dim3A_2405, %broadcast_in_dim3A_2406 : vector<16xi1>, vector<16xf32>
      %add3A_2408 = arith.addf %add3A_2400, %select_n3A_2407 : vector<16xf32>
      %eq3A_2409 = arith.constant 20 : i32
      %eq3A_2410 = vector.broadcast %eq3A_2409 : i32 to vector<16xi32>
      %eq3A_2411 = arith.cmpi eq, %get3A_1629, %eq3A_2410 : vector<16xi32>
      %jit3A_2412 = arith.constant 0.000000e+00 : f32
      %broadcast_in_dim3A_2413 = vector.broadcast %squeeze3A_393 : f32 to vector<16xf32>
      %broadcast_in_dim3A_2414 = vector.broadcast %jit3A_2412 : f32 to vector<16xf32>
      %select_n3A_2415 = arith.select %eq3A_2411, %broadcast_in_dim3A_2413, %broadcast_in_dim3A_2414 : vector<16xi1>, vector<16xf32>
      %add3A_2416 = arith.addf %add3A_2408, %select_n3A_2415 : vector<16xf32>
      %eq3A_2417 = arith.constant 20 : i32
      %eq3A_2418 = vector.broadcast %eq3A_2417 : i32 to vector<16xi32>
      %eq3A_2419 = arith.cmpi eq, %get3A_1632, %eq3A_2418 : vector<16xi32>
      %jit3A_2420 = arith.constant 0.000000e+00 : f32
      %broadcast_in_dim3A_2421 = vector.broadcast %squeeze3A_395 : f32 to vector<16xf32>
      %broadcast_in_dim3A_2422 = vector.broadcast %jit3A_2420 : f32 to vector<16xf32>
      %select_n3A_2423 = arith.select %eq3A_2419, %broadcast_in_dim3A_2421, %broadcast_in_dim3A_2422 : vector<16xi1>, vector<16xf32>
      %add3A_2424 = arith.addf %add3A_2416, %select_n3A_2423 : vector<16xf32>
      %swap3A_2425 = arith.constant 20 : i32
      %swap3A_2426 = arith.index_cast %swap3A_2425 : i32 to index
      %swap3A_2427 = arith.constant 16 : index
      %swap3A_2428 = tpu.vector_load %arg7[%swap3A_2426, %swap3A_2427] {strides = array<i32>} : memref<32x128xf32, #tpu.memory_space<vmem>>, vector<1x16xf32>,
      %swap3A_2429 = vector.shape_cast %swap3A_2428 : vector<1x16xf32> to vector<16xf32>
      %swap3A_2430 = vector.shape_cast %add3A_2424 : vector<16xf32> to vector<1x16xf32>
      tpu.vector_store %arg7[%swap3A_2426, %swap3A_2427], %swap3A_2430 {strides = array<i32>} : memref<32x128xf32, #tpu.memory_space<vmem>>, vector<1x16xf32>,
      %eq3A_2431 = arith.constant 21 : i32
      %eq3A_2432 = vector.broadcast %eq3A_2431 : i32 to vector<16xi32>
      %eq3A_2433 = arith.cmpi eq, %get3A_1623, %eq3A_2432 : vector<16xi32>
      %jit3A_2434 = arith.constant 0.000000e+00 : f32
      %broadcast_in_dim3A_2435 = vector.broadcast %squeeze3A : f32 to vector<16xf32>
      %broadcast_in_dim3A_2436 = vector.broadcast %jit3A_2434 : f32 to vector<16xf32>
      %select_n3A_2437 = arith.select %eq3A_2433, %broadcast_in_dim3A_2435, %broadcast_in_dim3A_2436 : vector<16xi1>, vector<16xf32>
      %add3A_2438 = arith.addf %broadcast_in_dim3A_4, %select_n3A_2437 : vector<16xf32>
      %eq3A_2439 = arith.constant 21 : i32
      %eq3A_2440 = vector.broadcast %eq3A_2439 : i32 to vector<16xi32>
      %eq3A_2441 = arith.cmpi eq, %get3A_1626, %eq3A_2440 : vector<16xi32>
      %jit3A_2442 = arith.constant 0.000000e+00 : f32
      %broadcast_in_dim3A_2443 = vector.broadcast %squeeze3A_391 : f32 to vector<16xf32>
      %broadcast_in_dim3A_2444 = vector.broadcast %jit3A_2442 : f32 to vector<16xf32>
      %select_n3A_2445 = arith.select %eq3A_2441, %broadcast_in_dim3A_2443, %broadcast_in_dim3A_2444 : vector<16xi1>, vector<16xf32>
      %add3A_2446 = arith.addf %add3A_2438, %select_n3A_2445 : vector<16xf32>
      %eq3A_2447 = arith.constant 21 : i32
      %eq3A_2448 = vector.broadcast %eq3A_2447 : i32 to vector<16xi32>
      %eq3A_2449 = arith.cmpi eq, %get3A_1629, %eq3A_2448 : vector<16xi32>
      %jit3A_2450 = arith.constant 0.000000e+00 : f32
      %broadcast_in_dim3A_2451 = vector.broadcast %squeeze3A_393 : f32 to vector<16xf32>
      %broadcast_in_dim3A_2452 = vector.broadcast %jit3A_2450 : f32 to vector<16xf32>
      %select_n3A_2453 = arith.select %eq3A_2449, %broadcast_in_dim3A_2451, %broadcast_in_dim3A_2452 : vector<16xi1>, vector<16xf32>
      %add3A_2454 = arith.addf %add3A_2446, %select_n3A_2453 : vector<16xf32>
      %eq3A_2455 = arith.constant 21 : i32
      %eq3A_2456 = vector.broadcast %eq3A_2455 : i32 to vector<16xi32>
      %eq3A_2457 = arith.cmpi eq, %get3A_1632, %eq3A_2456 : vector<16xi32>
      %jit3A_2458 = arith.constant 0.000000e+00 : f32
      %broadcast_in_dim3A_2459 = vector.broadcast %squeeze3A_395 : f32 to vector<16xf32>
      %broadcast_in_dim3A_2460 = vector.broadcast %jit3A_2458 : f32 to vector<16xf32>
      %select_n3A_2461 = arith.select %eq3A_2457, %broadcast_in_dim3A_2459, %broadcast_in_dim3A_2460 : vector<16xi1>, vector<16xf32>
      %add3A_2462 = arith.addf %add3A_2454, %select_n3A_2461 : vector<16xf32>
      %swap3A_2463 = arith.constant 21 : i32
      %swap3A_2464 = arith.index_cast %swap3A_2463 : i32 to index
      %swap3A_2465 = arith.constant 16 : index
      %swap3A_2466 = tpu.vector_load %arg7[%swap3A_2464, %swap3A_2465] {strides = array<i32>} : memref<32x128xf32, #tpu.memory_space<vmem>>, vector<1x16xf32>,
      %swap3A_2467 = vector.shape_cast %swap3A_2466 : vector<1x16xf32> to vector<16xf32>
      %swap3A_2468 = vector.shape_cast %add3A_2462 : vector<16xf32> to vector<1x16xf32>
      tpu.vector_store %arg7[%swap3A_2464, %swap3A_2465], %swap3A_2468 {strides = array<i32>} : memref<32x128xf32, #tpu.memory_space<vmem>>, vector<1x16xf32>,
      %eq3A_2469 = arith.constant 22 : i32
      %eq3A_2470 = vector.broadcast %eq3A_2469 : i32 to vector<16xi32>
      %eq3A_2471 = arith.cmpi eq, %get3A_1623, %eq3A_2470 : vector<16xi32>
      %jit3A_2472 = arith.constant 0.000000e+00 : f32
      %broadcast_in_dim3A_2473 = vector.broadcast %squeeze3A : f32 to vector<16xf32>
      %broadcast_in_dim3A_2474 = vector.broadcast %jit3A_2472 : f32 to vector<16xf32>
      %select_n3A_2475 = arith.select %eq3A_2471, %broadcast_in_dim3A_2473, %broadcast_in_dim3A_2474 : vector<16xi1>, vector<16xf32>
      %add3A_2476 = arith.addf %broadcast_in_dim3A_4, %select_n3A_2475 : vector<16xf32>
      %eq3A_2477 = arith.constant 22 : i32
      %eq3A_2478 = vector.broadcast %eq3A_2477 : i32 to vector<16xi32>
      %eq3A_2479 = arith.cmpi eq, %get3A_1626, %eq3A_2478 : vector<16xi32>
      %jit3A_2480 = arith.constant 0.000000e+00 : f32
      %broadcast_in_dim3A_2481 = vector.broadcast %squeeze3A_391 : f32 to vector<16xf32>
      %broadcast_in_dim3A_2482 = vector.broadcast %jit3A_2480 : f32 to vector<16xf32>
      %select_n3A_2483 = arith.select %eq3A_2479, %broadcast_in_dim3A_2481, %broadcast_in_dim3A_2482 : vector<16xi1>, vector<16xf32>
      %add3A_2484 = arith.addf %add3A_2476, %select_n3A_2483 : vector<16xf32>
      %eq3A_2485 = arith.constant 22 : i32
      %eq3A_2486 = vector.broadcast %eq3A_2485 : i32 to vector<16xi32>
      %eq3A_2487 = arith.cmpi eq, %get3A_1629, %eq3A_2486 : vector<16xi32>
      %jit3A_2488 = arith.constant 0.000000e+00 : f32
      %broadcast_in_dim3A_2489 = vector.broadcast %squeeze3A_393 : f32 to vector<16xf32>
      %broadcast_in_dim3A_2490 = vector.broadcast %jit3A_2488 : f32 to vector<16xf32>
      %select_n3A_2491 = arith.select %eq3A_2487, %broadcast_in_dim3A_2489, %broadcast_in_dim3A_2490 : vector<16xi1>, vector<16xf32>
      %add3A_2492 = arith.addf %add3A_2484, %select_n3A_2491 : vector<16xf32>
      %eq3A_2493 = arith.constant 22 : i32
      %eq3A_2494 = vector.broadcast %eq3A_2493 : i32 to vector<16xi32>
      %eq3A_2495 = arith.cmpi eq, %get3A_1632, %eq3A_2494 : vector<16xi32>
      %jit3A_2496 = arith.constant 0.000000e+00 : f32
      %broadcast_in_dim3A_2497 = vector.broadcast %squeeze3A_395 : f32 to vector<16xf32>
      %broadcast_in_dim3A_2498 = vector.broadcast %jit3A_2496 : f32 to vector<16xf32>
      %select_n3A_2499 = arith.select %eq3A_2495, %broadcast_in_dim3A_2497, %broadcast_in_dim3A_2498 : vector<16xi1>, vector<16xf32>
      %add3A_2500 = arith.addf %add3A_2492, %select_n3A_2499 : vector<16xf32>
      %swap3A_2501 = arith.constant 22 : i32
      %swap3A_2502 = arith.index_cast %swap3A_2501 : i32 to index
      %swap3A_2503 = arith.constant 16 : index
      %swap3A_2504 = tpu.vector_load %arg7[%swap3A_2502, %swap3A_2503] {strides = array<i32>} : memref<32x128xf32, #tpu.memory_space<vmem>>, vector<1x16xf32>,
      %swap3A_2505 = vector.shape_cast %swap3A_2504 : vector<1x16xf32> to vector<16xf32>
      %swap3A_2506 = vector.shape_cast %add3A_2500 : vector<16xf32> to vector<1x16xf32>
      tpu.vector_store %arg7[%swap3A_2502, %swap3A_2503], %swap3A_2506 {strides = array<i32>} : memref<32x128xf32, #tpu.memory_space<vmem>>, vector<1x16xf32>,
      %eq3A_2507 = arith.constant 23 : i32
      %eq3A_2508 = vector.broadcast %eq3A_2507 : i32 to vector<16xi32>
      %eq3A_2509 = arith.cmpi eq, %get3A_1623, %eq3A_2508 : vector<16xi32>
      %jit3A_2510 = arith.constant 0.000000e+00 : f32
      %broadcast_in_dim3A_2511 = vector.broadcast %squeeze3A : f32 to vector<16xf32>
      %broadcast_in_dim3A_2512 = vector.broadcast %jit3A_2510 : f32 to vector<16xf32>
      %select_n3A_2513 = arith.select %eq3A_2509, %broadcast_in_dim3A_2511, %broadcast_in_dim3A_2512 : vector<16xi1>, vector<16xf32>
      %add3A_2514 = arith.addf %broadcast_in_dim3A_4, %select_n3A_2513 : vector<16xf32>
      %eq3A_2515 = arith.constant 23 : i32
      %eq3A_2516 = vector.broadcast %eq3A_2515 : i32 to vector<16xi32>
      %eq3A_2517 = arith.cmpi eq, %get3A_1626, %eq3A_2516 : vector<16xi32>
      %jit3A_2518 = arith.constant 0.000000e+00 : f32
      %broadcast_in_dim3A_2519 = vector.broadcast %squeeze3A_391 : f32 to vector<16xf32>
      %broadcast_in_dim3A_2520 = vector.broadcast %jit3A_2518 : f32 to vector<16xf32>
      %select_n3A_2521 = arith.select %eq3A_2517, %broadcast_in_dim3A_2519, %broadcast_in_dim3A_2520 : vector<16xi1>, vector<16xf32>
      %add3A_2522 = arith.addf %add3A_2514, %select_n3A_2521 : vector<16xf32>
      %eq3A_2523 = arith.constant 23 : i32
      %eq3A_2524 = vector.broadcast %eq3A_2523 : i32 to vector<16xi32>
      %eq3A_2525 = arith.cmpi eq, %get3A_1629, %eq3A_2524 : vector<16xi32>
      %jit3A_2526 = arith.constant 0.000000e+00 : f32
      %broadcast_in_dim3A_2527 = vector.broadcast %squeeze3A_393 : f32 to vector<16xf32>
      %broadcast_in_dim3A_2528 = vector.broadcast %jit3A_2526 : f32 to vector<16xf32>
      %select_n3A_2529 = arith.select %eq3A_2525, %broadcast_in_dim3A_2527, %broadcast_in_dim3A_2528 : vector<16xi1>, vector<16xf32>
      %add3A_2530 = arith.addf %add3A_2522, %select_n3A_2529 : vector<16xf32>
      %eq3A_2531 = arith.constant 23 : i32
      %eq3A_2532 = vector.broadcast %eq3A_2531 : i32 to vector<16xi32>
      %eq3A_2533 = arith.cmpi eq, %get3A_1632, %eq3A_2532 : vector<16xi32>
      %jit3A_2534 = arith.constant 0.000000e+00 : f32
      %broadcast_in_dim3A_2535 = vector.broadcast %squeeze3A_395 : f32 to vector<16xf32>
      %broadcast_in_dim3A_2536 = vector.broadcast %jit3A_2534 : f32 to vector<16xf32>
      %select_n3A_2537 = arith.select %eq3A_2533, %broadcast_in_dim3A_2535, %broadcast_in_dim3A_2536 : vector<16xi1>, vector<16xf32>
      %add3A_2538 = arith.addf %add3A_2530, %select_n3A_2537 : vector<16xf32>
      %swap3A_2539 = arith.constant 23 : i32
      %swap3A_2540 = arith.index_cast %swap3A_2539 : i32 to index
      %swap3A_2541 = arith.constant 16 : index
      %swap3A_2542 = tpu.vector_load %arg7[%swap3A_2540, %swap3A_2541] {strides = array<i32>} : memref<32x128xf32, #tpu.memory_space<vmem>>, vector<1x16xf32>,
      %swap3A_2543 = vector.shape_cast %swap3A_2542 : vector<1x16xf32> to vector<16xf32>
      %swap3A_2544 = vector.shape_cast %add3A_2538 : vector<16xf32> to vector<1x16xf32>
      tpu.vector_store %arg7[%swap3A_2540, %swap3A_2541], %swap3A_2544 {strides = array<i32>} : memref<32x128xf32, #tpu.memory_space<vmem>>, vector<1x16xf32>,
      %eq3A_2545 = arith.constant 24 : i32
      %eq3A_2546 = vector.broadcast %eq3A_2545 : i32 to vector<16xi32>
      %eq3A_2547 = arith.cmpi eq, %get3A_1623, %eq3A_2546 : vector<16xi32>
      %jit3A_2548 = arith.constant 0.000000e+00 : f32
      %broadcast_in_dim3A_2549 = vector.broadcast %squeeze3A : f32 to vector<16xf32>
      %broadcast_in_dim3A_2550 = vector.broadcast %jit3A_2548 : f32 to vector<16xf32>
      %select_n3A_2551 = arith.select %eq3A_2547, %broadcast_in_dim3A_2549, %broadcast_in_dim3A_2550 : vector<16xi1>, vector<16xf32>
      %add3A_2552 = arith.addf %broadcast_in_dim3A_4, %select_n3A_2551 : vector<16xf32>
      %eq3A_2553 = arith.constant 24 : i32
      %eq3A_2554 = vector.broadcast %eq3A_2553 : i32 to vector<16xi32>
      %eq3A_2555 = arith.cmpi eq, %get3A_1626, %eq3A_2554 : vector<16xi32>
      %jit3A_2556 = arith.constant 0.000000e+00 : f32
      %broadcast_in_dim3A_2557 = vector.broadcast %squeeze3A_391 : f32 to vector<16xf32>
      %broadcast_in_dim3A_2558 = vector.broadcast %jit3A_2556 : f32 to vector<16xf32>
      %select_n3A_2559 = arith.select %eq3A_2555, %broadcast_in_dim3A_2557, %broadcast_in_dim3A_2558 : vector<16xi1>, vector<16xf32>
      %add3A_2560 = arith.addf %add3A_2552, %select_n3A_2559 : vector<16xf32>
      %eq3A_2561 = arith.constant 24 : i32
      %eq3A_2562 = vector.broadcast %eq3A_2561 : i32 to vector<16xi32>
      %eq3A_2563 = arith.cmpi eq, %get3A_1629, %eq3A_2562 : vector<16xi32>
      %jit3A_2564 = arith.constant 0.000000e+00 : f32
      %broadcast_in_dim3A_2565 = vector.broadcast %squeeze3A_393 : f32 to vector<16xf32>
      %broadcast_in_dim3A_2566 = vector.broadcast %jit3A_2564 : f32 to vector<16xf32>
      %select_n3A_2567 = arith.select %eq3A_2563, %broadcast_in_dim3A_2565, %broadcast_in_dim3A_2566 : vector<16xi1>, vector<16xf32>
      %add3A_2568 = arith.addf %add3A_2560, %select_n3A_2567 : vector<16xf32>
      %eq3A_2569 = arith.constant 24 : i32
      %eq3A_2570 = vector.broadcast %eq3A_2569 : i32 to vector<16xi32>
      %eq3A_2571 = arith.cmpi eq, %get3A_1632, %eq3A_2570 : vector<16xi32>
      %jit3A_2572 = arith.constant 0.000000e+00 : f32
      %broadcast_in_dim3A_2573 = vector.broadcast %squeeze3A_395 : f32 to vector<16xf32>
      %broadcast_in_dim3A_2574 = vector.broadcast %jit3A_2572 : f32 to vector<16xf32>
      %select_n3A_2575 = arith.select %eq3A_2571, %broadcast_in_dim3A_2573, %broadcast_in_dim3A_2574 : vector<16xi1>, vector<16xf32>
      %add3A_2576 = arith.addf %add3A_2568, %select_n3A_2575 : vector<16xf32>
      %swap3A_2577 = arith.constant 24 : i32
      %swap3A_2578 = arith.index_cast %swap3A_2577 : i32 to index
      %swap3A_2579 = arith.constant 16 : index
      %swap3A_2580 = tpu.vector_load %arg7[%swap3A_2578, %swap3A_2579] {strides = array<i32>} : memref<32x128xf32, #tpu.memory_space<vmem>>, vector<1x16xf32>,
      %swap3A_2581 = vector.shape_cast %swap3A_2580 : vector<1x16xf32> to vector<16xf32>
      %swap3A_2582 = vector.shape_cast %add3A_2576 : vector<16xf32> to vector<1x16xf32>
      tpu.vector_store %arg7[%swap3A_2578, %swap3A_2579], %swap3A_2582 {strides = array<i32>} : memref<32x128xf32, #tpu.memory_space<vmem>>, vector<1x16xf32>,
      %eq3A_2583 = arith.constant 25 : i32
      %eq3A_2584 = vector.broadcast %eq3A_2583 : i32 to vector<16xi32>
      %eq3A_2585 = arith.cmpi eq, %get3A_1623, %eq3A_2584 : vector<16xi32>
      %jit3A_2586 = arith.constant 0.000000e+00 : f32
      %broadcast_in_dim3A_2587 = vector.broadcast %squeeze3A : f32 to vector<16xf32>
      %broadcast_in_dim3A_2588 = vector.broadcast %jit3A_2586 : f32 to vector<16xf32>
      %select_n3A_2589 = arith.select %eq3A_2585, %broadcast_in_dim3A_2587, %broadcast_in_dim3A_2588 : vector<16xi1>, vector<16xf32>
      %add3A_2590 = arith.addf %broadcast_in_dim3A_4, %select_n3A_2589 : vector<16xf32>
      %eq3A_2591 = arith.constant 25 : i32
      %eq3A_2592 = vector.broadcast %eq3A_2591 : i32 to vector<16xi32>
      %eq3A_2593 = arith.cmpi eq, %get3A_1626, %eq3A_2592 : vector<16xi32>
      %jit3A_2594 = arith.constant 0.000000e+00 : f32
      %broadcast_in_dim3A_2595 = vector.broadcast %squeeze3A_391 : f32 to vector<16xf32>
      %broadcast_in_dim3A_2596 = vector.broadcast %jit3A_2594 : f32 to vector<16xf32>
      %select_n3A_2597 = arith.select %eq3A_2593, %broadcast_in_dim3A_2595, %broadcast_in_dim3A_2596 : vector<16xi1>, vector<16xf32>
      %add3A_2598 = arith.addf %add3A_2590, %select_n3A_2597 : vector<16xf32>
      %eq3A_2599 = arith.constant 25 : i32
      %eq3A_2600 = vector.broadcast %eq3A_2599 : i32 to vector<16xi32>
      %eq3A_2601 = arith.cmpi eq, %get3A_1629, %eq3A_2600 : vector<16xi32>
      %jit3A_2602 = arith.constant 0.000000e+00 : f32
      %broadcast_in_dim3A_2603 = vector.broadcast %squeeze3A_393 : f32 to vector<16xf32>
      %broadcast_in_dim3A_2604 = vector.broadcast %jit3A_2602 : f32 to vector<16xf32>
      %select_n3A_2605 = arith.select %eq3A_2601, %broadcast_in_dim3A_2603, %broadcast_in_dim3A_2604 : vector<16xi1>, vector<16xf32>
      %add3A_2606 = arith.addf %add3A_2598, %select_n3A_2605 : vector<16xf32>
      %eq3A_2607 = arith.constant 25 : i32
      %eq3A_2608 = vector.broadcast %eq3A_2607 : i32 to vector<16xi32>
      %eq3A_2609 = arith.cmpi eq, %get3A_1632, %eq3A_2608 : vector<16xi32>
      %jit3A_2610 = arith.constant 0.000000e+00 : f32
      %broadcast_in_dim3A_2611 = vector.broadcast %squeeze3A_395 : f32 to vector<16xf32>
      %broadcast_in_dim3A_2612 = vector.broadcast %jit3A_2610 : f32 to vector<16xf32>
      %select_n3A_2613 = arith.select %eq3A_2609, %broadcast_in_dim3A_2611, %broadcast_in_dim3A_2612 : vector<16xi1>, vector<16xf32>
      %add3A_2614 = arith.addf %add3A_2606, %select_n3A_2613 : vector<16xf32>
      %swap3A_2615 = arith.constant 25 : i32
      %swap3A_2616 = arith.index_cast %swap3A_2615 : i32 to index
      %swap3A_2617 = arith.constant 16 : index
      %swap3A_2618 = tpu.vector_load %arg7[%swap3A_2616, %swap3A_2617] {strides = array<i32>} : memref<32x128xf32, #tpu.memory_space<vmem>>, vector<1x16xf32>,
      %swap3A_2619 = vector.shape_cast %swap3A_2618 : vector<1x16xf32> to vector<16xf32>
      %swap3A_2620 = vector.shape_cast %add3A_2614 : vector<16xf32> to vector<1x16xf32>
      tpu.vector_store %arg7[%swap3A_2616, %swap3A_2617], %swap3A_2620 {strides = array<i32>} : memref<32x128xf32, #tpu.memory_space<vmem>>, vector<1x16xf32>,
      %eq3A_2621 = arith.constant 26 : i32
      %eq3A_2622 = vector.broadcast %eq3A_2621 : i32 to vector<16xi32>
      %eq3A_2623 = arith.cmpi eq, %get3A_1623, %eq3A_2622 : vector<16xi32>
      %jit3A_2624 = arith.constant 0.000000e+00 : f32
      %broadcast_in_dim3A_2625 = vector.broadcast %squeeze3A : f32 to vector<16xf32>
      %broadcast_in_dim3A_2626 = vector.broadcast %jit3A_2624 : f32 to vector<16xf32>
      %select_n3A_2627 = arith.select %eq3A_2623, %broadcast_in_dim3A_2625, %broadcast_in_dim3A_2626 : vector<16xi1>, vector<16xf32>
      %add3A_2628 = arith.addf %broadcast_in_dim3A_4, %select_n3A_2627 : vector<16xf32>
      %eq3A_2629 = arith.constant 26 : i32
      %eq3A_2630 = vector.broadcast %eq3A_2629 : i32 to vector<16xi32>
      %eq3A_2631 = arith.cmpi eq, %get3A_1626, %eq3A_2630 : vector<16xi32>
      %jit3A_2632 = arith.constant 0.000000e+00 : f32
      %broadcast_in_dim3A_2633 = vector.broadcast %squeeze3A_391 : f32 to vector<16xf32>
      %broadcast_in_dim3A_2634 = vector.broadcast %jit3A_2632 : f32 to vector<16xf32>
      %select_n3A_2635 = arith.select %eq3A_2631, %broadcast_in_dim3A_2633, %broadcast_in_dim3A_2634 : vector<16xi1>, vector<16xf32>
      %add3A_2636 = arith.addf %add3A_2628, %select_n3A_2635 : vector<16xf32>
      %eq3A_2637 = arith.constant 26 : i32
      %eq3A_2638 = vector.broadcast %eq3A_2637 : i32 to vector<16xi32>
      %eq3A_2639 = arith.cmpi eq, %get3A_1629, %eq3A_2638 : vector<16xi32>
      %jit3A_2640 = arith.constant 0.000000e+00 : f32
      %broadcast_in_dim3A_2641 = vector.broadcast %squeeze3A_393 : f32 to vector<16xf32>
      %broadcast_in_dim3A_2642 = vector.broadcast %jit3A_2640 : f32 to vector<16xf32>
      %select_n3A_2643 = arith.select %eq3A_2639, %broadcast_in_dim3A_2641, %broadcast_in_dim3A_2642 : vector<16xi1>, vector<16xf32>
      %add3A_2644 = arith.addf %add3A_2636, %select_n3A_2643 : vector<16xf32>
      %eq3A_2645 = arith.constant 26 : i32
      %eq3A_2646 = vector.broadcast %eq3A_2645 : i32 to vector<16xi32>
      %eq3A_2647 = arith.cmpi eq, %get3A_1632, %eq3A_2646 : vector<16xi32>
      %jit3A_2648 = arith.constant 0.000000e+00 : f32
      %broadcast_in_dim3A_2649 = vector.broadcast %squeeze3A_395 : f32 to vector<16xf32>
      %broadcast_in_dim3A_2650 = vector.broadcast %jit3A_2648 : f32 to vector<16xf32>
      %select_n3A_2651 = arith.select %eq3A_2647, %broadcast_in_dim3A_2649, %broadcast_in_dim3A_2650 : vector<16xi1>, vector<16xf32>
      %add3A_2652 = arith.addf %add3A_2644, %select_n3A_2651 : vector<16xf32>
      %swap3A_2653 = arith.constant 26 : i32
      %swap3A_2654 = arith.index_cast %swap3A_2653 : i32 to index
      %swap3A_2655 = arith.constant 16 : index
      %swap3A_2656 = tpu.vector_load %arg7[%swap3A_2654, %swap3A_2655] {strides = array<i32>} : memref<32x128xf32, #tpu.memory_space<vmem>>, vector<1x16xf32>,
      %swap3A_2657 = vector.shape_cast %swap3A_2656 : vector<1x16xf32> to vector<16xf32>
      %swap3A_2658 = vector.shape_cast %add3A_2652 : vector<16xf32> to vector<1x16xf32>
      tpu.vector_store %arg7[%swap3A_2654, %swap3A_2655], %swap3A_2658 {strides = array<i32>} : memref<32x128xf32, #tpu.memory_space<vmem>>, vector<1x16xf32>,
      %eq3A_2659 = arith.constant 27 : i32
      %eq3A_2660 = vector.broadcast %eq3A_2659 : i32 to vector<16xi32>
      %eq3A_2661 = arith.cmpi eq, %get3A_1623, %eq3A_2660 : vector<16xi32>
      %jit3A_2662 = arith.constant 0.000000e+00 : f32
      %broadcast_in_dim3A_2663 = vector.broadcast %squeeze3A : f32 to vector<16xf32>
      %broadcast_in_dim3A_2664 = vector.broadcast %jit3A_2662 : f32 to vector<16xf32>
      %select_n3A_2665 = arith.select %eq3A_2661, %broadcast_in_dim3A_2663, %broadcast_in_dim3A_2664 : vector<16xi1>, vector<16xf32>
      %add3A_2666 = arith.addf %broadcast_in_dim3A_4, %select_n3A_2665 : vector<16xf32>
      %eq3A_2667 = arith.constant 27 : i32
      %eq3A_2668 = vector.broadcast %eq3A_2667 : i32 to vector<16xi32>
      %eq3A_2669 = arith.cmpi eq, %get3A_1626, %eq3A_2668 : vector<16xi32>
      %jit3A_2670 = arith.constant 0.000000e+00 : f32
      %broadcast_in_dim3A_2671 = vector.broadcast %squeeze3A_391 : f32 to vector<16xf32>
      %broadcast_in_dim3A_2672 = vector.broadcast %jit3A_2670 : f32 to vector<16xf32>
      %select_n3A_2673 = arith.select %eq3A_2669, %broadcast_in_dim3A_2671, %broadcast_in_dim3A_2672 : vector<16xi1>, vector<16xf32>
      %add3A_2674 = arith.addf %add3A_2666, %select_n3A_2673 : vector<16xf32>
      %eq3A_2675 = arith.constant 27 : i32
      %eq3A_2676 = vector.broadcast %eq3A_2675 : i32 to vector<16xi32>
      %eq3A_2677 = arith.cmpi eq, %get3A_1629, %eq3A_2676 : vector<16xi32>
      %jit3A_2678 = arith.constant 0.000000e+00 : f32
      %broadcast_in_dim3A_2679 = vector.broadcast %squeeze3A_393 : f32 to vector<16xf32>
      %broadcast_in_dim3A_2680 = vector.broadcast %jit3A_2678 : f32 to vector<16xf32>
      %select_n3A_2681 = arith.select %eq3A_2677, %broadcast_in_dim3A_2679, %broadcast_in_dim3A_2680 : vector<16xi1>, vector<16xf32>
      %add3A_2682 = arith.addf %add3A_2674, %select_n3A_2681 : vector<16xf32>
      %eq3A_2683 = arith.constant 27 : i32
      %eq3A_2684 = vector.broadcast %eq3A_2683 : i32 to vector<16xi32>
      %eq3A_2685 = arith.cmpi eq, %get3A_1632, %eq3A_2684 : vector<16xi32>
      %jit3A_2686 = arith.constant 0.000000e+00 : f32
      %broadcast_in_dim3A_2687 = vector.broadcast %squeeze3A_395 : f32 to vector<16xf32>
      %broadcast_in_dim3A_2688 = vector.broadcast %jit3A_2686 : f32 to vector<16xf32>
      %select_n3A_2689 = arith.select %eq3A_2685, %broadcast_in_dim3A_2687, %broadcast_in_dim3A_2688 : vector<16xi1>, vector<16xf32>
      %add3A_2690 = arith.addf %add3A_2682, %select_n3A_2689 : vector<16xf32>
      %swap3A_2691 = arith.constant 27 : i32
      %swap3A_2692 = arith.index_cast %swap3A_2691 : i32 to index
      %swap3A_2693 = arith.constant 16 : index
      %swap3A_2694 = tpu.vector_load %arg7[%swap3A_2692, %swap3A_2693] {strides = array<i32>} : memref<32x128xf32, #tpu.memory_space<vmem>>, vector<1x16xf32>,
      %swap3A_2695 = vector.shape_cast %swap3A_2694 : vector<1x16xf32> to vector<16xf32>
      %swap3A_2696 = vector.shape_cast %add3A_2690 : vector<16xf32> to vector<1x16xf32>
      tpu.vector_store %arg7[%swap3A_2692, %swap3A_2693], %swap3A_2696 {strides = array<i32>} : memref<32x128xf32, #tpu.memory_space<vmem>>, vector<1x16xf32>,
      %eq3A_2697 = arith.constant 28 : i32
      %eq3A_2698 = vector.broadcast %eq3A_2697 : i32 to vector<16xi32>
      %eq3A_2699 = arith.cmpi eq, %get3A_1623, %eq3A_2698 : vector<16xi32>
      %jit3A_2700 = arith.constant 0.000000e+00 : f32
      %broadcast_in_dim3A_2701 = vector.broadcast %squeeze3A : f32 to vector<16xf32>
      %broadcast_in_dim3A_2702 = vector.broadcast %jit3A_2700 : f32 to vector<16xf32>
      %select_n3A_2703 = arith.select %eq3A_2699, %broadcast_in_dim3A_2701, %broadcast_in_dim3A_2702 : vector<16xi1>, vector<16xf32>
      %add3A_2704 = arith.addf %broadcast_in_dim3A_4, %select_n3A_2703 : vector<16xf32>
      %eq3A_2705 = arith.constant 28 : i32
      %eq3A_2706 = vector.broadcast %eq3A_2705 : i32 to vector<16xi32>
      %eq3A_2707 = arith.cmpi eq, %get3A_1626, %eq3A_2706 : vector<16xi32>
      %jit3A_2708 = arith.constant 0.000000e+00 : f32
      %broadcast_in_dim3A_2709 = vector.broadcast %squeeze3A_391 : f32 to vector<16xf32>
      %broadcast_in_dim3A_2710 = vector.broadcast %jit3A_2708 : f32 to vector<16xf32>
      %select_n3A_2711 = arith.select %eq3A_2707, %broadcast_in_dim3A_2709, %broadcast_in_dim3A_2710 : vector<16xi1>, vector<16xf32>
      %add3A_2712 = arith.addf %add3A_2704, %select_n3A_2711 : vector<16xf32>
      %eq3A_2713 = arith.constant 28 : i32
      %eq3A_2714 = vector.broadcast %eq3A_2713 : i32 to vector<16xi32>
      %eq3A_2715 = arith.cmpi eq, %get3A_1629, %eq3A_2714 : vector<16xi32>
      %jit3A_2716 = arith.constant 0.000000e+00 : f32
      %broadcast_in_dim3A_2717 = vector.broadcast %squeeze3A_393 : f32 to vector<16xf32>
      %broadcast_in_dim3A_2718 = vector.broadcast %jit3A_2716 : f32 to vector<16xf32>
      %select_n3A_2719 = arith.select %eq3A_2715, %broadcast_in_dim3A_2717, %broadcast_in_dim3A_2718 : vector<16xi1>, vector<16xf32>
      %add3A_2720 = arith.addf %add3A_2712, %select_n3A_2719 : vector<16xf32>
      %eq3A_2721 = arith.constant 28 : i32
      %eq3A_2722 = vector.broadcast %eq3A_2721 : i32 to vector<16xi32>
      %eq3A_2723 = arith.cmpi eq, %get3A_1632, %eq3A_2722 : vector<16xi32>
      %jit3A_2724 = arith.constant 0.000000e+00 : f32
      %broadcast_in_dim3A_2725 = vector.broadcast %squeeze3A_395 : f32 to vector<16xf32>
      %broadcast_in_dim3A_2726 = vector.broadcast %jit3A_2724 : f32 to vector<16xf32>
      %select_n3A_2727 = arith.select %eq3A_2723, %broadcast_in_dim3A_2725, %broadcast_in_dim3A_2726 : vector<16xi1>, vector<16xf32>
      %add3A_2728 = arith.addf %add3A_2720, %select_n3A_2727 : vector<16xf32>
      %swap3A_2729 = arith.constant 28 : i32
      %swap3A_2730 = arith.index_cast %swap3A_2729 : i32 to index
      %swap3A_2731 = arith.constant 16 : index
      %swap3A_2732 = tpu.vector_load %arg7[%swap3A_2730, %swap3A_2731] {strides = array<i32>} : memref<32x128xf32, #tpu.memory_space<vmem>>, vector<1x16xf32>,
      %swap3A_2733 = vector.shape_cast %swap3A_2732 : vector<1x16xf32> to vector<16xf32>
      %swap3A_2734 = vector.shape_cast %add3A_2728 : vector<16xf32> to vector<1x16xf32>
      tpu.vector_store %arg7[%swap3A_2730, %swap3A_2731], %swap3A_2734 {strides = array<i32>} : memref<32x128xf32, #tpu.memory_space<vmem>>, vector<1x16xf32>,
      %eq3A_2735 = arith.constant 29 : i32
      %eq3A_2736 = vector.broadcast %eq3A_2735 : i32 to vector<16xi32>
      %eq3A_2737 = arith.cmpi eq, %get3A_1623, %eq3A_2736 : vector<16xi32>
      %jit3A_2738 = arith.constant 0.000000e+00 : f32
      %broadcast_in_dim3A_2739 = vector.broadcast %squeeze3A : f32 to vector<16xf32>
      %broadcast_in_dim3A_2740 = vector.broadcast %jit3A_2738 : f32 to vector<16xf32>
      %select_n3A_2741 = arith.select %eq3A_2737, %broadcast_in_dim3A_2739, %broadcast_in_dim3A_2740 : vector<16xi1>, vector<16xf32>
      %add3A_2742 = arith.addf %broadcast_in_dim3A_4, %select_n3A_2741 : vector<16xf32>
      %eq3A_2743 = arith.constant 29 : i32
      %eq3A_2744 = vector.broadcast %eq3A_2743 : i32 to vector<16xi32>
      %eq3A_2745 = arith.cmpi eq, %get3A_1626, %eq3A_2744 : vector<16xi32>
      %jit3A_2746 = arith.constant 0.000000e+00 : f32
      %broadcast_in_dim3A_2747 = vector.broadcast %squeeze3A_391 : f32 to vector<16xf32>
      %broadcast_in_dim3A_2748 = vector.broadcast %jit3A_2746 : f32 to vector<16xf32>
      %select_n3A_2749 = arith.select %eq3A_2745, %broadcast_in_dim3A_2747, %broadcast_in_dim3A_2748 : vector<16xi1>, vector<16xf32>
      %add3A_2750 = arith.addf %add3A_2742, %select_n3A_2749 : vector<16xf32>
      %eq3A_2751 = arith.constant 29 : i32
      %eq3A_2752 = vector.broadcast %eq3A_2751 : i32 to vector<16xi32>
      %eq3A_2753 = arith.cmpi eq, %get3A_1629, %eq3A_2752 : vector<16xi32>
      %jit3A_2754 = arith.constant 0.000000e+00 : f32
      %broadcast_in_dim3A_2755 = vector.broadcast %squeeze3A_393 : f32 to vector<16xf32>
      %broadcast_in_dim3A_2756 = vector.broadcast %jit3A_2754 : f32 to vector<16xf32>
      %select_n3A_2757 = arith.select %eq3A_2753, %broadcast_in_dim3A_2755, %broadcast_in_dim3A_2756 : vector<16xi1>, vector<16xf32>
      %add3A_2758 = arith.addf %add3A_2750, %select_n3A_2757 : vector<16xf32>
      %eq3A_2759 = arith.constant 29 : i32
      %eq3A_2760 = vector.broadcast %eq3A_2759 : i32 to vector<16xi32>
      %eq3A_2761 = arith.cmpi eq, %get3A_1632, %eq3A_2760 : vector<16xi32>
      %jit3A_2762 = arith.constant 0.000000e+00 : f32
      %broadcast_in_dim3A_2763 = vector.broadcast %squeeze3A_395 : f32 to vector<16xf32>
      %broadcast_in_dim3A_2764 = vector.broadcast %jit3A_2762 : f32 to vector<16xf32>
      %select_n3A_2765 = arith.select %eq3A_2761, %broadcast_in_dim3A_2763, %broadcast_in_dim3A_2764 : vector<16xi1>, vector<16xf32>
      %add3A_2766 = arith.addf %add3A_2758, %select_n3A_2765 : vector<16xf32>
      %swap3A_2767 = arith.constant 29 : i32
      %swap3A_2768 = arith.index_cast %swap3A_2767 : i32 to index
      %swap3A_2769 = arith.constant 16 : index
      %swap3A_2770 = tpu.vector_load %arg7[%swap3A_2768, %swap3A_2769] {strides = array<i32>} : memref<32x128xf32, #tpu.memory_space<vmem>>, vector<1x16xf32>,
      %swap3A_2771 = vector.shape_cast %swap3A_2770 : vector<1x16xf32> to vector<16xf32>
      %swap3A_2772 = vector.shape_cast %add3A_2766 : vector<16xf32> to vector<1x16xf32>
      tpu.vector_store %arg7[%swap3A_2768, %swap3A_2769], %swap3A_2772 {strides = array<i32>} : memref<32x128xf32, #tpu.memory_space<vmem>>, vector<1x16xf32>,
      %eq3A_2773 = arith.constant 30 : i32
      %eq3A_2774 = vector.broadcast %eq3A_2773 : i32 to vector<16xi32>
      %eq3A_2775 = arith.cmpi eq, %get3A_1623, %eq3A_2774 : vector<16xi32>
      %jit3A_2776 = arith.constant 0.000000e+00 : f32
      %broadcast_in_dim3A_2777 = vector.broadcast %squeeze3A : f32 to vector<16xf32>
      %broadcast_in_dim3A_2778 = vector.broadcast %jit3A_2776 : f32 to vector<16xf32>
      %select_n3A_2779 = arith.select %eq3A_2775, %broadcast_in_dim3A_2777, %broadcast_in_dim3A_2778 : vector<16xi1>, vector<16xf32>
      %add3A_2780 = arith.addf %broadcast_in_dim3A_4, %select_n3A_2779 : vector<16xf32>
      %eq3A_2781 = arith.constant 30 : i32
      %eq3A_2782 = vector.broadcast %eq3A_2781 : i32 to vector<16xi32>
      %eq3A_2783 = arith.cmpi eq, %get3A_1626, %eq3A_2782 : vector<16xi32>
      %jit3A_2784 = arith.constant 0.000000e+00 : f32
      %broadcast_in_dim3A_2785 = vector.broadcast %squeeze3A_391 : f32 to vector<16xf32>
      %broadcast_in_dim3A_2786 = vector.broadcast %jit3A_2784 : f32 to vector<16xf32>
      %select_n3A_2787 = arith.select %eq3A_2783, %broadcast_in_dim3A_2785, %broadcast_in_dim3A_2786 : vector<16xi1>, vector<16xf32>
      %add3A_2788 = arith.addf %add3A_2780, %select_n3A_2787 : vector<16xf32>
      %eq3A_2789 = arith.constant 30 : i32
      %eq3A_2790 = vector.broadcast %eq3A_2789 : i32 to vector<16xi32>
      %eq3A_2791 = arith.cmpi eq, %get3A_1629, %eq3A_2790 : vector<16xi32>
      %jit3A_2792 = arith.constant 0.000000e+00 : f32
      %broadcast_in_dim3A_2793 = vector.broadcast %squeeze3A_393 : f32 to vector<16xf32>
      %broadcast_in_dim3A_2794 = vector.broadcast %jit3A_2792 : f32 to vector<16xf32>
      %select_n3A_2795 = arith.select %eq3A_2791, %broadcast_in_dim3A_2793, %broadcast_in_dim3A_2794 : vector<16xi1>, vector<16xf32>
      %add3A_2796 = arith.addf %add3A_2788, %select_n3A_2795 : vector<16xf32>
      %eq3A_2797 = arith.constant 30 : i32
      %eq3A_2798 = vector.broadcast %eq3A_2797 : i32 to vector<16xi32>
      %eq3A_2799 = arith.cmpi eq, %get3A_1632, %eq3A_2798 : vector<16xi32>
      %jit3A_2800 = arith.constant 0.000000e+00 : f32
      %broadcast_in_dim3A_2801 = vector.broadcast %squeeze3A_395 : f32 to vector<16xf32>
      %broadcast_in_dim3A_2802 = vector.broadcast %jit3A_2800 : f32 to vector<16xf32>
      %select_n3A_2803 = arith.select %eq3A_2799, %broadcast_in_dim3A_2801, %broadcast_in_dim3A_2802 : vector<16xi1>, vector<16xf32>
      %add3A_2804 = arith.addf %add3A_2796, %select_n3A_2803 : vector<16xf32>
      %swap3A_2805 = arith.constant 30 : i32
      %swap3A_2806 = arith.index_cast %swap3A_2805 : i32 to index
      %swap3A_2807 = arith.constant 16 : index
      %swap3A_2808 = tpu.vector_load %arg7[%swap3A_2806, %swap3A_2807] {strides = array<i32>} : memref<32x128xf32, #tpu.memory_space<vmem>>, vector<1x16xf32>,
      %swap3A_2809 = vector.shape_cast %swap3A_2808 : vector<1x16xf32> to vector<16xf32>
      %swap3A_2810 = vector.shape_cast %add3A_2804 : vector<16xf32> to vector<1x16xf32>
      tpu.vector_store %arg7[%swap3A_2806, %swap3A_2807], %swap3A_2810 {strides = array<i32>} : memref<32x128xf32, #tpu.memory_space<vmem>>, vector<1x16xf32>,
      %eq3A_2811 = arith.constant 31 : i32
      %eq3A_2812 = vector.broadcast %eq3A_2811 : i32 to vector<16xi32>
      %eq3A_2813 = arith.cmpi eq, %get3A_1623, %eq3A_2812 : vector<16xi32>
      %jit3A_2814 = arith.constant 0.000000e+00 : f32
      %broadcast_in_dim3A_2815 = vector.broadcast %squeeze3A : f32 to vector<16xf32>
      %broadcast_in_dim3A_2816 = vector.broadcast %jit3A_2814 : f32 to vector<16xf32>
      %select_n3A_2817 = arith.select %eq3A_2813, %broadcast_in_dim3A_2815, %broadcast_in_dim3A_2816 : vector<16xi1>, vector<16xf32>
      %add3A_2818 = arith.addf %broadcast_in_dim3A_4, %select_n3A_2817 : vector<16xf32>
      %eq3A_2819 = arith.constant 31 : i32
      %eq3A_2820 = vector.broadcast %eq3A_2819 : i32 to vector<16xi32>
      %eq3A_2821 = arith.cmpi eq, %get3A_1626, %eq3A_2820 : vector<16xi32>
      %jit3A_2822 = arith.constant 0.000000e+00 : f32
      %broadcast_in_dim3A_2823 = vector.broadcast %squeeze3A_391 : f32 to vector<16xf32>
      %broadcast_in_dim3A_2824 = vector.broadcast %jit3A_2822 : f32 to vector<16xf32>
      %select_n3A_2825 = arith.select %eq3A_2821, %broadcast_in_dim3A_2823, %broadcast_in_dim3A_2824 : vector<16xi1>, vector<16xf32>
      %add3A_2826 = arith.addf %add3A_2818, %select_n3A_2825 : vector<16xf32>
      %eq3A_2827 = arith.constant 31 : i32
      %eq3A_2828 = vector.broadcast %eq3A_2827 : i32 to vector<16xi32>
      %eq3A_2829 = arith.cmpi eq, %get3A_1629, %eq3A_2828 : vector<16xi32>
      %jit3A_2830 = arith.constant 0.000000e+00 : f32
      %broadcast_in_dim3A_2831 = vector.broadcast %squeeze3A_393 : f32 to vector<16xf32>
      %broadcast_in_dim3A_2832 = vector.broadcast %jit3A_2830 : f32 to vector<16xf32>
      %select_n3A_2833 = arith.select %eq3A_2829, %broadcast_in_dim3A_2831, %broadcast_in_dim3A_2832 : vector<16xi1>, vector<16xf32>
      %add3A_2834 = arith.addf %add3A_2826, %select_n3A_2833 : vector<16xf32>
      %eq3A_2835 = arith.constant 31 : i32
      %eq3A_2836 = vector.broadcast %eq3A_2835 : i32 to vector<16xi32>
      %eq3A_2837 = arith.cmpi eq, %get3A_1632, %eq3A_2836 : vector<16xi32>
      %jit3A_2838 = arith.constant 0.000000e+00 : f32
      %broadcast_in_dim3A_2839 = vector.broadcast %squeeze3A_395 : f32 to vector<16xf32>
      %broadcast_in_dim3A_2840 = vector.broadcast %jit3A_2838 : f32 to vector<16xf32>
      %select_n3A_2841 = arith.select %eq3A_2837, %broadcast_in_dim3A_2839, %broadcast_in_dim3A_2840 : vector<16xi1>, vector<16xf32>
      %add3A_2842 = arith.addf %add3A_2834, %select_n3A_2841 : vector<16xf32>
      %swap3A_2843 = arith.constant 31 : i32
      %swap3A_2844 = arith.index_cast %swap3A_2843 : i32 to index
      %swap3A_2845 = arith.constant 16 : index
      %swap3A_2846 = tpu.vector_load %arg7[%swap3A_2844, %swap3A_2845] {strides = array<i32>} : memref<32x128xf32, #tpu.memory_space<vmem>>, vector<1x16xf32>,
      %swap3A_2847 = vector.shape_cast %swap3A_2846 : vector<1x16xf32> to vector<16xf32>
      %swap3A_2848 = vector.shape_cast %add3A_2842 : vector<16xf32> to vector<1x16xf32>
      tpu.vector_store %arg7[%swap3A_2844, %swap3A_2845], %swap3A_2848 {strides = array<i32>} : memref<32x128xf32, #tpu.memory_space<vmem>>, vector<1x16xf32>,
      "tpu.region"() ({
        %run_scoped3A = tpu.sem_alloc : memref<!tpu.dma_semaphore, #tpu.memory_space<semaphore_mem>>
        tpu.enqueue_dma source(%arg7 : memref<32x128xf32, #tpu.memory_space<vmem>>) target(%arg4 : memref<32x128xf32, #tpu.memory_space<hbm>>) target_semaphore(%run_scoped3A : memref<!tpu.dma_semaphore, #tpu.memory_space<semaphore_mem>>)
        tpu.wait_dma2 semaphore(%run_scoped3A : memref<!tpu.dma_semaphore, #tpu.memory_space<semaphore_mem>>) src(%arg7 : memref<32x128xf32, #tpu.memory_space<vmem>>) dst(%arg4 : memref<32x128xf32, #tpu.memory_space<hbm>>)
        tpu.yield
      }) : () -> ()
    } else {
    }
    return
  }
}

module attributes {stable_mosaic.version = 14 : i64} {
  func.func @_fused_kernel(%arg0: i32, %arg1: i32, %arg2: memref<32x128xf32, #tpu.memory_space<vmem>>, %arg3: memref<1x1xf32, #tpu.memory_space<smem>>, %arg4: memref<32x256x128xf32, #tpu.memory_space<vmem>>, %arg5: memref<32x256x128xf32, #tpu.memory_space<vmem>>, %arg6: memref<32x32xf32, #tpu.memory_space<vmem>>) attributes {dimension_semantics = [#tpu.dimension_semantics<arbitrary>, #tpu.dimension_semantics<arbitrary>], iteration_bounds = array<i64: 4, 1>, scalar_prefetch = 0 : i64, scratch_operands = 1 : i64, tpu.core_type = #tpu.core_type<tc>, window_params = [{pipeline_mode = #tpu.pipeline_mode<synchronous>, transform_indices = @transform_0, window_bounds = array<i64: 32, 128>}, {transform_indices = @transform_1, window_bounds = array<i64: 1, 1>}, {transform_indices = @transform_2, window_bounds = array<i64: 32, 256, 128>}, {transform_indices = @transform_3, window_bounds = array<i64: 32, 256, 128>}]} {
    %eq3A = arith.constant 0 : i32
    %eq3A_0 = arith.cmpi eq, %arg0, %eq3A : i32
    %eq3A_1 = arith.constant 0 : i32
    %eq3A_2 = arith.cmpi eq, %arg1, %eq3A_1 : i32
    %and3A = arith.andi %eq3A_0, %eq3A_2 : i1
    %convert_element_type3A = arith.extui %and3A : i1 to i32
    %cond3A = arith.constant 0 : i32
    %cond3A_3 = arith.cmpi ne, %convert_element_type3A, %cond3A : i32
    scf.if %cond3A_3 {
      %get3A_15 = arith.constant 0 : index
      %get3A_16 = arith.constant 0 : index
      %get3A_17 = vector.load %arg2[%get3A_15, %get3A_16] : memref<32x128xf32, #tpu.memory_space<vmem>>, vector<32x32xf32>
      %dot_general3A_18 = arith.constant dense<0.000000e+00> : vector<32x32xf32>
      %dot_general3A_19 = tpu.matmul %get3A_17, %get3A_17, %dot_general3A_18 {dimension_numbers = #tpu.dot_dimension_numbers<[1], [0], [0], [1], [0, 0, 1, 1], [], []>, transpose_lhs_hint = false} : vector<32x32xf32>, vector<32x32xf32>, vector<32x32xf32> -> vector<32x32xf32>
      %dot_general3A_20 = arith.constant dense<0.000000e+00> : vector<32x32xf32>
      %dot_general3A_21 = tpu.matmul %get3A_17, %dot_general3A_19, %dot_general3A_20 {dimension_numbers = #tpu.dot_dimension_numbers<[1], [0], [0], [1], [0, 0, 1, 1], [], []>, transpose_lhs_hint = false} : vector<32x32xf32>, vector<32x32xf32>, vector<32x32xf32> -> vector<32x32xf32>
      %dot_general3A_22 = arith.constant dense<0.000000e+00> : vector<32x32xf32>
      %dot_general3A_23 = tpu.matmul %get3A_17, %dot_general3A_21, %dot_general3A_22 {dimension_numbers = #tpu.dot_dimension_numbers<[1], [0], [0], [1], [0, 0, 1, 1], [], []>, transpose_lhs_hint = false} : vector<32x32xf32>, vector<32x32xf32>, vector<32x32xf32> -> vector<32x32xf32>
      %dot_general3A_24 = arith.constant dense<0.000000e+00> : vector<32x32xf32>
      %dot_general3A_25 = tpu.matmul %get3A_17, %dot_general3A_23, %dot_general3A_24 {dimension_numbers = #tpu.dot_dimension_numbers<[1], [0], [0], [1], [0, 0, 1, 1], [], []>, transpose_lhs_hint = false} : vector<32x32xf32>, vector<32x32xf32>, vector<32x32xf32> -> vector<32x32xf32>
      %get3A_26 = arith.constant 0 : index
      %get3A_27 = arith.constant 0 : index
      %get3A_28 = memref.load %arg3[%get3A_26, %get3A_27] : memref<1x1xf32, #tpu.memory_space<smem>>
      %mul3A = arith.mulf %get3A_28, %get3A_28 : f32
      %mul3A_29 = arith.mulf %mul3A, %get3A_28 : f32
      %mul3A_30 = arith.mulf %mul3A_29, %get3A_28 : f32
      %mul3A_31 = arith.mulf %mul3A_30, %get3A_28 : f32
      %mul3A_32 = vector.broadcast %mul3A_31 : f32 to vector<32x32xf32>
      %mul3A_33 = arith.mulf %mul3A_32, %dot_general3A_25 : vector<32x32xf32>
      %swap3A_34 = arith.constant 0 : index
      %swap3A_35 = arith.constant 0 : index
      %swap3A_36 = vector.load %arg6[%swap3A_34, %swap3A_35] : memref<32x32xf32, #tpu.memory_space<vmem>>, vector<32x32xf32>
      tpu.vector_store %arg6[%swap3A_34, %swap3A_35], %mul3A_33 {strides = array<i32>} : memref<32x32xf32, #tpu.memory_space<vmem>>, vector<32x32xf32>,
    } else {
    }
    %get3A = arith.constant 0 : index
    %get3A_4 = arith.constant 0 : index
    %get3A_5 = arith.constant 0 : index
    %get3A_6 = vector.load %arg4[%get3A, %get3A_4, %get3A_5] : memref<32x256x128xf32, #tpu.memory_space<vmem>>, vector<32x256x128xf32>
    %reshape3A = vector.shape_cast %get3A_6 : vector<32x256x128xf32> to vector<32x32768xf32>
    %get3A_7 = arith.constant 0 : index
    %get3A_8 = arith.constant 0 : index
    %get3A_9 = vector.load %arg6[%get3A_7, %get3A_8] : memref<32x32xf32, #tpu.memory_space<vmem>>, vector<32x32xf32>
    %dot_general3A = arith.constant dense<0.000000e+00> : vector<32x32768xf32>
    %dot_general3A_10 = tpu.matmul %get3A_9, %reshape3A, %dot_general3A {dimension_numbers = #tpu.dot_dimension_numbers<[0], [0], [1], [1], [0, 1, 1, 1], [], []>, transpose_lhs_hint = false} : vector<32x32xf32>, vector<32x32768xf32>, vector<32x32768xf32> -> vector<32x32768xf32>
    %reshape3A_11 = vector.shape_cast %dot_general3A_10 : vector<32x32768xf32> to vector<32x256x128xf32>
    %swap3A = arith.constant 0 : index
    %swap3A_12 = arith.constant 0 : index
    %swap3A_13 = arith.constant 0 : index
    %swap3A_14 = vector.load %arg5[%swap3A, %swap3A_12, %swap3A_13] : memref<32x256x128xf32, #tpu.memory_space<vmem>>, vector<32x256x128xf32>
    tpu.vector_store %arg5[%swap3A, %swap3A_12, %swap3A_13], %reshape3A_11 {strides = array<i32>} : memref<32x256x128xf32, #tpu.memory_space<vmem>>, vector<32x256x128xf32>,
    return
  }
  func.func @transform_0(%arg0: i32, %arg1: i32) -> (i32, i32) {
    %c0_i32 = arith.constant 0 : i32
    %c0_i32_0 = arith.constant 0 : i32
    %c0_i32_1 = arith.constant 0 : i32
    return %c0_i32, %c0_i32_0 : i32, i32
  }
  func.func @transform_1(%arg0: i32, %arg1: i32) -> (i32, i32) {
    %c0_i32 = arith.constant 0 : i32
    %c0_i32_0 = arith.constant 0 : i32
    %c0_i32_1 = arith.constant 0 : i32
    return %c0_i32, %c0_i32_0 : i32, i32
  }
  func.func @transform_2(%arg0: i32, %arg1: i32) -> (i32, i32, i32) {
    %c0_i32 = arith.constant 0 : i32
    %c0_i32_0 = arith.constant 0 : i32
    return %arg0, %arg1, %c0_i32 : i32, i32, i32
  }
  func.func @transform_3(%arg0: i32, %arg1: i32) -> (i32, i32, i32) {
    %c0_i32 = arith.constant 0 : i32
    %c0_i32_0 = arith.constant 0 : i32
    return %arg0, %arg1, %c0_i32 : i32, i32, i32
  }
}

</mosaic_0001>

<sc_bundles>
// kernel: kernel.4.cloned.1.call-start
scs
__scs_entry_jumppad:
0x0: {  	(pc) =	sbr.rel $0x88, $3  }
0x1: {  	(tag) =	ssettag $0x0;
	lr =	simm.s32 $0x1  }
0x2: {  	[smem:$0x3F9D] =	sst lr;
	_ =	strace $0xD0000000  }
0x3: {  	_ = 	snop  }
0x4: {  	_ = 	snop  }
0x5: {  	_ = 	snop  }
0x6: {  	_ = 	snop  }
0x7: {  	_ = 	snop  }
__scs_overlays_trampoline_lowered:
0x8: {  	[smem:$0x3FAC] =	sst s0  }
0x9: {  	[smem:$0x3FAD] =	sst s1  }
0xa: {  	[smem:$0x3FAE] =	sst s2  }
0xb: {  	[smem:$0x3FAF] =	sst s3  }
0xc: {  	[smem:$0x3FB0] =	sst s4  }
0xd: {  	[smem:$0x3FB1] =	sst s5  }
0xe: {  	[smem:$0x3FB2] =	sst s6  }
0xf: {  	[smem:$0x3FB3] =	sst s7  }
0x10: {  	[smem:$0x3FB4] =	sst s8  }
0x11: {  	[smem:$0x3FB5] =	sst s9;
	s0 =	simm.s32 @!p0 $0x0  }
0x12: {  	s1 =	sld [smem:$0x3F9B];
	s0 =	simm.s32 @p0 $0x1  }
0x13: {  	[smem:$0x3FB6] =	sst s0;
	s0 =	simm.s32 @!p1 $0x0  }
0x14: {  	s2 =	sld [smem:$0x3F9A];
	s0 =	simm.s32 @p1 $0x1  }
0x15: {  	[smem:$0x3FB7] =	sst s0;
	s0 =	simm.s32 @!p2 $0x0  }
0x16: {  	s3 =	sld [smem:$0x3FDB];
	s0 =	simm.s32 @p2 $0x1  }
0x17: {  	s4 =	simm.s32 $0x1BF5;
	[smem:$0x3FB9] =	sst s0  }
0x18: {  	s0 =	sld [smem:$0x3F9C];
	_ =	swait.ge [sflag:s4], $0x0  }
0x19: {  	s7 =	sld [smem:$0x3F9D]  }
0x1a: {  	s8 =	sadd.s32 $0xFFFFE003, lr  }
0x1b: {  	s9 =	sadd.s32 $0xFFFFFEF7, lr;
	s5 =	simm.s32 $0xFFFFFFFF;
	p2 =	slt.u32 s8, $0xFFFFF086  }
0x1c: {  	p1 =	slt.u32 s9, $0xF7A;
	s5 =	simm.s32 @!p2 $0x0  }
0x1d: {  	s5 =	simm.s32 @p1 $0x1;
	p0 =	seq.s32 s7, s2  }
0x1e: {  	s7 =	smul.u32 @!p0 $0xF7A, s2;
	p2 =	seq.s32 @!p0 s5, $0x0  }
0x1f: {  	s9 =	smul.u32 $0xF7A, s1;
	s8 =	simm.s32 @!p0 $0x1BF5;
	p2 =	por !p2, p0  }
0x20: {  	[sflag:s8] =	ssyncset.s32 @!p0 $0xFFFFF086;
	s6 =	sadd.s32 @!p0 s3, s7;
	s7 =	simm.s32 @!p0 $0x108  }
0x21: {  	s3 =	sadd.s32 s3, s9;
	s6 =	sadd.s32 @!p0 $0x88, s6;
	s7 =	simm.s32 @p2 $0x1082  }
0x22: {  	[simem:s7], [sflag:s8] =	dma.local @!p0 [hbm:s6], $0xF7A  }
0x23: {  	s9 =	sor.u32 $0xD0000000, s2;
	s6 =	simm.s32 $0x108;
	_ =	swait.ge @!p0 [sflag:s8], $0x0  }
0x24: {  	s3 =	sadd.s32 $0x88, s3;
	s6 =	simm.s32 @!p1 $0x1082;
	[sflag:s4] =	ssyncset.s32 $0xFFFFF086  }
0x25: {  	[simem:s6], [sflag:s4] =	dma.local [hbm:s3], $0xF7A  }
0x26: {  	[smem:$0x3F9D] =	sst s1;
	(tag) =	ssettag s2;
	_ =	strace s9  }
0x27: {  	s1 =	sld [smem:$0x3FAD]  }
0x28: {  	s2 =	sld [smem:$0x3FAE]  }
0x29: {  	s4 =	sld [smem:$0x3FB0]  }
0x2a: {  	p0 =	seq.s32 s5, $0x0;
	s5 =	sld [smem:$0x3FB1]  }
0x2b: {  	s6 =	sld [smem:$0x3FB2]  }
0x2c: {  	s7 =	sld [smem:$0x3FB3]  }
0x2d: {  	s3 =	simm.s32 $0x108;
	s8 =	sld [smem:$0x3FB4]  }
0x2e: {  	s3 =	simm.s32 @!p0 $0x1082;
	s9 =	sld [smem:$0x3FB5]  }
0x2f: {  	lr =	sadd.s32 s0, s3;
	s0 =	sld [smem:$0x3FAC]  }
0x30: {  	s3 =	sld [smem:$0x3FAF]  }
0x31: {  	[smem:$0x3FB8] =	sst s10  }
0x32: {  	s10 =	sld [smem:$0x3FB6];
	_ =	sdelay $0x3  }
0x33: {  	p0 =	seq.s32 s10, $0x1;
	s10 =	sld [smem:$0x3FB8];
	_ =	sdelay $0x3  }
0x34: {  	[smem:$0x3FB8] =	sst s10  }
0x35: {  	s10 =	sld [smem:$0x3FB7];
	_ =	sdelay $0x3  }
0x36: {  	p1 =	seq.s32 s10, $0x1;
	s10 =	sld [smem:$0x3FB8];
	_ =	sdelay $0x3  }
0x37: {  	[smem:$0x3FB8] =	sst s10  }
0x38: {  	s10 =	sld [smem:$0x3FB9]  }
0x39: {  	_ = 	snop;
	(pc) =	sbr.ind lr, $3  }
0x3a: {  	_ = 	snop  }
0x3b: {  	_ = 	snop  }
0x3c: {  	p2 =	seq.s32 s10, $0x1;
	s10 =	sld [smem:$0x3FB8]  }
0x3d: {  	_ =	shalt  }
0x3e: {  	_ =	shalt  }
0x3f: {  	_ =	shalt  }
0x40: {  	_ =	shalt  }
0x41: {  	_ =	shalt  }
0x42: {  	_ =	shalt  }
0x43: {  	_ =	shalt  }
0x44: {  	_ =	shalt  }
0x45: {  	_ =	shalt  }
0x46: {  	_ =	shalt  }
0x47: {  	_ =	shalt  }
0x48: {  	_ =	shalt  }
0x49: {  	_ =	shalt  }
0x4a: {  	_ =	shalt  }
0x4b: {  	_ =	shalt  }
0x4c: {  	_ =	shalt  }
0x4d: {  	_ =	shalt  }
0x4e: {  	_ =	shalt  }
0x4f: {  	_ =	shalt  }
0x50: {  	_ =	shalt  }
0x51: {  	_ =	shalt  }
0x52: {  	_ =	shalt  }
0x53: {  	_ =	shalt  }
0x54: {  	_ =	shalt  }
0x55: {  	_ =	shalt  }
0x56: {  	_ =	shalt  }
0x57: {  	_ =	shalt  }
0x58: {  	_ =	shalt  }
0x59: {  	_ =	shalt  }
0x5a: {  	_ =	shalt  }
0x5b: {  	_ =	shalt  }
0x5c: {  	_ =	shalt  }
0x5d: {  	_ =	shalt  }
0x5e: {  	_ =	shalt  }
0x5f: {  	_ =	shalt  }
0x60: {  	_ =	shalt  }
0x61: {  	_ =	shalt  }
0x62: {  	_ =	shalt  }
0x63: {  	_ =	shalt  }
0x64: {  	_ =	shalt  }
0x65: {  	_ =	shalt  }
0x66: {  	_ =	shalt  }
0x67: {  	_ =	shalt  }
0x68: {  	_ =	shalt  }
0x69: {  	_ =	shalt  }
0x6a: {  	_ =	shalt  }
0x6b: {  	_ =	shalt  }
0x6c: {  	_ =	shalt  }
0x6d: {  	_ =	shalt  }
0x6e: {  	_ =	shalt  }
0x6f: {  	_ =	shalt  }
0x70: {  	_ =	shalt  }
0x71: {  	_ =	shalt  }
0x72: {  	_ =	shalt  }
0x73: {  	_ =	shalt  }
0x74: {  	_ =	shalt  }
0x75: {  	_ =	shalt  }
0x76: {  	_ =	shalt  }
0x77: {  	_ =	shalt  }
0x78: {  	_ =	shalt  }
0x79: {  	_ =	shalt  }
0x7a: {  	_ =	shalt  }
0x7b: {  	_ =	shalt  }
0x7c: {  	_ =	shalt  }
0x7d: {  	_ =	shalt  }
0x7e: {  	_ =	shalt  }
0x7f: {  	_ =	shalt  }
0x80: {  	_ =	shalt  }
0x81: {  	_ =	shalt  }
0x82: {  	_ =	shalt  }
0x83: {  	_ =	shalt  }
0x84: {  	_ =	shalt  }
0x85: {  	_ =	shalt  }
0x86: {  	_ =	shalt  }
0x87: {  	_ =	shalt  }
.Lfunc_end0:
.L_simem_size_0:
called_computation_lowered:
.L_overlay_start_0:
0x88: {  	s2 =	sld [smem:$0x3FD9]  }
0x89: {  	s3 =	sld [smem:$0x3FFE];
	_ =	sdelay $0x1  }
0x8a: {  	s1 =	srdreg.scid  }
0x8b: {  	s0 =	sand.u32 $0x1, s1  }
0x8c: {  	s17 =	sshll.u32 s0, $0xA;
	s2 =	sadd.s32 s3, s2  }
0x8d: {  	s2 =	sadd.s32 s2, s17  }
0x8e: {  	[smem:$0x3FC4] =	sst s2  }
0x8f: {  	_ = 	snop  }
0x90: {  	s2 =	sld [smem:$0x3FD0];
	(tm) =	ssettm $0x1  }
0x91: {  	s18 =	sld [smem:$0x3FFB];
	_ =	sdelay $0x3  }
0x92: {  	_ =	strace s18  }
0x93: {  	s3 =	sld [smem:$0x3FFC];
	_ =	sdelay $0x3  }
0x94: {  	_ =	strace s3  }
0x95: {  	s3 =	sld [smem:$0x3FFD];
	_ =	sdelay $0x3  }
0x96: {  	_ =	strace s3  }
0x97: {  	_ =	strace $0x8FFFFFFF  }
0x98: {  	s19 =	sld [smem:$0x3FDB];
	_ =	sdelay $0x1  }
0x99: {  	s4 =	simm.s32 $_scs_section_size  }
0x9a: {  	s5 =	simm.s32 $_size__tile_overlayer_lowered;
	s6 =	simm.s32 $_tile_overlayer_lowered  }
0x9b: {  	s22 =	simm.s32 $0x1BFF;
	s21 =	sshll.u32 s6, $0x1;
	s3 =	sadd.s32 s4, s19  }
0x9c: {  	s7 =	simm.s32 $0x0;
	s20 =	sshll.u32 s5, $0x1;
	s5 =	sadd.s32 s21, s3  }
0x9d: {  	[timem:s7], [sflag:s22] =	dma.local [hbm:s5], s20  }
0x9e: {  	_ =	swait.ge [sflag:s22], s20  }
0x9f: {  	s4 =	ssub.s32 $0x0, s20;
	[sflag:s22] =	ssyncset.done $0x0  }
0xa0: {  	[sflag:s22] =	ssyncadd.s32 s4;
	_ =	sdelay $0x1  }
0xa1: {  	s23 =	simm.s32 $0x1B8B  }
0xa2: {  	_ =	swait.ge [sflag:s23], $0x1  }
0xa3: {  	[sflag:s23] =	ssyncset.done $0x0  }
0xa4: {  	s25 =	simm.s32 $0x1B8E;
	s24 =	sld [smem:$0x3FFE];
	[sflag:s23] =	ssyncadd.s32 $0xFFFFFFFF  }
0xa5: {  	s26 =	simm.s32 $execute0_lowered;
	[smem:$0x3FD2] =	sst s25  }
0xa6: {  	s5 =	sshll.u32 s26, $0x1;
	_ =	strace $0x80000046;
	[dreg:$0x1] =	wrdreg $0xFFFFFFFF  }
0xa7: {  	s28 =	simm.s32 $_size_execute0_lowered;
	s3 =	sadd.s32 s3, s5;
	[dreg:$0x0] =	wrdreg $0x0  }
0xa8: {  	s5 =	sshll.u32 s28, $0x1;
	[dreg:$0x2] =	wrdreg s3  }
0xa9: {  	[dreg:$0x3] =	wrdreg s5  }
0xaa: {  	[dreg:$0x4] =	wrdreg $0xC0  }
0xab: {  	_ =	task [dreg:s7], $0x5FFFF  }
0xac: {  	[dreg:$0x1] =	wrdreg $0xFFFFFFFF  }
0xad: {  	[dreg:$0x0] =	wrdreg $0x60  }
0xae: {  	[dreg:$0x2] =	wrdreg s24  }
0xaf: {  	[dreg:$0x3] =	wrdreg s2  }
0xb0: {  	[dreg:$0x4] =	wrdreg $0x9  }
0xb1: {  	_ =	task.clear_ibuf [dreg:s7], $0x5FFFF;
	_ =	strace $0x90000046  }
0xb2: {  	s29 =	simm.s32 $0x9;
	_ =	strace $0x80000048  }
0xb3: {  	_ =	swait.ge [sflag:s29], $0x1  }
0xb4: {  	[sflag:s29] =	ssyncadd.s32 $0xFFFFFFFF  }
0xb5: {  	_ =	strace $0x90000048  }
0xb6: {  	_ =	sfence  }
0xb7: {  	s30 =	sld [smem:$0x0];
	_ =	sdelay $0x2  }
0xb8: {  	s31 =	sshll.u32 s1, $0xD;
	s1 =	sshrl.u32 s1, $0x2  }
0xb9: {  	s3 =	sand.u32 $0x4000, s31;
	s1 =	sadd.s32 s1, s30  }
0xba: {  	s0 =	sor.u32 s3, s0;
	s1 =	sshll.u32 s1, $0x11  }
0xbb: {  	s0 =	sor.u32 s1, s0  }
0xbc: {  	s0 =	sadd.s32 $0x8F2B, s0  }
0xbd: {  	[sflag:s0] =	ssyncadd.remote.s32 $0x1  }
0xbe: {  	_ =	sfence.sel $0xFFFF  }
0xbf: {  	[dreg:$0x0] =	wrdreg $0xFFFFFFFF;
	(pc) =	sbr.abs _section_cstart, $3  }
0xc0: {  	[dreg:$0x1] =	wrdreg $0xFFFFFFFF  }
0xc1: {  	_ =	task.clear_ibuf [dreg:s7], $0x2FFFF;
	_ =	strace $0x9FFFFFFF  }
0xc2: {  	(tm) =	ssettm $0x7FFFFFFF  }
0xc3: {  	_ =	shalt  }
tec
execute0_lowered:
.L_overlay_start_1:
0x0: {  	(tag) =	ssettag $0x1  }
0x1: {  	s0 =	srdreg.scid  }
0x2: {  	s3 =	sand.u32 $0x1, s0;
	s0 =	stileid.u32  }
0x3: {  	s5 =	sor.u32 s0, s3  }
0x4: {  	p0 =	sne.s32 s5, $0x0  }
.Ltmp0:
0x5: {  	_ = 	snop;
	(pc) =	sbr.rel @p0 .LBB2_3-.Ltmp0, $4  }
0x6: {  	_ = 	snop  }
0x7: {  	s4 =	rddreg [dreg:$0x0]  }
0x8: {  	s2 =	rddreg [dreg:$0x1]  }
0x9: {  	s1 =	rddreg [dreg:$0x2];
	_ =	strace $0x80000047  }
0xa: {  	s5 =	ssub.s32 $0x2, s3;
	s3 =	sadd.s32 $0x400, s4;
	s4 =	sadd.s32 $0x600, s4  }
0xb: {  	s7 =	simm.s32 $0x1;
	s8 =	simm.s32 $0x80;
	s6 =	sshrl.u32 s5, $0x1  }
0xc: {  	v0 =	vimm.f32 $0.0e+00;
	s9 =	simm.s32 $0x100;
	s5 =	ssub.s32 s5, s6;
	s6 =	simm.s32 $0x0  }
.LBB2_2:
0xd: {  	[tilespmem:s6], [sflag:$0x1] =	stream.linear.gather [hbm4b:s3+s6], $0x80, $0x38;
	[tilespmem:$0x1100] =	vst v63  }
0xe: {  	_ =	swait.ge [sflag:s7], $0x80  }
0xf: {  	[sflag:s7] =	ssyncset.done $0x0  }
0x10: {  	[sflag:s7] =	ssyncadd.s32 $0xFFFFFF80  }
0x11: {  	[tilespmem:s8], [sflag:$0x1] =	stream.linear.gather [hbm4b:s4+s6], $0x80, $0x38;
	[tilespmem:$0x1100] =	vst v63  }
0x12: {  	_ =	swait.ge [sflag:s7], $0x80  }
0x13: {  	[sflag:s7] =	ssyncset.done $0x0  }
0x14: {  	[sflag:s7] =	ssyncadd.s32 $0xFFFFFF80  }
0x15: {  	v1 =	vld [tilespmem:$0x80]  }
0x16: {  	v5 =	vld [tilespmem:$0x0]  }
0x17: {  	v10 =	vld [tilespmem:$0x20]  }
0x18: {  	v11 =	vld [tilespmem:$0x40]  }
0x19: {  	v9 =	vld [tilespmem:$0x60];
	_ =	sdelay $0x2  }
0x1a: {  	v2 =	vadd.f32 $0.0e+00, v1  }
0x1b: {  	vm0 =	veq.s32 v5, $0x0;
	v3 =	vbroadcast v1, $0x1;
	vm14 =	veq.s32 v10, $0x0  }
0x1c: {  	vm15 =	veq.s32 v11, $0x0;
	vm4 =	veq.s32 v9, $0x0;
	vm5 =	veq.s32 v5, $0x1  }
0x1d: {  	vm1 =	veq.s32 v10, $0x1;
	vm6 =	veq.s32 v5, $0x2;
	vm7 =	veq.s32 v10, $0x2  }
0x1e: {  	vm8 =	veq.s32 v11, $0x1;
	vm9 =	veq.s32 v11, $0x2;
	vm10 =	veq.s32 v9, $0x1  }
0x1f: {  	vm11 =	veq.s32 v9, $0x2;
	vm12 =	veq.s32 v5, $0x3;
	vm13 =	veq.s32 v10, $0x3  }
0x20: {  	v4 =	vbroadcast v2, $0x0;
	v2 =	vbroadcast v1, $0x2;
	v7 =	vnsel vm14, $0x0, v3  }
0x21: {  	v1 =	vbroadcast v1, $0x3;
	v12 =	vnsel vm1, $0x0, v3;
	v13 =	vnsel vm7, $0x0, v3  }
0x22: {  	v25 =	vnsel vm13, $0x0, v3;
	vm7 =	veq.s32 v10, $0x5;
	vm13 =	veq.s32 v10, $0x6  }
0x23: {  	vm14 =	veq.s32 v11, $0x3;
	v16 =	vnsel vm7, $0x0, v3;
	v34 =	vnsel vm13, $0x0, v3  }
0x24: {  	vm7 =	veq.s32 v10, $0x8;
	vm13 =	veq.s32 v10, $0x9;
	v6 =	vnsel vm0, $0x0, v4  }
0x25: {  	v19 =	vnsel vm15, $0x0, v2;
	v8 =	vnsel vm4, $0x0, v1;
	v20 =	vnsel vm5, $0x0, v4  }
0x26: {  	v21 =	vnsel vm6, $0x0, v4;
	v14 =	vnsel vm8, $0x0, v2;
	v22 =	vnsel vm9, $0x0, v2  }
0x27: {  	v15 =	vnsel vm10, $0x0, v1;
	v23 =	vnsel vm11, $0x0, v1;
	v24 =	vnsel vm12, $0x0, v4  }
0x28: {  	v26 =	vnsel vm14, $0x0, v2;
	vm15 =	veq.s32 v9, $0x3;
	vm4 =	veq.s32 v5, $0x4  }
0x29: {  	vm5 =	veq.s32 v10, $0x4;
	vm6 =	veq.s32 v5, $0x5;
	vm8 =	veq.s32 v11, $0x4  }
0x2a: {  	vm9 =	veq.s32 v11, $0x5;
	vm10 =	veq.s32 v9, $0x4;
	vm11 =	veq.s32 v9, $0x5  }
0x2b: {  	vm12 =	veq.s32 v5, $0x6;
	vm14 =	veq.s32 v11, $0x6;
	v43 =	vnsel vm13, $0x0, v3  }
0x2c: {  	vm13 =	veq.s32 v10, $0xC;
	v6 =	vadd.f32 v7, v6;
	v7 =	vadd.f32 v12, v20  }
0x2d: {  	v12 =	vadd.f32 v13, v21;
	v27 =	vnsel vm15, $0x0, v1;
	v28 =	vnsel vm4, $0x0, v4  }
0x2e: {  	v29 =	vnsel vm5, $0x0, v3;
	v30 =	vnsel vm6, $0x0, v4;
	v17 =	vnsel vm8, $0x0, v2  }
0x2f: {  	v31 =	vnsel vm9, $0x0, v2;
	v18 =	vnsel vm10, $0x0, v1;
	v32 =	vnsel vm11, $0x0, v1  }
0x30: {  	v33 =	vnsel vm12, $0x0, v4;
	v35 =	vnsel vm14, $0x0, v2;
	vm15 =	veq.s32 v9, $0x6  }
0x31: {  	vm4 =	veq.s32 v5, $0x7;
	vm5 =	veq.s32 v10, $0x7;
	vm6 =	veq.s32 v5, $0x8  }
0x32: {  	vm8 =	veq.s32 v11, $0x7;
	vm9 =	veq.s32 v11, $0x8;
	vm10 =	veq.s32 v9, $0x7  }
0x33: {  	vm11 =	veq.s32 v9, $0x8;
	vm12 =	veq.s32 v5, $0x9;
	vm14 =	veq.s32 v11, $0x9  }
0x34: {  	v54 =	vnsel vm13, $0x0, v3;
	vm13 =	veq.s32 v10, $0xF;
	v36 =	vnsel vm15, $0x0, v1  }
0x35: {  	v37 =	vnsel vm4, $0x0, v4;
	v38 =	vnsel vm5, $0x0, v3;
	v39 =	vnsel vm6, $0x0, v4  }
0x36: {  	v20 =	vnsel vm8, $0x0, v2;
	v40 =	vnsel vm9, $0x0, v2;
	v21 =	vnsel vm10, $0x0, v1  }
0x37: {  	v41 =	vnsel vm11, $0x0, v1;
	v42 =	vnsel vm12, $0x0, v4;
	v44 =	vnsel vm14, $0x0, v2  }
0x38: {  	vm15 =	veq.s32 v9, $0x9;
	vm4 =	veq.s32 v5, $0xA;
	vm5 =	veq.s32 v10, $0xA  }
0x39: {  	vm6 =	veq.s32 v5, $0xB;
	vm8 =	veq.s32 v11, $0xA;
	vm9 =	veq.s32 v11, $0xB  }
0x3a: {  	vm10 =	veq.s32 v9, $0xA;
	vm11 =	veq.s32 v9, $0xB;
	vm12 =	veq.s32 v5, $0xC  }
0x3b: {  	vm14 =	veq.s32 v11, $0xC;
	v6 =	vadd.f32 v19, v6;
	v7 =	vadd.f32 v14, v7  }
0x3c: {  	v12 =	vadd.f32 v22, v12;
	v19 =	vnsel vm7, $0x0, v3;
	v45 =	vnsel vm15, $0x0, v1  }
0x3d: {  	v46 =	vnsel vm4, $0x0, v4;
	v47 =	vnsel vm5, $0x0, v3;
	vm7 =	veq.s32 v10, $0xB  }
0x3e: {  	v48 =	vnsel vm6, $0x0, v4;
	v49 =	vnsel vm9, $0x0, v2;
	v50 =	vnsel vm10, $0x0, v1  }
0x3f: {  	v52 =	vnsel vm11, $0x0, v1;
	v53 =	vnsel vm12, $0x0, v4;
	v55 =	vnsel vm14, $0x0, v2  }
0x40: {  	vm15 =	veq.s32 v9, $0xC;
	vm4 =	veq.s32 v5, $0xD;
	vm5 =	veq.s32 v10, $0xD  }
0x41: {  	vm6 =	veq.s32 v5, $0xE;
	vm9 =	veq.s32 v11, $0xE;
	vm10 =	veq.s32 v9, $0xD  }
0x42: {  	vm11 =	veq.s32 v9, $0xE;
	vm12 =	veq.s32 v5, $0xF;
	vm14 =	veq.s32 v11, $0xF  }
0x43: {  	v22 =	vnsel vm7, $0x0, v3;
	v56 =	vnsel vm15, $0x0, v1;
	v57 =	vnsel vm4, $0x0, v4  }
0x44: {  	v58 =	vnsel vm5, $0x0, v3;
	vm7 =	veq.s32 v10, $0xE;
	v59 =	vnsel vm6, $0x0, v4  }
0x45: {  	v60 =	vnsel vm9, $0x0, v2;
	v61 =	vnsel vm10, $0x0, v1;
	v62 =	vnsel vm11, $0x0, v1  }
0x46: {  	v63 =	vnsel vm12, $0x0, v4;
	vm15 =	veq.s32 v9, $0xF;
	vm4 =	veq.s32 v5, $0x10  }
0x47: {  	vm5 =	veq.s32 v10, $0x10;
	vm6 =	veq.s32 v5, $0x11;
	vm9 =	veq.s32 v11, $0x11  }
0x48: {  	vm10 =	veq.s32 v9, $0x10;
	v14 =	vadd.f32 v8, v6;
	v13 =	vadd.f32 v15, v7  }
0x49: {  	vm11 =	veq.s32 v9, $0x11;
	v12 =	vadd.f32 v23, v12;
	v6 =	vadd.f32 v25, v24  }
0x4a: {  	vm12 =	veq.s32 v5, $0x12;
	v7 =	vadd.f32 v29, v28;
	v15 =	vadd.f32 v16, v30  }
0x4b: {  	v23 =	vnsel vm8, $0x0, v2;
	v25 =	vnsel vm7, $0x0, v3;
	vm7 =	veq.s32 v10, $0x11  }
0x4c: {  	vm8 =	veq.s32 v11, $0xD;
	v28 =	vnsel vm7, $0x0, v3;
	v6 =	vadd.f32 v26, v6  }
0x4d: {  	vm7 =	veq.s32 v10, $0x14;
	v7 =	vadd.f32 v17, v7;
	v15 =	vadd.f32 v31, v15  }
0x4e: {  	v26 =	vnsel vm8, $0x0, v2;
	v31 =	vnsel vm4, $0x0, v4;
	vm8 =	veq.s32 v11, $0x10  }
0x4f: {  	vm4 =	veq.s32 v5, $0x13;
	v17 =	vadd.f32 v27, v6;
	v16 =	vadd.f32 v18, v7  }
0x50: {  	v29 =	vnsel vm8, $0x0, v2;
	v15 =	vadd.f32 v32, v15;
	v6 =	vadd.f32 v34, v33  }
0x51: {  	vm8 =	veq.s32 v11, $0x13;
	v7 =	vadd.f32 v38, v37;
	v18 =	vadd.f32 v19, v39  }
0x52: {  	v32 =	vnsel vm5, $0x0, v3;
	v33 =	vnsel vm6, $0x0, v4;
	v34 =	vnsel vm9, $0x0, v2  }
0x53: {  	v37 =	vnsel vm12, $0x0, v4;
	vm5 =	veq.s32 v10, $0x13;
	v6 =	vadd.f32 v35, v6  }
0x54: {  	vm6 =	veq.s32 v5, $0x14;
	v7 =	vadd.f32 v20, v7;
	v18 =	vadd.f32 v40, v18  }
0x55: {  	vm9 =	veq.s32 v11, $0x14;
	vm12 =	veq.s32 v5, $0x15;
	v20 =	vadd.f32 v36, v6  }
0x56: {  	v35 =	vnsel vm10, $0x0, v1;
	v19 =	vadd.f32 v21, v7;
	v6 =	vadd.f32 v41, v18  }
0x57: {  	vm10 =	veq.s32 v9, $0x13;
	v7 =	vadd.f32 v47, v46;
	v21 =	vadd.f32 v22, v48  }
0x58: {  	v18 =	vnsel vm13, $0x0, v3;
	v22 =	vnsel vm15, $0x0, v1;
	v36 =	vnsel vm11, $0x0, v1  }
0x59: {  	vm13 =	veq.s32 v10, $0x12;
	vm15 =	veq.s32 v9, $0x12;
	v41 =	vnsel vm4, $0x0, v4  }
0x5a: {  	vm11 =	veq.s32 v9, $0x14;
	v47 =	vnsel vm12, $0x0, v4;
	vm4 =	veq.s32 v5, $0x16  }
0x5b: {  	vm12 =	veq.s32 v5, $0x18;
	v38 =	vnsel vm13, $0x0, v3;
	v40 =	vnsel vm15, $0x0, v1  }
0x5c: {  	v46 =	vnsel vm11, $0x0, v1;
	vm13 =	veq.s32 v10, $0x15;
	vm15 =	veq.s32 v9, $0x15  }
0x5d: {  	vm11 =	veq.s32 v9, $0x17;
	[tilespmem:$0x1FFD0] =	vst v6;
	v6 =	vadd.f32 v43, v42;
	v7 =	vadd.f32 v23, v7  }
0x5e: {  	v21 =	vadd.f32 v49, v21;
	v23 =	vadd.f32 v25, v59;
	v42 =	vnsel vm5, $0x0, v3  }
0x5f: {  	v43 =	vnsel vm6, $0x0, v4;
	v48 =	vnsel vm13, $0x0, v3;
	vm5 =	veq.s32 v10, $0x16  }
0x60: {  	vm6 =	veq.s32 v5, $0x17;
	v6 =	vadd.f32 v44, v6;
	v51 =	vadd.f32 v50, v7  }
0x61: {  	vm13 =	veq.s32 v10, $0x18;
	v7 =	vadd.f32 v58, v57;
	v23 =	vadd.f32 v60, v23  }
0x62: {  	v44 =	vnsel vm9, $0x0, v2;
	v50 =	vnsel vm15, $0x0, v1;
	vm9 =	veq.s32 v11, $0x17  }
0x63: {  	v57 =	vnsel vm12, $0x0, v4;
	v58 =	vnsel vm13, $0x0, v3;
	vm15 =	veq.s32 v5, $0x19  }
0x64: {  	vm12 =	veq.s32 v10, $0x1B;
	vm13 =	veq.s32 v9, $0x1A;
	v60 =	vnsel vm15, $0x0, v4  }
0x65: {  	vm15 =	veq.s32 v9, $0x1B;
	v24 =	vadd.f32 v45, v6;
	v6 =	vadd.f32 v52, v21  }
0x66: {  	v7 =	vadd.f32 v26, v7;
	v23 =	vadd.f32 v62, v23;
	v21 =	vnsel vm14, $0x0, v2  }
0x67: {  	v26 =	vadd.f32 v28, v33;
	vm14 =	veq.s32 v11, $0x12;
	v45 =	vnsel vm10, $0x0, v1  }
0x68: {  	[tilespmem:$0x1FFE0] =	vst v51;
	v51 =	vnsel vm4, $0x0, v4;
	v52 =	vnsel vm5, $0x0, v3;
	vm10 =	veq.s32 v9, $0x16  }
0x69: {  	vm4 =	veq.s32 v10, $0x19;
	vm5 =	veq.s32 v9, $0x18;
	v39 =	vnsel vm14, $0x0, v2  }
0x6a: {  	vm14 =	veq.s32 v11, $0x15;
	v62 =	vnsel vm5, $0x0, v1;
	[tilespmem:$0x1FFF0] =	vst v6;
	v6 =	vadd.f32 v54, v53  }
0x6b: {  	vm5 =	veq.s32 v10, $0x1C;
	v25 =	vadd.f32 v61, v7;
	v7 =	vadd.f32 v32, v31  }
0x6c: {  	v26 =	vadd.f32 v34, v26;
	v31 =	vnsel vm7, $0x0, v3;
	v32 =	vnsel vm8, $0x0, v2  }
0x6d: {  	v49 =	vnsel vm14, $0x0, v2;
	vm7 =	veq.s32 v10, $0x17;
	v53 =	vnsel vm6, $0x0, v4  }
0x6e: {  	vm8 =	veq.s32 v11, $0x16;
	v54 =	vnsel vm9, $0x0, v2;
	vm14 =	veq.s32 v11, $0x18  }
0x6f: {  	v61 =	vnsel vm4, $0x0, v3;
	vm6 =	veq.s32 v11, $0x19;
	vm9 =	veq.s32 v9, $0x19  }
0x70: {  	vm4 =	veq.s32 v5, $0x1C;
	v34 =	vnsel vm7, $0x0, v3;
	v59 =	vnsel vm14, $0x0, v2  }
0x71: {  	vm7 =	veq.s32 v5, $0x1A;
	v6 =	vadd.f32 v55, v6;
	v7 =	vadd.f32 v29, v7  }
0x72: {  	vm14 =	veq.s32 v11, $0x1B;
	v26 =	vadd.f32 v36, v26;
	v29 =	vadd.f32 v31, v43  }
0x73: {  	v55 =	vnsel vm10, $0x0, v1;
	v27 =	vadd.f32 v56, v6;
	v6 =	vadd.f32 v18, v63  }
0x74: {  	vm10 =	veq.s32 v11, $0x1A;
	v28 =	vadd.f32 v35, v7;
	v7 =	vadd.f32 v42, v41  }
0x75: {  	v29 =	vadd.f32 v44, v29;
	v35 =	vnsel vm8, $0x0, v2;
	v56 =	vnsel vm11, $0x0, v1  }
0x76: {  	v63 =	vnsel vm6, $0x0, v2;
	vm8 =	veq.s32 v10, $0x1A;
	v18 =	vnsel vm7, $0x0, v4  }
0x77: {  	vm11 =	veq.s32 v5, $0x1B;
	v41 =	vnsel vm13, $0x0, v1;
	v42 =	vnsel vm14, $0x0, v2  }
0x78: {  	vm6 =	veq.s32 v11, $0x1C;
	vm7 =	veq.s32 v9, $0x1C;
	vm13 =	veq.s32 v10, $0x1E  }
0x79: {  	vm14 =	veq.s32 v11, $0x1E;
	v43 =	vnsel vm6, $0x0, v2;
	v44 =	vnsel vm7, $0x0, v1  }
0x7a: {  	vm6 =	veq.s32 v11, $0x1F;
	v6 =	vadd.f32 v21, v6;
	v7 =	vadd.f32 v32, v7  }
0x7b: {  	vm7 =	veq.s32 v9, $0x1F;
	v29 =	vadd.f32 v46, v29;
	v32 =	vadd.f32 v34, v53  }
0x7c: {  	v8 =	vld [tilespmem:$0x10];
	v21 =	vnsel vm10, $0x0, v2;
	v30 =	vadd.f32 v22, v6;
	v6 =	vadd.f32 v38, v37  }
0x7d: {  	vm10 =	veq.s32 v11, $0x1D;
	v31 =	vadd.f32 v45, v7;
	v7 =	vadd.f32 v52, v51  }
0x7e: {  	v32 =	vadd.f32 v54, v32;
	v37 =	vnsel vm8, $0x0, v3;
	v22 =	vnsel vm11, $0x0, v4  }
0x7f: {  	vm8 =	veq.s32 v5, $0x1D;
	vm11 =	veq.s32 v9, $0x1D;
	v51 =	vnsel vm14, $0x0, v2  }
0x80: {  	v37 =	vadd.f32 v37, v18;
	v45 =	vnsel vm8, $0x0, v4;
	v6 =	vadd.f32 v39, v6  }
0x81: {  	vm8 =	veq.s32 v8, $0x0;
	v7 =	vadd.f32 v35, v7;
	v32 =	vadd.f32 v56, v32  }
0x82: {  	v39 =	vnsel vm9, $0x0, v1;
	vm9 =	veq.s32 v10, $0x1D;
	v56 =	vnsel vm7, $0x0, v1  }
0x83: {  	v46 =	vnsel vm9, $0x0, v3;
	v33 =	vadd.f32 v40, v6;
	v6 =	vadd.f32 v48, v47  }
0x84: {  	v34 =	vadd.f32 v55, v7;
	v7 =	vadd.f32 v61, v60;
	v40 =	vnsel vm12, $0x0, v3  }
0x85: {  	[tilespmem:$0x580] =	vst v0;
	v47 =	vnsel vm10, $0x0, v2;
	vm12 =	veq.s32 v5, $0x1E;
	v48 =	vnsel vm11, $0x0, v1  }
0x86: {  	[tilespmem:$0x580] =	vst v24;
	v55 =	vnsel vm6, $0x0, v2;
	v24 =	vadd.f32 v46, v45;
	v6 =	vadd.f32 v49, v6  }
0x87: {  	v7 =	vadd.f32 v63, v7;
	v49 =	vnsel vm12, $0x0, v4;
	vm12 =	veq.s32 v8, $0x1  }
0x88: {  	[tilespmem:$0x200] =	vst v0;
	v61 =	vnsel vm12, $0x0, v4;
	v36 =	vadd.f32 v50, v6;
	v6 =	vadd.f32 v58, v57  }
0x89: {  	[tilespmem:$0x280] =	vst v0;
	vm12 =	veq.s32 v8, $0x4;
	v35 =	vadd.f32 v39, v7;
	v7 =	vadd.f32 v40, v22  }
0x8a: {  	[tilespmem:$0x700] =	vst v0;
	v40 =	vnsel vm15, $0x0, v1;
	v50 =	vnsel vm13, $0x0, v3;
	vm15 =	veq.s32 v9, $0x1E  }
0x8b: {  	[tilespmem:$0x200] =	vst v12;
	v57 =	vnsel vm8, $0x0, v4;
	vm8 =	veq.s32 v8, $0x3;
	v12 =	vnsel vm12, $0x0, v4;
	v22 =	vld [tilespmem:$0x1FFD0]  }
0x8c: {  	[tilespmem:$0x280] =	vst v17;
	vm12 =	veq.s32 v8, $0x7;
	v52 =	vnsel vm15, $0x0, v1;
	v17 =	vnsel vm8, $0x0, v4  }
0x8d: {  	[tilespmem:$0x700] =	vst v27;
	vm8 =	veq.s32 v8, $0x6;
	v27 =	vnsel vm12, $0x0, v4;
	v6 =	vadd.f32 v59, v6  }
0x8e: {  	[tilespmem:$0x100] =	vst v0;
	vm12 =	veq.s32 v8, $0xA;
	v39 =	vadd.f32 v42, v7;
	v42 =	vnsel vm5, $0x0, v3;
	v7 =	vld [tilespmem:$0x30]  }
0x8f: {  	[tilespmem:$0x500] =	vst v0;
	vm5 =	veq.s32 v10, $0x1F;
	v38 =	vadd.f32 v62, v6;
	v6 =	vadd.f32 v21, v37  }
0x90: {  	v54 =	vnsel vm5, $0x0, v3;
	v39 =	vadd.f32 v40, v39;
	[tilespmem:$0x500] =	vst v22;
	v22 =	vadd.f32 v47, v24  }
0x91: {  	[tilespmem:$0x880] =	vst v0;
	v47 =	vnsel vm8, $0x0, v4;
	vm8 =	veq.s32 v8, $0x9;
	v37 =	vadd.f32 v41, v6  }
0x92: {  	[tilespmem:$0x880] =	vst v30;
	v41 =	vnsel vm4, $0x0, v4;
	vm4 =	veq.s32 v5, $0x1F;
	v30 =	vnsel vm8, $0x0, v4  }
0x93: {  	[tilespmem:$0x180] =	vst v0;
	vm8 =	veq.s32 v8, $0xC;
	v53 =	vnsel vm4, $0x0, v4;
	vm9 =	veq.s32 v7, $0x0  }
0x94: {  	[tilespmem:$0xA80] =	vst v0;
	vm13 =	veq.s32 v7, $0x1;
	vm4 =	veq.s32 v8, $0x2;
	vm5 =	veq.s32 v7, $0x2  }
0x95: {  	[tilespmem:$0xA80] =	vst v31;
	v41 =	vadd.f32 v42, v41;
	v31 =	vnsel vm8, $0x0, v4;
	vm8 =	veq.s32 v8, $0xF  }
0x96: {  	[tilespmem:$0x100] =	vst v14;
	v58 =	vnsel vm9, $0x0, v3;
	v62 =	vnsel vm13, $0x0, v3;
	v14 =	vnsel vm4, $0x0, v4  }
0x97: {  	[tilespmem:$0x400] =	vst v0;
	v10 =	vnsel vm5, $0x0, v3;
	vm9 =	veq.s32 v7, $0x3;
	vm13 =	veq.s32 v7, $0x4  }
0x98: {  	[tilespmem:$0x180] =	vst v13;
	vm4 =	veq.s32 v8, $0x5;
	vm5 =	veq.s32 v7, $0x5;
	v54 =	vadd.f32 v54, v53  }
0x99: {  	[tilespmem:$0x400] =	vst v20;
	v13 =	vnsel vm9, $0x0, v3;
	v20 =	vnsel vm13, $0x0, v3;
	v40 =	vnsel vm4, $0x0, v4  }
0x9a: {  	[tilespmem:$0x780] =	vst v0;
	v6 =	vld [tilespmem:$0x50];
	v42 =	vnsel vm5, $0x0, v3;
	v41 =	vadd.f32 v43, v41;
	vm9 =	veq.s32 v7, $0x6  }
0x9b: {  	[tilespmem:$0x800] =	vst v0;
	v5 =	vld [tilespmem:$0x70];
	vm13 =	veq.s32 v7, $0x7;
	vm4 =	veq.s32 v8, $0x8;
	v58 =	vadd.f32 v58, v57  }
0x9c: {  	[tilespmem:$0x800] =	vst v23;
	vm5 =	veq.s32 v7, $0x8;
	v62 =	vadd.f32 v62, v61;
	v10 =	vadd.f32 v10, v14  }
0x9d: {  	[tilespmem:$0x780] =	vst v25;
	v25 =	vadd.f32 v55, v54;
	v23 =	vnsel vm4, $0x0, v4;
	v53 =	vnsel vm5, $0x0, v3  }
0x9e: {  	v13 =	vadd.f32 v13, v17;
	v17 =	vnsel vm12, $0x0, v4;
	vm4 =	veq.s32 v8, $0xB  }
0x9f: {  	vm5 =	veq.s32 v7, $0xB;
	v12 =	vadd.f32 v20, v12;
	v42 =	vadd.f32 v42, v40  }
0xa0: {  	vm12 =	veq.s32 v8, $0xD;
	vm10 =	veq.s32 v6, $0x0;
	vm11 =	veq.s32 v5, $0x0  }
0xa1: {  	vm14 =	veq.s32 v6, $0x1;
	vm15 =	veq.s32 v5, $0x1;
	vm6 =	veq.s32 v6, $0x2  }
0xa2: {  	[tilespmem:$0x300] =	vst v0;
	vm7 =	veq.s32 v5, $0x2;
	v20 =	vnsel vm5, $0x0, v3;
	vm5 =	veq.s32 v7, $0xE  }
0xa3: {  	[tilespmem:$0x380] =	vst v0;
	v23 =	vadd.f32 v53, v23;
	v59 =	vnsel vm10, $0x0, v2;
	v60 =	vnsel vm11, $0x0, v1  }
0xa4: {  	[tilespmem:$0x480] =	vst v0;
	v63 =	vnsel vm14, $0x0, v2;
	v9 =	vnsel vm15, $0x0, v1;
	v11 =	vnsel vm6, $0x0, v2  }
0xa5: {  	[tilespmem:$0x600] =	vst v0;
	v18 =	vnsel vm7, $0x0, v1;
	vm10 =	veq.s32 v6, $0x3;
	vm11 =	veq.s32 v5, $0x3  }
0xa6: {  	[tilespmem:$0x300] =	vst v16;
	vm14 =	veq.s32 v6, $0x4;
	vm15 =	veq.s32 v5, $0x4;
	vm6 =	veq.s32 v6, $0x5  }
0xa7: {  	[tilespmem:$0x380] =	vst v15;
	v43 =	vld [tilespmem:$0x1FFE0];
	vm7 =	veq.s32 v5, $0x5;
	v16 =	vnsel vm10, $0x0, v2;
	v15 =	vnsel vm11, $0x0, v1  }
0xa8: {  	[tilespmem:$0x480] =	vst v19;
	v19 =	vnsel vm14, $0x0, v2;
	v21 =	vnsel vm15, $0x0, v1;
	v45 =	vnsel vm6, $0x0, v2  }
0xa9: {  	[tilespmem:$0x680] =	vst v0;
	v46 =	vnsel vm7, $0x0, v1;
	vm10 =	veq.s32 v6, $0x6;
	vm11 =	veq.s32 v5, $0x6  }
0xaa: {  	[tilespmem:$0x900] =	vst v0;
	vm14 =	veq.s32 v6, $0x7;
	vm15 =	veq.s32 v5, $0x7;
	vm6 =	veq.s32 v6, $0x8  }
0xab: {  	[tilespmem:$0x980] =	vst v0;
	vm7 =	veq.s32 v5, $0x8;
	v63 =	vadd.f32 v63, v62;
	v10 =	vadd.f32 v11, v10  }
0xac: {  	[tilespmem:$0x600] =	vst v43;
	v43 =	vadd.f32 v44, v41;
	v44 =	vnsel vm9, $0x0, v3;
	v54 =	vnsel vm6, $0x0, v2  }
0xad: {  	[tilespmem:$0xA00] =	vst v0;
	v55 =	vnsel vm7, $0x0, v1;
	vm9 =	veq.s32 v7, $0x9;
	v13 =	vadd.f32 v16, v13  }
0xae: {  	[tilespmem:$0x900] =	vst v28;
	vm6 =	veq.s32 v6, $0xB;
	v12 =	vadd.f32 v19, v12;
	v28 =	vadd.f32 v45, v42  }
0xaf: {  	[tilespmem:$0xB00] =	vst v0;
	vm7 =	veq.s32 v5, $0xB;
	v9 =	vadd.f32 v9, v63;
	v10 =	vadd.f32 v18, v10  }
0xb0: {  	[tilespmem:$0xB00] =	vst v29;
	v29 =	vnsel vm6, $0x0, v2;
	v19 =	vnsel vm7, $0x0, v1;
	v57 =	vadd.f32 v44, v47  }
0xb1: {  	[tilespmem:$0xB80] =	vst v0;
	v63 =	vnsel vm5, $0x0, v3;
	vm6 =	veq.s32 v6, $0xE;
	vm7 =	veq.s32 v5, $0xE  }
0xb2: {  	[tilespmem:$0xC00] =	vst v0;
	v23 =	vadd.f32 v54, v23;
	vm5 =	veq.s32 v7, $0x11;
	v13 =	vadd.f32 v15, v13  }
0xb3: {  	[tilespmem:$0xE80] =	vst v0;
	v15 =	vnsel vm4, $0x0, v4;
	v12 =	vadd.f32 v21, v12;
	v28 =	vadd.f32 v46, v28  }
0xb4: {  	[tilespmem:$0xE80] =	vst v39;
	vm4 =	veq.s32 v8, $0xE;
	v39 =	vnsel vm6, $0x0, v2;
	v44 =	vnsel vm7, $0x0, v1  }
0xb5: {  	[tilespmem:$0xC80] =	vst v0;
	v41 =	vld [tilespmem:$0x1FFF0];
	v46 =	vnsel vm8, $0x0, v4;
	vm6 =	veq.s32 v6, $0x11;
	vm7 =	veq.s32 v5, $0x11  }
0xb6: {  	[tilespmem:$0xD00] =	vst v0;
	vm8 =	veq.s32 v8, $0x12;
	v62 =	vnsel vm4, $0x0, v4;
	v23 =	vadd.f32 v55, v23  }
0xb7: {  	[tilespmem:$0xD80] =	vst v0;
	v15 =	vadd.f32 v20, v15;
	vm4 =	veq.s32 v8, $0x11;
	v55 =	vnsel vm5, $0x0, v3  }
0xb8: {  	[tilespmem:$0xF00] =	vst v0;
	vm5 =	veq.s32 v7, $0x14;
	v54 =	vnsel vm4, $0x0, v4;
	v62 =	vadd.f32 v63, v62  }
0xb9: {  	[tilespmem:$0xF00] =	vst v43;
	vm4 =	veq.s32 v8, $0x14;
	v43 =	vnsel vm5, $0x0, v3;
	vm5 =	veq.s32 v7, $0x17  }
0xba: {  	[tilespmem:$0x680] =	vst v41;
	v41 =	vadd.f32 v48, v22;
	v48 =	vnsel vm10, $0x0, v2;
	v22 =	vadd.f32 v50, v49  }
0xbb: {  	[tilespmem:$0xE00] =	vst v0;
	v49 =	vnsel vm11, $0x0, v1;
	v50 =	vnsel vm13, $0x0, v3;
	vm10 =	veq.s32 v6, $0x9  }
0xbc: {  	[tilespmem:$0xF80] =	vst v0;
	vm11 =	veq.s32 v5, $0x9;
	vm13 =	veq.s32 v7, $0xA;
	v15 =	vadd.f32 v29, v15  }
0xbd: {  	[tilespmem:$0x980] =	vst v26;
	v42 =	vnsel vm4, $0x0, v4;
	vm4 =	veq.s32 v8, $0x17;
	v26 =	vnsel vm10, $0x0, v2  }
0xbe: {  	[tilespmem:$0x1000] =	vst v0;
	v14 =	vnsel vm11, $0x0, v1;
	v11 =	vnsel vm13, $0x0, v3;
	vm10 =	veq.s32 v6, $0xC  }
0xbf: {  	[tilespmem:$0x1080] =	vst v0;
	vm11 =	veq.s32 v5, $0xC;
	v27 =	vadd.f32 v50, v27;
	vm13 =	veq.s32 v7, $0xD  }
0xc0: {  	[tilespmem:$0xA00] =	vst v33;
	v33 =	vadd.f32 v48, v57;
	v57 =	vnsel vm6, $0x0, v2;
	vm6 =	veq.s32 v6, $0x14  }
0xc1: {  	[tilespmem:$0xC80] =	vst v32;
	v22 =	vadd.f32 v51, v22;
	v51 =	vnsel vm14, $0x0, v2;
	vm14 =	veq.s32 v6, $0xA  }
0xc2: {  	[tilespmem:$0xC00] =	vst v34;
	v32 =	vnsel vm10, $0x0, v2;
	v34 =	vnsel vm11, $0x0, v1;
	vm10 =	veq.s32 v6, $0xF  }
0xc3: {  	[tilespmem:$0x110] =	vst v0;
	vm11 =	veq.s32 v5, $0xF;
	v11 =	vadd.f32 v11, v17;
	v15 =	vadd.f32 v19, v15  }
0xc4: {  	[tilespmem:$0x190] =	vst v0;
	v19 =	vadd.f32 v55, v54;
	v17 =	vadd.f32 v43, v42;
	v16 =	vnsel vm14, $0x0, v2  }
0xc5: {  	[tilespmem:$0x210] =	vst v0;
	vm14 =	veq.s32 v6, $0xD;
	v27 =	vadd.f32 v51, v27;
	v33 =	vadd.f32 v49, v33  }
0xc6: {  	[tilespmem:$0x290] =	vst v0;
	v48 =	vnsel vm10, $0x0, v2;
	v49 =	vnsel vm11, $0x0, v1;
	vm10 =	veq.s32 v6, $0x12  }
0xc7: {  	[tilespmem:$0x310] =	vst v0;
	vm11 =	veq.s32 v5, $0x12;
	v24 =	vadd.f32 v52, v22;
	v52 =	vnsel vm15, $0x0, v1  }
0xc8: {  	[tilespmem:$0x390] =	vst v0;
	v22 =	vadd.f32 v56, v25;
	v25 =	vadd.f32 v59, v58;
	v56 =	vnsel vm9, $0x0, v3  }
0xc9: {  	[tilespmem:$0x410] =	vst v0;
	vm15 =	veq.s32 v5, $0xA;
	vm9 =	veq.s32 v7, $0xC;
	v58 =	vnsel vm12, $0x0, v4  }
0xca: {  	[tilespmem:$0x490] =	vst v0;
	v59 =	vnsel vm13, $0x0, v3;
	vm12 =	veq.s32 v8, $0x10;
	vm13 =	veq.s32 v7, $0x10  }
0xcb: {  	[tilespmem:$0x510] =	vst v0;
	v11 =	vadd.f32 v16, v11;
	v63 =	vnsel vm11, $0x0, v1;
	v19 =	vadd.f32 v57, v19  }
0xcc: {  	[tilespmem:$0x590] =	vst v0;
	vm11 =	veq.s32 v5, $0x15;
	v57 =	vnsel vm5, $0x0, v3;
	vm5 =	veq.s32 v7, $0x1A  }
0xcd: {  	[tilespmem:$0x610] =	vst v0;
	v18 =	vnsel vm15, $0x0, v1;
	v21 =	vnsel vm9, $0x0, v3;
	vm15 =	veq.s32 v5, $0xD  }
0xce: {  	[tilespmem:$0x690] =	vst v0;
	v27 =	vadd.f32 v52, v27;
	v30 =	vadd.f32 v56, v30;
	vm9 =	veq.s32 v7, $0xF  }
0xcf: {  	[tilespmem:$0x710] =	vst v0;
	v50 =	vnsel vm12, $0x0, v4;
	v51 =	vnsel vm13, $0x0, v3;
	v56 =	vadd.f32 v59, v58  }
0xd0: {  	[tilespmem:$0x790] =	vst v0;
	v58 =	vnsel vm7, $0x0, v1;
	v59 =	vnsel vm8, $0x0, v4;
	vm12 =	veq.s32 v8, $0x13  }
0xd1: {  	[tilespmem:$0x810] =	vst v0;
	vm13 =	veq.s32 v7, $0x13;
	vm7 =	veq.s32 v5, $0x14;
	vm8 =	veq.s32 v8, $0x15  }
0xd2: {  	[tilespmem:$0x890] =	vst v0;
	v25 =	vadd.f32 v60, v25;
	v60 =	vnsel vm14, $0x0, v2;
	v61 =	vnsel vm15, $0x0, v1  }
0xd3: {  	[tilespmem:$0x910] =	vst v0;
	v47 =	vnsel vm9, $0x0, v3;
	vm14 =	veq.s32 v6, $0x10;
	vm15 =	veq.s32 v5, $0x10  }
0xd4: {  	[tilespmem:$0xD00] =	vst v38;
	v11 =	vadd.f32 v18, v11;
	v21 =	vadd.f32 v21, v31;
	vm9 =	veq.s32 v7, $0x12  }
0xd5: {  	[tilespmem:$0xE00] =	vst v37;
	v37 =	vnsel vm12, $0x0, v4;
	v38 =	vnsel vm13, $0x0, v3;
	v16 =	vadd.f32 v51, v50  }
0xd6: {  	[tilespmem:$0x990] =	vst v0;
	v45 =	vnsel vm7, $0x0, v1;
	v50 =	vnsel vm11, $0x0, v1;
	vm12 =	veq.s32 v8, $0x16  }
0xd7: {  	[tilespmem:$0xA10] =	vst v0;
	vm13 =	veq.s32 v7, $0x16;
	vm7 =	veq.s32 v5, $0x17;
	vm11 =	veq.s32 v5, $0x18  }
0xd8: {  	[tilespmem:$0xB80] =	vst v36;
	v26 =	vadd.f32 v26, v30;
	v52 =	vnsel vm14, $0x0, v2;
	v53 =	vnsel vm15, $0x0, v1  }
0xd9: {  	[tilespmem:$0x190] =	vst v9;
	v9 =	vadd.f32 v60, v56;
	v60 =	vnsel vm9, $0x0, v3;
	v36 =	vadd.f32 v47, v46  }
0xda: {  	[tilespmem:$0xA90] =	vst v0;
	vm14 =	veq.s32 v6, $0x13;
	vm15 =	veq.s32 v5, $0x13;
	v46 =	vnsel vm8, $0x0, v4  }
0xdb: {  	[tilespmem:$0xB10] =	vst v0;
	vm9 =	veq.s32 v7, $0x15;
	v51 =	vadd.f32 v38, v37;
	v56 =	vnsel vm4, $0x0, v4  }
0xdc: {  	[tilespmem:$0x390] =	vst v28;
	vm8 =	veq.s32 v8, $0x18;
	v28 =	vnsel vm11, $0x0, v1;
	vm4 =	veq.s32 v8, $0x1A  }
0xdd: {  	[tilespmem:$0xB90] =	vst v0;
	v37 =	vnsel vm5, $0x0, v3;
	vm11 =	veq.s32 v5, $0x1B;
	vm5 =	veq.s32 v7, $0x1D  }
0xde: {  	[tilespmem:$0xC10] =	vst v0;
	v21 =	vadd.f32 v32, v21;
	v32 =	vadd.f32 v39, v62;
	v39 =	vnsel vm14, $0x0, v2  }
0xdf: {  	[tilespmem:$0xF80] =	vst v41;
	v41 =	vnsel vm15, $0x0, v1;
	v16 =	vadd.f32 v52, v16;
	v47 =	vnsel vm9, $0x0, v3  }
0xe0: {  	[tilespmem:$0x210] =	vst v10;
	v10 =	vadd.f32 v60, v59;
	v52 =	vnsel vm12, $0x0, v4;
	vm14 =	veq.s32 v6, $0x16  }
0xe1: {  	[tilespmem:$0xC90] =	vst v0;
	vm15 =	veq.s32 v5, $0x16;
	v60 =	vnsel vm7, $0x0, v1;
	vm9 =	veq.s32 v7, $0x18  }
0xe2: {  	[tilespmem:$0xD10] =	vst v0;
	vm12 =	veq.s32 v8, $0x19;
	v29 =	vadd.f32 v57, v56;
	vm7 =	veq.s32 v5, $0x1A  }
0xe3: {  	[tilespmem:$0xD90] =	vst v0;
	v14 =	vadd.f32 v14, v26;
	v9 =	vadd.f32 v61, v9;
	v61 =	vnsel vm10, $0x0, v2  }
0xe4: {  	[tilespmem:$0x310] =	vst v12;
	v12 =	vadd.f32 v48, v36;
	vm10 =	veq.s32 v6, $0x15;
	v48 =	vadd.f32 v58, v19  }
0xe5: {  	[tilespmem:$0x610] =	vst v11;
	v11 =	vadd.f32 v39, v51;
	v54 =	vnsel vm14, $0x0, v2;
	v55 =	vnsel vm15, $0x0, v1  }
0xe6: {  	[tilespmem:$0xE10] =	vst v0;
	v58 =	vadd.f32 v47, v46;
	v62 =	vnsel vm9, $0x0, v3;
	v30 =	vnsel vm12, $0x0, v4  }
0xe7: {  	[tilespmem:$0xE90] =	vst v0;
	vm14 =	veq.s32 v6, $0x19;
	vm15 =	veq.s32 v5, $0x19;
	v36 =	vnsel vm4, $0x0, v4  }
0xe8: {  	[tilespmem:$0xF10] =	vst v0;
	vm9 =	veq.s32 v7, $0x1B;
	vm12 =	veq.s32 v8, $0x1C;
	vm4 =	veq.s32 v8, $0x1D  }
0xe9: {  	[tilespmem:$0xF90] =	vst v0;
	v21 =	vadd.f32 v34, v21;
	v40 =	vadd.f32 v44, v32;
	v44 =	vnsel vm6, $0x0, v2  }
0xea: {  	[tilespmem:$0x1010] =	vst v0;
	v16 =	vadd.f32 v53, v16;
	v10 =	vadd.f32 v61, v10;
	v53 =	vnsel vm13, $0x0, v3  }
0xeb: {  	[tilespmem:$0x1090] =	vst v0;
	vm6 =	veq.s32 v6, $0x17;
	v61 =	vnsel vm8, $0x0, v4;
	vm13 =	veq.s32 v7, $0x19  }
0xec: {  	[tilespmem:$0x410] =	vst v33;
	v33 =	vnsel vm14, $0x0, v2;
	v34 =	vnsel vm15, $0x0, v1;
	vm8 =	veq.s32 v8, $0x1B  }
0xed: {  	[tilespmem:$0xD80] =	vst v35;
	v42 =	vnsel vm9, $0x0, v3;
	v47 =	vnsel vm12, $0x0, v4;
	vm14 =	veq.s32 v6, $0x1C  }
0xee: {  	[tilespmem:$0x290] =	vst v13;
	vm15 =	veq.s32 v5, $0x1C;
	vm9 =	veq.s32 v8, $0x1F;
	vm12 =	veq.s32 v6, $0x1E  }
0xef: {  	[tilespmem:$0x510] =	vst v23;
	v12 =	vadd.f32 v49, v12;
	v49 =	vnsel vm10, $0x0, v2;
	v11 =	vadd.f32 v41, v11  }
0xf0: {  	[tilespmem:$0x690] =	vst v15;
	v59 =	vnsel vm6, $0x0, v2;
	v17 =	vadd.f32 v44, v17;
	vm10 =	veq.s32 v6, $0x18  }
0xf1: {  	[tilespmem:$0x1000] =	vst v24;
	v13 =	vadd.f32 v53, v52;
	v31 =	vnsel vm13, $0x0, v3;
	v19 =	vadd.f32 v62, v61  }
0xf2: {  	[tilespmem:$0x590] =	vst v14;
	vm6 =	veq.s32 v6, $0x1A;
	v41 =	vnsel vm8, $0x0, v4;
	v14 =	vadd.f32 v37, v36  }
0xf3: {  	[tilespmem:$0x1080] =	vst v22;
	vm13 =	veq.s32 v7, $0x1C;
	v52 =	vnsel vm15, $0x0, v1;
	v53 =	vnsel vm4, $0x0, v4  }
0xf4: {  	[tilespmem:$0x490] =	vst v27;
	vm8 =	veq.s32 v8, $0x1E;
	v62 =	vnsel vm12, $0x0, v2;
	vm15 =	veq.s32 v5, $0x1F  }
0xf5: {  	[tilespmem:$0x790] =	vst v9;
	v10 =	vadd.f32 v63, v10;
	v9 =	vadd.f32 v49, v58;
	v63 =	vnsel vm10, $0x0, v2  }
0xf6: {  	[tilespmem:$0x110] =	vst v25;
	v32 =	vadd.f32 v59, v29;
	v38 =	vadd.f32 v31, v30;
	v39 =	vnsel vm6, $0x0, v2  }
0xf7: {  	[tilespmem:$0x810] =	vst v40;
	v40 =	vnsel vm7, $0x0, v1;
	vm10 =	veq.s32 v6, $0x1B;
	v46 =	vadd.f32 v42, v41  }
0xf8: {  	[tilespmem:$0x990] =	vst v48;
	v48 =	vnsel vm13, $0x0, v3;
	vm6 =	veq.s32 v6, $0x1D;
	vm7 =	veq.s32 v5, $0x1D  }
0xf9: {  	[tilespmem:$0x710] =	vst v21;
	v58 =	vnsel vm8, $0x0, v4;
	v4 =	vnsel vm9, $0x0, v4;
	v17 =	vadd.f32 v45, v17  }
0xfa: {  	vm13 =	veq.s32 v6, $0x1F;
	[tilespmem:$0x890] =	vst v12;
	v13 =	vadd.f32 v54, v13;
	v12 =	vadd.f32 v63, v19  }
0xfb: {  	[tilespmem:$0x910] =	vst v16;
	v44 =	vnsel vm10, $0x0, v2;
	v45 =	vnsel vm11, $0x0, v1;
	v14 =	vadd.f32 v39, v14  }
0xfc: {  	[tilespmem:$0xA90] =	vst v11;
	v15 =	vadd.f32 v48, v47;
	v54 =	vnsel vm5, $0x0, v3;
	v56 =	vnsel vm6, $0x0, v2  }
0xfd: {  	vm10 =	veq.s32 v7, $0x1E;
	v9 =	vadd.f32 v50, v9;
	[tilespmem:$0xA10] =	vst v10;
	v35 =	vadd.f32 v60, v32  }
0xfe: {  	vm11 =	veq.s32 v7, $0x1F;
	v11 =	vadd.f32 v33, v38;
	v49 =	vadd.f32 v44, v46;
	[tilespmem:$0xB10] =	vst v17  }
0xff: {  	v60 =	vnsel vm10, $0x0, v3;
	v13 =	vadd.f32 v55, v13;
	v12 =	vadd.f32 v28, v12;
	[tilespmem:$0xB90] =	vst v9  }
0x100: {  	v3 =	vnsel vm11, $0x0, v3;
	v51 =	vadd.f32 v40, v14;
	v55 =	vadd.f32 v54, v53;
	[tilespmem:$0xC90] =	vst v35  }
0x101: {  	v50 =	vnsel vm14, $0x0, v2;
	v61 =	vadd.f32 v60, v58;
	v3 =	vadd.f32 v3, v4;
	[tilespmem:$0xC10] =	vst v13  }
0x102: {  	v57 =	vnsel vm7, $0x0, v1;
	v43 =	vadd.f32 v34, v11;
	v11 =	vadd.f32 v50, v15;
	[tilespmem:$0xD10] =	vst v12  }
0x103: {  	v2 =	vnsel vm13, $0x0, v2;
	v10 =	vadd.f32 v45, v49;
	[tilespmem:$0xE10] =	vst v51;
	v9 =	vadd.f32 v56, v55  }
0x104: {  	vm14 =	veq.s32 v5, $0x1E;
	v4 =	vadd.f32 v62, v61;
	[tilespmem:$0xD90] =	vst v43;
	v59 =	vadd.f32 v52, v11  }
0x105: {  	v63 =	vnsel vm14, $0x0, v1;
	v2 =	vadd.f32 v2, v3;
	[tilespmem:$0xE90] =	vst v10;
	v9 =	vadd.f32 v57, v9  }
0x106: {  	v1 =	vnsel vm15, $0x0, v1;
	v3 =	vadd.f32 v63, v4;
	[tilespmem:$0xF10] =	vst v59  }
0x107: {  	v1 =	vadd.f32 v1, v2;
	[tilespmem:$0xF90] =	vst v9  }
0x108: {  	p0 =	sne.s32 s5, $0x1;
	[tilespmem:$0x1010] =	vst v3  }
.Ltmp1:
0x109: {  	[tilespmem:$0x1090] =	vst v1;
	(pc) =	sbr.rel @p0 .LBB2_2-.Ltmp1, $4  }
0x10a: {  	[hbm4b:s2+s6] =	stream.linear.scatter [tilespmem:s9], [sflag:$0x1], $0x1000, $0x38;
	[tilespmem:$0x1100] =	vst v63  }
0x10b: {  	_ =	swait.ge [sflag:s7], $0x1000  }
0x10c: {  	[sflag:s7] =	ssyncset.done $0x0  }
0x10d: {  	s5 =	sadd.s32 $0xFFFFFFFF, s5;
	[sflag:s7] =	ssyncadd.s32 $0xFFFFF000  }
.LBB2_3:
0x10e: {  	_ =	sfence.sel $0x180000  }
0x10f: {  	[bflag:$0x0] =	sbarrier.arrive $0xFFFF  }
0x110: {  	p0 =	sne.s32 s0, $0x0;
	_ =	strace $0x90000047  }
0x111: {  	s0 =	sadd.s32 @!p0 $0x100000, s1;
	[bflag:$0x2] =	sbarrier.arrive $0xFFFF  }
0x112: {  	[sflag:s0] =	ssyncadd.tile.s32 @!p0 $0x1;
	_ =	shalt  }
.Lfunc_end2:
_tile_overlayer_lowered:
.L_overlay_start_2:
0x113: {  	(tag) =	ssettag $0x2  }
0x114: {  	s0 =	rddreg [dreg:$0x0];
	s2 =	stileid.u32  }
0x115: {  	s1 =	rddreg [dreg:$0x1];
	p0 =	sne.s32 s2, $0x0  }
0x116: {  	s3 =	rddreg [dreg:$0x2];
	[bflag:$0x3] =	sbarrier.arrive $0xFFFF;
	s2 =	simm.s32 @!p0 $0x1C01  }
0x117: {  	[timem:s3], [sflag:s2] =	dma.local @!p0 [hbm:s0], s1  }
0x118: {  	s0 =	simm.s32 @!p0 $0x1  }
0x119: {  	_ =	swait.ge @!p0 [sflag:s0], s1  }
0x11a: {  	s1 =	ssub.s32 @!p0 $0x0, s1;
	[sflag:s0] =	ssyncset.done @!p0 $0x0  }
0x11b: {  	[sflag:s0] =	ssyncadd.s32 @!p0 s1  }
0x11c: {  	[bflag:$0x3] =	sbarrier.arrive $0xFFFF  }
0x11d: {  	_ =	shalt  }

</sc_bundles>
